<compile_context>
chip_gen: v7x
topology: tpu7x:2x2x1
jax: 0.10.2.dev20260603
libtpu: 0.0.44.dev20260713+nightly
codegen_flags: <defaults>
</compile_context>

<pallas_src>
import functools
import math

import jax
import jax.numpy as jnp
from jax import lax
from jax.experimental import pallas as pl
from jax.experimental.pallas import tpu as pltpu, tpu_sc as plsc

N, D, E = 10000, 128, 320000
BN_EPS = 1e-5

NS = 16
EPT = E // NS
CHUNK = 80
NCHUNK = EPT // CHUNK
NBUF = 4
NROUND = -(-(NCHUNK + 2) // NBUF)
STRIPE = 632
LAST_STRIPE = N - (NS - 1) * STRIPE


def _make_sc_aggregate():
    mesh = plsc.VectorSubcoreMesh(core_axis_name="c", subcore_axis_name="s")

    @functools.partial(
        pl.kernel,
        mesh=mesh,
        out_type=[
            jax.ShapeDtypeStruct((N, D), jnp.float32),
            jax.ShapeDtypeStruct((N, D), jnp.float32),
        ],
        scratch_types=(
            [pltpu.VMEM_SHARED((N, D), jnp.float32)]
            + [pltpu.VMEM((CHUNK, D), jnp.float32)] * NBUF
            + [pltpu.VMEM((CHUNK,), jnp.int32)] * (2 * NBUF)
            + [pltpu.SemaphoreType.DMA] * (3 * NBUF)
        ),
    )
    def sc_aggr(mi_flat, eflat, aggr0, aggr1, accum, *bufs):
        rows = bufs[:NBUF]
        sidx = bufs[NBUF:2 * NBUF]
        didx = bufs[2 * NBUF:3 * NBUF]
        gsem = bufs[3 * NBUF:4 * NBUF]
        ssem = bufs[4 * NBUF:5 * NBUF]
        isem = bufs[5 * NBUF:6 * NBUF]
        cid = lax.axis_index("c")
        sid = lax.axis_index("s")
        r0 = pl.multiple_of(sid * STRIPE, 8)

        def stripe_copy(src_ref, dst_ref):
            @pl.when(sid < NS - 1)
            def _():
                pltpu.sync_copy(src_ref.at[pl.ds(r0, STRIPE)],
                                dst_ref.at[pl.ds(r0, STRIPE)])

            @pl.when(sid == NS - 1)
            def _():
                pltpu.sync_copy(src_ref.at[pl.ds((NS - 1) * STRIPE, LAST_STRIPE)],
                                dst_ref.at[pl.ds((NS - 1) * STRIPE, LAST_STRIPE)])

        def zbody(r, carry):
            for c in range(D // 16):
                rows[0][r, pl.ds(c * 16, 16)] = jnp.zeros((16,), jnp.float32)
            return carry

        lax.fori_loop(0, CHUNK, zbody, 0)

        @pl.when(sid < NS - 1)
        def _():
            for i in range(STRIPE // CHUNK):
                pltpu.sync_copy(rows[0],
                                accum.at[pl.ds(r0 + i * CHUNK, CHUNK)])
            rem = STRIPE % CHUNK
            pltpu.sync_copy(
                rows[0].at[pl.ds(0, rem)],
                accum.at[pl.ds(r0 + STRIPE - rem, rem)])

        @pl.when(sid == NS - 1)
        def _():
            base = (NS - 1) * STRIPE
            for i in range(LAST_STRIPE // CHUNK):
                pltpu.sync_copy(rows[0],
                                accum.at[pl.ds(base + i * CHUNK, CHUNK)])
            rem = LAST_STRIPE % CHUNK
            pltpu.sync_copy(
                rows[0].at[pl.ds(0, rem)],
                accum.at[pl.ds(base + LAST_STRIPE - rem, rem)])

        plsc.subcore_barrier()

        ebase = pl.multiple_of(sid * EPT, 8)

        def run(ci, roff):
            sbase = 2 * ci * E
            dbase = 2 * ci * E + E

            def wait_scatter(b):
                pltpu.make_async_copy(rows[b], accum.at[didx[b]],
                                      ssem[b]).wait()

            def visit(j, u):
                b2 = u
                b1 = (u + 3) % NBUF
                b0 = (u + 2) % NBUF

                @pl.when(j >= 2)
                def _():
                    wait_scatter(b2)

                @pl.when(j + 2 < NCHUNK)
                def _():
                    off = pl.multiple_of(ebase + (j + 2) * CHUNK, 8)
                    pltpu.async_copy(eflat.at[pl.ds(sbase + off, CHUNK)],
                                     sidx[b2], isem[b2])
                    pltpu.async_copy(eflat.at[pl.ds(dbase + off, CHUNK)],
                                     didx[b2], isem[b2])

                @pl.when((j + 1 >= 0) & (j + 1 < NCHUNK))
                def _():
                    pltpu.make_async_copy(eflat.at[pl.ds(0, CHUNK)],
                                          sidx[b1], isem[b1]).wait()
                    pltpu.make_async_copy(eflat.at[pl.ds(0, CHUNK)],
                                          didx[b1], isem[b1]).wait()
                    for c in range(CHUNK // 16):
                        sl = pl.ds(c * 16, 16)
                        sidx[b1][sl] = sidx[b1][sl] + roff
                    pltpu.async_copy(mi_flat.at[sidx[b1]], rows[b1], gsem[b1])

                @pl.when((j >= 0) & (j < NCHUNK))
                def _():
                    pltpu.make_async_copy(mi_flat.at[sidx[b0]], rows[b0],
                                          gsem[b0]).wait()
                    pltpu.async_copy(rows[b0], accum.at[didx[b0]],
                                     ssem[b0], add=True)

            def round_body(g, carry):
                for u in range(NBUF):
                    visit(NBUF * g + u - 2, u)
                return carry

            lax.fori_loop(0, NROUND, round_body, 0)
            for k in range(NROUND * NBUF - 4, NCHUNK):
                wait_scatter(k % NBUF)

        @pl.when(cid == 0)
        def _():
            run(0, N)

        @pl.when(cid == 1)
        def _():
            run(1, 2 * N)

        plsc.subcore_barrier()

        @pl.when(cid == 0)
        def _():
            stripe_copy(accum, aggr0)

        @pl.when(cid == 1)
        def _():
            stripe_copy(accum, aggr1)

    return sc_aggr


_sc_aggregate = _make_sc_aggregate()

_BLK = 2000


_BN_C = 1.0 / math.sqrt(1.0 + BN_EPS)


def _mlp_block(h, w0, b0, g, be, w1, b1):
    h = jnp.dot(h.astype(jnp.bfloat16), w0[...].astype(jnp.bfloat16),
                preferred_element_type=jnp.float32) + b0[...]
    h = h * (g[...] * _BN_C) + be[...]
    h = jnp.maximum(h, 0.0)
    return jnp.dot(h.astype(jnp.bfloat16), w1[...].astype(jnp.bfloat16),
                   preferred_element_type=jnp.float32) + b1[...]


def _mi_spec(k):
    return pl.BlockSpec((1, _BLK, D), lambda i, k=k: (k, i, 0))


_row_spec = pl.BlockSpec((_BLK, D), lambda i: (i, 0))
_mat_spec = pl.BlockSpec((D, D), lambda i: (0, 0))
_vec_spec = pl.BlockSpec((1, D), lambda i: (0, 0))
_MLP_SPECS = [_mat_spec, _vec_spec, _vec_spec, _vec_spec, _mat_spec, _vec_spec]


def _tc_comb_body(eps0, eps1, x0, x1, x2, a0, a1,
                  wl0, bl0, sl, bel, wl1, bl1,
                  w00, b00, s0, be0, w01, b01,
                  w10, b10, s1, be1, w11, b11, out):
    acc = _mlp_block(x0[0], wl0, bl0, sl, bel, wl1, bl1)
    acc = acc + _mlp_block((1.0 + eps0[0]) * x1[0] + a0[...],
                           w00, b00, s0, be0, w01, b01)
    acc = acc + _mlp_block((1.0 + eps1[0]) * x2[0] + a1[...],
                           w10, b10, s1, be1, w11, b11)
    out[...] = acc


def _tc_combine(eps0, eps1, multi_input, a0, a1, mats):
    smem_spec = pl.BlockSpec(memory_space=pltpu.SMEM)
    in_specs = ([smem_spec, smem_spec]
                + [_mi_spec(0), _mi_spec(1), _mi_spec(2), _row_spec, _row_spec]
                + _MLP_SPECS * 3)
    return pl.pallas_call(
        _tc_comb_body,
        grid=(N // _BLK,),
        in_specs=in_specs,
        out_specs=_row_spec,
        out_shape=jax.ShapeDtypeStruct((N, D), jnp.float32),
        compiler_params=pltpu.CompilerParams(
            dimension_semantics=("parallel",)),
    )(eps0.reshape(1), eps1.reshape(1), multi_input, multi_input, multi_input,
      a0, a1, *mats)


def kernel(multi_input, edge_index_list, lin_W0, lin_b0, lin_g, lin_be,
           lin_W1, lin_b1, c0_W0, c0_b0, c0_g, c0_be, c0_W1, c0_b1, eps0,
           c1_W0, c1_b0, c1_g, c1_be, c1_W1, c1_b1, eps1):
    mi_flat = multi_input.reshape(3 * N, D)
    eflat = edge_index_list.reshape(4 * E)

    aggr0, aggr1 = _sc_aggregate(mi_flat, eflat)

    row = lambda v: v.reshape(1, D)
    mats = [lin_W0, row(lin_b0), row(lin_g), row(lin_be), lin_W1, row(lin_b1),
            c0_W0, row(c0_b0), row(c0_g), row(c0_be), c0_W1, row(c0_b1),
            c1_W0, row(c1_b0), row(c1_g), row(c1_be), c1_W1, row(c1_b1)]

    return _tc_combine(eps0, eps1, multi_input, aggr0, aggr1, mats)

# --- scband reference (transcript-rebuilt; emitter-appended) ---
"""Pipeline reference for scband-a-asyn-ginlayer-70188355551847 (READ-ONLY COPY).

The authoritative reference and input builder live on the scoring server;
editing this copy changes nothing except your own understanding.
"""

import jax, jax.numpy as jnp
import numpy as np

N, D, E, NHOP = 10000, 128, 320000, 2
BN_EPS = 1e-5

def _lin_init(k, fan_in, shape):
    s = 1.0 / np.sqrt(fan_in)
    return jax.random.uniform(k, shape, minval=-s, maxval=s, dtype=jnp.float32)

def setup_inputs(seed: int = 0) -> dict:
    key = jax.random.key(seed)
    ks = jax.random.split(key, 40)
    inp = {}
    inp['multi_input'] = jax.random.normal(ks[0], (NHOP + 1, N, D), dtype=jnp.float32)
    inp['edge_index_list'] = jax.random.randint(ks[1], (NHOP, 2, E), 0, N, dtype=jnp.int32)
    # lin: Linear(D,D) -> BN(D) -> ReLU -> Linear(D,D)
    inp['lin_W0'] = _lin_init(ks[2], D, (D, D)); inp['lin_b0'] = _lin_init(ks[3], D, (D,))
    inp['lin_g'] = jnp.ones((D,), jnp.float32); inp['lin_be'] = jnp.zeros((D,), jnp.float32)
    inp['lin_W1'] = _lin_init(ks[4], D, (D, D)); inp['lin_b1'] = _lin_init(ks[5], D, (D,))
    # conv0 mlp: Linear(D,D)->BN->ReLU->Linear(D,D), eps0
    inp['c0_W0'] = _lin_init(ks[6], D, (D, D)); inp['c0_b0'] = _lin_init(ks[7], D, (D,))
    inp['c0_g'] = jnp.ones((D,), jnp.float32); inp['c0_be'] = jnp.zeros((D,), jnp.float32)
    inp['c0_W1'] = _lin_init(ks[8], D, (D, D)); inp['c0_b1'] = _lin_init(ks[9], D, (D,))
    inp['eps0'] = jnp.array(0.0, jnp.float32)
    # conv1 mlp
    inp['c1_W0'] = _lin_init(ks[10], D, (D, D)); inp['c1_b0'] = _lin_init(ks[11], D, (D,))
    inp['c1_g'] = jnp.ones((D,), jnp.float32); inp['c1_be'] = jnp.zeros((D,), jnp.float32)
    inp['c1_W1'] = _lin_init(ks[12], D, (D, D)); inp['c1_b1'] = _lin_init(ks[13], D, (D,))
    inp['eps1'] = jnp.array(0.0, jnp.float32)
    return inp

def _bn_eval(h, g, be):
    # eval-mode BatchNorm1d with running_mean=0, running_var=1
    return g * h / jnp.sqrt(1.0 + BN_EPS) + be

def _mlp(h, W0, b0, g, be, W1, b1):
    h = h @ W0 + b0
    h = _bn_eval(h, g, be)
    h = jax.nn.relu(h)
    return h @ W1 + b1

def _gin_conv(x, edge_index, eps, W0, b0, g, be, W1, b1):
    src = edge_index[0]
    dst = edge_index[1]
    aggr = jnp.zeros_like(x).at[dst].add(x[src])
    h = (1.0 + eps) * x + aggr
    return _mlp(h, W0, b0, g, be, W1, b1)

def reference(multi_input, edge_index_list, lin_W0, lin_b0, lin_g, lin_be, lin_W1, lin_b1,
              c0_W0, c0_b0, c0_g, c0_be, c0_W1, c0_b1, eps0,
              c1_W0, c1_b0, c1_g, c1_be, c1_W1, c1_b1, eps1):
    # self.lin(multi_input[0]); dropout is identity in eval mode
    hidden = _mlp(multi_input[0], lin_W0, lin_b0, lin_g, lin_be, lin_W1, lin_b1)
    prop0 = _gin_conv(multi_input[1], edge_index_list[0], eps0, c0_W0, c0_b0, c0_g, c0_be, c0_W1, c0_b1)
    hidden = hidden + prop0
    prop1 = _gin_conv(multi_input[2], edge_index_list[1], eps1, c1_W0, c1_b0, c1_g, c1_be, c1_W1, c1_b1)
    hidden = hidden + prop1
    return hidden

if __name__ == "__main__":
    import jax
    _d = setup_inputs()
    print(jax.jit(kernel)(*tuple(_d.values())))

</pallas_src>

<mosaic_0001>
#map = affine_map<(d0, d1) -> (0, 0)>
#map1 = affine_map<(d0, d1) -> (0)>
module attributes {stable_mosaic.version = 14 : i64} {
  func.func @sc_aggr(%arg0: i32, %arg1: i32, %arg2: memref<30000x128xf32, #tpu.memory_space<hbm>>, %arg3: memref<1280000xi32, #tpu.memory_space<hbm>>, %arg4: memref<10000x128xf32, #tpu.memory_space<hbm>>, %arg5: memref<10000x128xf32, #tpu.memory_space<hbm>>, %arg6: memref<10000x128xf32, #tpu.memory_space<vmem_shared>>, %arg7: memref<80x128xf32, #tpu.memory_space<vmem>>, %arg8: memref<80x128xf32, #tpu.memory_space<vmem>>, %arg9: memref<80x128xf32, #tpu.memory_space<vmem>>, %arg10: memref<80x128xf32, #tpu.memory_space<vmem>>, %arg11: memref<80xi32, #tpu.memory_space<vmem>>, %arg12: memref<80xi32, #tpu.memory_space<vmem>>, %arg13: memref<80xi32, #tpu.memory_space<vmem>>, %arg14: memref<80xi32, #tpu.memory_space<vmem>>, %arg15: memref<80xi32, #tpu.memory_space<vmem>>, %arg16: memref<80xi32, #tpu.memory_space<vmem>>, %arg17: memref<80xi32, #tpu.memory_space<vmem>>, %arg18: memref<80xi32, #tpu.memory_space<vmem>>, %arg19: memref<!tpu.dma_semaphore, #tpu.memory_space<semaphore_mem>>, %arg20: memref<!tpu.dma_semaphore, #tpu.memory_space<semaphore_mem>>, %arg21: memref<!tpu.dma_semaphore, #tpu.memory_space<semaphore_mem>>, %arg22: memref<!tpu.dma_semaphore, #tpu.memory_space<semaphore_mem>>, %arg23: memref<!tpu.dma_semaphore, #tpu.memory_space<semaphore_mem>>, %arg24: memref<!tpu.dma_semaphore, #tpu.memory_space<semaphore_mem>>, %arg25: memref<!tpu.dma_semaphore, #tpu.memory_space<semaphore_mem>>, %arg26: memref<!tpu.dma_semaphore, #tpu.memory_space<semaphore_mem>>, %arg27: memref<!tpu.dma_semaphore, #tpu.memory_space<semaphore_mem>>, %arg28: memref<!tpu.dma_semaphore, #tpu.memory_space<semaphore_mem>>, %arg29: memref<!tpu.dma_semaphore, #tpu.memory_space<semaphore_mem>>, %arg30: memref<!tpu.dma_semaphore, #tpu.memory_space<semaphore_mem>>) attributes {dimension_semantics = [#tpu.dimension_semantics<core_parallel>, #tpu.dimension_semantics<subcore_parallel>], iteration_bounds = array<i64: 2, 16>, scalar_prefetch = 0 : i64, scratch_operands = 25 : i64, tpu.core_type = #tpu.core_type<sc_vector_subcore>, window_params = [{transform_indices = #map}, {transform_indices = #map1}, {transform_indices = #map}, {transform_indices = #map}]} {
    %mul3A = arith.constant 632 : i32
    %mul3A_0 = arith.muli %arg1, %mul3A : i32
    %multiple_of3A = tpu.assume_multiple %mul3A_0, 8 : i32
    %scan3A = arith.constant 0 : i32
    %scan3A_1 = arith.constant 0 : i32
    %scan3A_2 = arith.constant 80 : i32
    %scan3A_3 = arith.addi %scan3A_1, %scan3A_2 : i32
    %scan3A_4 = arith.constant 1 : i32
    scf.for %scan3A_36 = %scan3A_1 to %scan3A_3 step %scan3A_4  : i32 {
      %broadcast_in_dim3A = arith.constant 0.000000e+00 : f32
      %broadcast_in_dim3A_37 = vector.broadcast %broadcast_in_dim3A : f32 to vector<16xf32>
      %swap3A = arith.index_cast %scan3A_36 : i32 to index
      %swap3A_38 = arith.constant 0 : index
      %swap3A_39 = tpu.vector_load %arg7[%swap3A, %swap3A_38] {strides = array<i32>} : memref<80x128xf32, #tpu.memory_space<vmem>>, vector<1x16xf32>,
      %swap3A_40 = vector.shape_cast %swap3A_39 : vector<1x16xf32> to vector<16xf32>
      %swap3A_41 = vector.shape_cast %broadcast_in_dim3A_37 : vector<16xf32> to vector<1x16xf32>
      tpu.vector_store %arg7[%swap3A, %swap3A_38], %swap3A_41 {strides = array<i32>} : memref<80x128xf32, #tpu.memory_space<vmem>>, vector<1x16xf32>,
      %broadcast_in_dim3A_42 = arith.constant 0.000000e+00 : f32
      %broadcast_in_dim3A_43 = vector.broadcast %broadcast_in_dim3A_42 : f32 to vector<16xf32>
      %swap3A_44 = arith.index_cast %scan3A_36 : i32 to index
      %swap3A_45 = arith.constant 16 : index
      %swap3A_46 = tpu.vector_load %arg7[%swap3A_44, %swap3A_45] {strides = array<i32>} : memref<80x128xf32, #tpu.memory_space<vmem>>, vector<1x16xf32>,
      %swap3A_47 = vector.shape_cast %swap3A_46 : vector<1x16xf32> to vector<16xf32>
      %swap3A_48 = vector.shape_cast %broadcast_in_dim3A_43 : vector<16xf32> to vector<1x16xf32>
      tpu.vector_store %arg7[%swap3A_44, %swap3A_45], %swap3A_48 {strides = array<i32>} : memref<80x128xf32, #tpu.memory_space<vmem>>, vector<1x16xf32>,
      %broadcast_in_dim3A_49 = arith.constant 0.000000e+00 : f32
      %broadcast_in_dim3A_50 = vector.broadcast %broadcast_in_dim3A_49 : f32 to vector<16xf32>
      %swap3A_51 = arith.index_cast %scan3A_36 : i32 to index
      %swap3A_52 = arith.constant 32 : index
      %swap3A_53 = tpu.vector_load %arg7[%swap3A_51, %swap3A_52] {strides = array<i32>} : memref<80x128xf32, #tpu.memory_space<vmem>>, vector<1x16xf32>,
      %swap3A_54 = vector.shape_cast %swap3A_53 : vector<1x16xf32> to vector<16xf32>
      %swap3A_55 = vector.shape_cast %broadcast_in_dim3A_50 : vector<16xf32> to vector<1x16xf32>
      tpu.vector_store %arg7[%swap3A_51, %swap3A_52], %swap3A_55 {strides = array<i32>} : memref<80x128xf32, #tpu.memory_space<vmem>>, vector<1x16xf32>,
      %broadcast_in_dim3A_56 = arith.constant 0.000000e+00 : f32
      %broadcast_in_dim3A_57 = vector.broadcast %broadcast_in_dim3A_56 : f32 to vector<16xf32>
      %swap3A_58 = arith.index_cast %scan3A_36 : i32 to index
      %swap3A_59 = arith.constant 48 : index
      %swap3A_60 = tpu.vector_load %arg7[%swap3A_58, %swap3A_59] {strides = array<i32>} : memref<80x128xf32, #tpu.memory_space<vmem>>, vector<1x16xf32>,
      %swap3A_61 = vector.shape_cast %swap3A_60 : vector<1x16xf32> to vector<16xf32>
      %swap3A_62 = vector.shape_cast %broadcast_in_dim3A_57 : vector<16xf32> to vector<1x16xf32>
      tpu.vector_store %arg7[%swap3A_58, %swap3A_59], %swap3A_62 {strides = array<i32>} : memref<80x128xf32, #tpu.memory_space<vmem>>, vector<1x16xf32>,
      %broadcast_in_dim3A_63 = arith.constant 0.000000e+00 : f32
      %broadcast_in_dim3A_64 = vector.broadcast %broadcast_in_dim3A_63 : f32 to vector<16xf32>
      %swap3A_65 = arith.index_cast %scan3A_36 : i32 to index
      %swap3A_66 = arith.constant 64 : index
      %swap3A_67 = tpu.vector_load %arg7[%swap3A_65, %swap3A_66] {strides = array<i32>} : memref<80x128xf32, #tpu.memory_space<vmem>>, vector<1x16xf32>,
      %swap3A_68 = vector.shape_cast %swap3A_67 : vector<1x16xf32> to vector<16xf32>
      %swap3A_69 = vector.shape_cast %broadcast_in_dim3A_64 : vector<16xf32> to vector<1x16xf32>
      tpu.vector_store %arg7[%swap3A_65, %swap3A_66], %swap3A_69 {strides = array<i32>} : memref<80x128xf32, #tpu.memory_space<vmem>>, vector<1x16xf32>,
      %broadcast_in_dim3A_70 = arith.constant 0.000000e+00 : f32
      %broadcast_in_dim3A_71 = vector.broadcast %broadcast_in_dim3A_70 : f32 to vector<16xf32>
      %swap3A_72 = arith.index_cast %scan3A_36 : i32 to index
      %swap3A_73 = arith.constant 80 : index
      %swap3A_74 = tpu.vector_load %arg7[%swap3A_72, %swap3A_73] {strides = array<i32>} : memref<80x128xf32, #tpu.memory_space<vmem>>, vector<1x16xf32>,
      %swap3A_75 = vector.shape_cast %swap3A_74 : vector<1x16xf32> to vector<16xf32>
      %swap3A_76 = vector.shape_cast %broadcast_in_dim3A_71 : vector<16xf32> to vector<1x16xf32>
      tpu.vector_store %arg7[%swap3A_72, %swap3A_73], %swap3A_76 {strides = array<i32>} : memref<80x128xf32, #tpu.memory_space<vmem>>, vector<1x16xf32>,
      %broadcast_in_dim3A_77 = arith.constant 0.000000e+00 : f32
      %broadcast_in_dim3A_78 = vector.broadcast %broadcast_in_dim3A_77 : f32 to vector<16xf32>
      %swap3A_79 = arith.index_cast %scan3A_36 : i32 to index
      %swap3A_80 = arith.constant 96 : index
      %swap3A_81 = tpu.vector_load %arg7[%swap3A_79, %swap3A_80] {strides = array<i32>} : memref<80x128xf32, #tpu.memory_space<vmem>>, vector<1x16xf32>,
      %swap3A_82 = vector.shape_cast %swap3A_81 : vector<1x16xf32> to vector<16xf32>
      %swap3A_83 = vector.shape_cast %broadcast_in_dim3A_78 : vector<16xf32> to vector<1x16xf32>
      tpu.vector_store %arg7[%swap3A_79, %swap3A_80], %swap3A_83 {strides = array<i32>} : memref<80x128xf32, #tpu.memory_space<vmem>>, vector<1x16xf32>,
      %broadcast_in_dim3A_84 = arith.constant 0.000000e+00 : f32
      %broadcast_in_dim3A_85 = vector.broadcast %broadcast_in_dim3A_84 : f32 to vector<16xf32>
      %swap3A_86 = arith.index_cast %scan3A_36 : i32 to index
      %swap3A_87 = arith.constant 112 : index
      %swap3A_88 = tpu.vector_load %arg7[%swap3A_86, %swap3A_87] {strides = array<i32>} : memref<80x128xf32, #tpu.memory_space<vmem>>, vector<1x16xf32>,
      %swap3A_89 = vector.shape_cast %swap3A_88 : vector<1x16xf32> to vector<16xf32>
      %swap3A_90 = vector.shape_cast %broadcast_in_dim3A_85 : vector<16xf32> to vector<1x16xf32>
      tpu.vector_store %arg7[%swap3A_86, %swap3A_87], %swap3A_90 {strides = array<i32>} : memref<80x128xf32, #tpu.memory_space<vmem>>, vector<1x16xf32>,
    }
    %scan3A_5 = arith.constant 80 : i32
    %lt3A = arith.constant 15 : i32
    %lt3A_6 = arith.cmpi slt, %arg1, %lt3A : i32
    %convert_element_type3A = arith.extui %lt3A_6 : i1 to i32
    %cond3A = arith.constant 0 : i32
    %cond3A_7 = arith.cmpi ne, %convert_element_type3A, %cond3A : i32
    scf.if %cond3A_7 {
      %add3A = arith.constant 0 : i32
      %add3A_36 = arith.addi %multiple_of3A, %add3A : i32
      "tpu.region"() ({
        %run_scoped3A = tpu.sem_alloc : memref<!tpu.dma_semaphore, #tpu.memory_space<semaphore_mem>>
        %dma_start3A = arith.constant 0 : i32
        %dma_start3A_52 = tpu.memref_slice %arg6[%add3A_36, %dma_start3A] : memref<10000x128xf32, #tpu.memory_space<vmem_shared>> -> memref<80x128xf32, #tpu.memory_space<vmem_shared>>
        %dma_start3A_53 = arith.constant 0 : i32
        %dma_start3A_54 = tpu.memref_slice %arg6[%add3A_36, %dma_start3A_53] : memref<10000x128xf32, #tpu.memory_space<vmem_shared>> -> memref<80x128xf32, #tpu.memory_space<vmem_shared>>
        tpu.enqueue_dma source(%arg7 : memref<80x128xf32, #tpu.memory_space<vmem>>) target(%dma_start3A_54 : memref<80x128xf32, #tpu.memory_space<vmem_shared>>) target_semaphore(%run_scoped3A : memref<!tpu.dma_semaphore, #tpu.memory_space<semaphore_mem>>)
        %dma_wait3A = arith.constant 0 : i32
        %dma_wait3A_55 = tpu.memref_slice %arg6[%add3A_36, %dma_wait3A] : memref<10000x128xf32, #tpu.memory_space<vmem_shared>> -> memref<80x128xf32, #tpu.memory_space<vmem_shared>>
        %dma_wait3A_56 = arith.constant 0 : i32
        %dma_wait3A_57 = tpu.memref_slice %arg6[%add3A_36, %dma_wait3A_56] : memref<10000x128xf32, #tpu.memory_space<vmem_shared>> -> memref<80x128xf32, #tpu.memory_space<vmem_shared>>
        tpu.wait_dma2 semaphore(%run_scoped3A : memref<!tpu.dma_semaphore, #tpu.memory_space<semaphore_mem>>) src(%arg7 : memref<80x128xf32, #tpu.memory_space<vmem>>) dst(%dma_wait3A_57 : memref<80x128xf32, #tpu.memory_space<vmem_shared>>)
        tpu.yield
      }) : () -> ()
      %add3A_37 = arith.constant 80 : i32
      %add3A_38 = arith.addi %multiple_of3A, %add3A_37 : i32
      "tpu.region"() ({
        %run_scoped3A = tpu.sem_alloc : memref<!tpu.dma_semaphore, #tpu.memory_space<semaphore_mem>>
        %dma_start3A = arith.constant 0 : i32
        %dma_start3A_52 = tpu.memref_slice %arg6[%add3A_38, %dma_start3A] : memref<10000x128xf32, #tpu.memory_space<vmem_shared>> -> memref<80x128xf32, #tpu.memory_space<vmem_shared>>
        %dma_start3A_53 = arith.constant 0 : i32
        %dma_start3A_54 = tpu.memref_slice %arg6[%add3A_38, %dma_start3A_53] : memref<10000x128xf32, #tpu.memory_space<vmem_shared>> -> memref<80x128xf32, #tpu.memory_space<vmem_shared>>
        tpu.enqueue_dma source(%arg7 : memref<80x128xf32, #tpu.memory_space<vmem>>) target(%dma_start3A_54 : memref<80x128xf32, #tpu.memory_space<vmem_shared>>) target_semaphore(%run_scoped3A : memref<!tpu.dma_semaphore, #tpu.memory_space<semaphore_mem>>)
        %dma_wait3A = arith.constant 0 : i32
        %dma_wait3A_55 = tpu.memref_slice %arg6[%add3A_38, %dma_wait3A] : memref<10000x128xf32, #tpu.memory_space<vmem_shared>> -> memref<80x128xf32, #tpu.memory_space<vmem_shared>>
        %dma_wait3A_56 = arith.constant 0 : i32
        %dma_wait3A_57 = tpu.memref_slice %arg6[%add3A_38, %dma_wait3A_56] : memref<10000x128xf32, #tpu.memory_space<vmem_shared>> -> memref<80x128xf32, #tpu.memory_space<vmem_shared>>
        tpu.wait_dma2 semaphore(%run_scoped3A : memref<!tpu.dma_semaphore, #tpu.memory_space<semaphore_mem>>) src(%arg7 : memref<80x128xf32, #tpu.memory_space<vmem>>) dst(%dma_wait3A_57 : memref<80x128xf32, #tpu.memory_space<vmem_shared>>)
        tpu.yield
      }) : () -> ()
      %add3A_39 = arith.constant 160 : i32
      %add3A_40 = arith.addi %multiple_of3A, %add3A_39 : i32
      "tpu.region"() ({
        %run_scoped3A = tpu.sem_alloc : memref<!tpu.dma_semaphore, #tpu.memory_space<semaphore_mem>>
        %dma_start3A = arith.constant 0 : i32
        %dma_start3A_52 = tpu.memref_slice %arg6[%add3A_40, %dma_start3A] : memref<10000x128xf32, #tpu.memory_space<vmem_shared>> -> memref<80x128xf32, #tpu.memory_space<vmem_shared>>
        %dma_start3A_53 = arith.constant 0 : i32
        %dma_start3A_54 = tpu.memref_slice %arg6[%add3A_40, %dma_start3A_53] : memref<10000x128xf32, #tpu.memory_space<vmem_shared>> -> memref<80x128xf32, #tpu.memory_space<vmem_shared>>
        tpu.enqueue_dma source(%arg7 : memref<80x128xf32, #tpu.memory_space<vmem>>) target(%dma_start3A_54 : memref<80x128xf32, #tpu.memory_space<vmem_shared>>) target_semaphore(%run_scoped3A : memref<!tpu.dma_semaphore, #tpu.memory_space<semaphore_mem>>)
        %dma_wait3A = arith.constant 0 : i32
        %dma_wait3A_55 = tpu.memref_slice %arg6[%add3A_40, %dma_wait3A] : memref<10000x128xf32, #tpu.memory_space<vmem_shared>> -> memref<80x128xf32, #tpu.memory_space<vmem_shared>>
        %dma_wait3A_56 = arith.constant 0 : i32
        %dma_wait3A_57 = tpu.memref_slice %arg6[%add3A_40, %dma_wait3A_56] : memref<10000x128xf32, #tpu.memory_space<vmem_shared>> -> memref<80x128xf32, #tpu.memory_space<vmem_shared>>
        tpu.wait_dma2 semaphore(%run_scoped3A : memref<!tpu.dma_semaphore, #tpu.memory_space<semaphore_mem>>) src(%arg7 : memref<80x128xf32, #tpu.memory_space<vmem>>) dst(%dma_wait3A_57 : memref<80x128xf32, #tpu.memory_space<vmem_shared>>)
        tpu.yield
      }) : () -> ()
      %add3A_41 = arith.constant 240 : i32
      %add3A_42 = arith.addi %multiple_of3A, %add3A_41 : i32
      "tpu.region"() ({
        %run_scoped3A = tpu.sem_alloc : memref<!tpu.dma_semaphore, #tpu.memory_space<semaphore_mem>>
        %dma_start3A = arith.constant 0 : i32
        %dma_start3A_52 = tpu.memref_slice %arg6[%add3A_42, %dma_start3A] : memref<10000x128xf32, #tpu.memory_space<vmem_shared>> -> memref<80x128xf32, #tpu.memory_space<vmem_shared>>
        %dma_start3A_53 = arith.constant 0 : i32
        %dma_start3A_54 = tpu.memref_slice %arg6[%add3A_42, %dma_start3A_53] : memref<10000x128xf32, #tpu.memory_space<vmem_shared>> -> memref<80x128xf32, #tpu.memory_space<vmem_shared>>
        tpu.enqueue_dma source(%arg7 : memref<80x128xf32, #tpu.memory_space<vmem>>) target(%dma_start3A_54 : memref<80x128xf32, #tpu.memory_space<vmem_shared>>) target_semaphore(%run_scoped3A : memref<!tpu.dma_semaphore, #tpu.memory_space<semaphore_mem>>)
        %dma_wait3A = arith.constant 0 : i32
        %dma_wait3A_55 = tpu.memref_slice %arg6[%add3A_42, %dma_wait3A] : memref<10000x128xf32, #tpu.memory_space<vmem_shared>> -> memref<80x128xf32, #tpu.memory_space<vmem_shared>>
        %dma_wait3A_56 = arith.constant 0 : i32
        %dma_wait3A_57 = tpu.memref_slice %arg6[%add3A_42, %dma_wait3A_56] : memref<10000x128xf32, #tpu.memory_space<vmem_shared>> -> memref<80x128xf32, #tpu.memory_space<vmem_shared>>
        tpu.wait_dma2 semaphore(%run_scoped3A : memref<!tpu.dma_semaphore, #tpu.memory_space<semaphore_mem>>) src(%arg7 : memref<80x128xf32, #tpu.memory_space<vmem>>) dst(%dma_wait3A_57 : memref<80x128xf32, #tpu.memory_space<vmem_shared>>)
        tpu.yield
      }) : () -> ()
      %add3A_43 = arith.constant 320 : i32
      %add3A_44 = arith.addi %multiple_of3A, %add3A_43 : i32
      "tpu.region"() ({
        %run_scoped3A = tpu.sem_alloc : memref<!tpu.dma_semaphore, #tpu.memory_space<semaphore_mem>>
        %dma_start3A = arith.constant 0 : i32
        %dma_start3A_52 = tpu.memref_slice %arg6[%add3A_44, %dma_start3A] : memref<10000x128xf32, #tpu.memory_space<vmem_shared>> -> memref<80x128xf32, #tpu.memory_space<vmem_shared>>
        %dma_start3A_53 = arith.constant 0 : i32
        %dma_start3A_54 = tpu.memref_slice %arg6[%add3A_44, %dma_start3A_53] : memref<10000x128xf32, #tpu.memory_space<vmem_shared>> -> memref<80x128xf32, #tpu.memory_space<vmem_shared>>
        tpu.enqueue_dma source(%arg7 : memref<80x128xf32, #tpu.memory_space<vmem>>) target(%dma_start3A_54 : memref<80x128xf32, #tpu.memory_space<vmem_shared>>) target_semaphore(%run_scoped3A : memref<!tpu.dma_semaphore, #tpu.memory_space<semaphore_mem>>)
        %dma_wait3A = arith.constant 0 : i32
        %dma_wait3A_55 = tpu.memref_slice %arg6[%add3A_44, %dma_wait3A] : memref<10000x128xf32, #tpu.memory_space<vmem_shared>> -> memref<80x128xf32, #tpu.memory_space<vmem_shared>>
        %dma_wait3A_56 = arith.constant 0 : i32
        %dma_wait3A_57 = tpu.memref_slice %arg6[%add3A_44, %dma_wait3A_56] : memref<10000x128xf32, #tpu.memory_space<vmem_shared>> -> memref<80x128xf32, #tpu.memory_space<vmem_shared>>
        tpu.wait_dma2 semaphore(%run_scoped3A : memref<!tpu.dma_semaphore, #tpu.memory_space<semaphore_mem>>) src(%arg7 : memref<80x128xf32, #tpu.memory_space<vmem>>) dst(%dma_wait3A_57 : memref<80x128xf32, #tpu.memory_space<vmem_shared>>)
        tpu.yield
      }) : () -> ()
      %add3A_45 = arith.constant 400 : i32
      %add3A_46 = arith.addi %multiple_of3A, %add3A_45 : i32
      "tpu.region"() ({
        %run_scoped3A = tpu.sem_alloc : memref<!tpu.dma_semaphore, #tpu.memory_space<semaphore_mem>>
        %dma_start3A = arith.constant 0 : i32
        %dma_start3A_52 = tpu.memref_slice %arg6[%add3A_46, %dma_start3A] : memref<10000x128xf32, #tpu.memory_space<vmem_shared>> -> memref<80x128xf32, #tpu.memory_space<vmem_shared>>
        %dma_start3A_53 = arith.constant 0 : i32
        %dma_start3A_54 = tpu.memref_slice %arg6[%add3A_46, %dma_start3A_53] : memref<10000x128xf32, #tpu.memory_space<vmem_shared>> -> memref<80x128xf32, #tpu.memory_space<vmem_shared>>
        tpu.enqueue_dma source(%arg7 : memref<80x128xf32, #tpu.memory_space<vmem>>) target(%dma_start3A_54 : memref<80x128xf32, #tpu.memory_space<vmem_shared>>) target_semaphore(%run_scoped3A : memref<!tpu.dma_semaphore, #tpu.memory_space<semaphore_mem>>)
        %dma_wait3A = arith.constant 0 : i32
        %dma_wait3A_55 = tpu.memref_slice %arg6[%add3A_46, %dma_wait3A] : memref<10000x128xf32, #tpu.memory_space<vmem_shared>> -> memref<80x128xf32, #tpu.memory_space<vmem_shared>>
        %dma_wait3A_56 = arith.constant 0 : i32
        %dma_wait3A_57 = tpu.memref_slice %arg6[%add3A_46, %dma_wait3A_56] : memref<10000x128xf32, #tpu.memory_space<vmem_shared>> -> memref<80x128xf32, #tpu.memory_space<vmem_shared>>
        tpu.wait_dma2 semaphore(%run_scoped3A : memref<!tpu.dma_semaphore, #tpu.memory_space<semaphore_mem>>) src(%arg7 : memref<80x128xf32, #tpu.memory_space<vmem>>) dst(%dma_wait3A_57 : memref<80x128xf32, #tpu.memory_space<vmem_shared>>)
        tpu.yield
      }) : () -> ()
      %add3A_47 = arith.constant 480 : i32
      %add3A_48 = arith.addi %multiple_of3A, %add3A_47 : i32
      "tpu.region"() ({
        %run_scoped3A = tpu.sem_alloc : memref<!tpu.dma_semaphore, #tpu.memory_space<semaphore_mem>>
        %dma_start3A = arith.constant 0 : i32
        %dma_start3A_52 = tpu.memref_slice %arg6[%add3A_48, %dma_start3A] : memref<10000x128xf32, #tpu.memory_space<vmem_shared>> -> memref<80x128xf32, #tpu.memory_space<vmem_shared>>
        %dma_start3A_53 = arith.constant 0 : i32
        %dma_start3A_54 = tpu.memref_slice %arg6[%add3A_48, %dma_start3A_53] : memref<10000x128xf32, #tpu.memory_space<vmem_shared>> -> memref<80x128xf32, #tpu.memory_space<vmem_shared>>
        tpu.enqueue_dma source(%arg7 : memref<80x128xf32, #tpu.memory_space<vmem>>) target(%dma_start3A_54 : memref<80x128xf32, #tpu.memory_space<vmem_shared>>) target_semaphore(%run_scoped3A : memref<!tpu.dma_semaphore, #tpu.memory_space<semaphore_mem>>)
        %dma_wait3A = arith.constant 0 : i32
        %dma_wait3A_55 = tpu.memref_slice %arg6[%add3A_48, %dma_wait3A] : memref<10000x128xf32, #tpu.memory_space<vmem_shared>> -> memref<80x128xf32, #tpu.memory_space<vmem_shared>>
        %dma_wait3A_56 = arith.constant 0 : i32
        %dma_wait3A_57 = tpu.memref_slice %arg6[%add3A_48, %dma_wait3A_56] : memref<10000x128xf32, #tpu.memory_space<vmem_shared>> -> memref<80x128xf32, #tpu.memory_space<vmem_shared>>
        tpu.wait_dma2 semaphore(%run_scoped3A : memref<!tpu.dma_semaphore, #tpu.memory_space<semaphore_mem>>) src(%arg7 : memref<80x128xf32, #tpu.memory_space<vmem>>) dst(%dma_wait3A_57 : memref<80x128xf32, #tpu.memory_space<vmem_shared>>)
        tpu.yield
      }) : () -> ()
      %add3A_49 = arith.constant 632 : i32
      %add3A_50 = arith.addi %multiple_of3A, %add3A_49 : i32
      %sub3A = arith.constant 72 : i32
      %sub3A_51 = arith.subi %add3A_50, %sub3A : i32
      "tpu.region"() ({
        %run_scoped3A = tpu.sem_alloc : memref<!tpu.dma_semaphore, #tpu.memory_space<semaphore_mem>>
        %dma_start3A = arith.constant 0 : i32
        %dma_start3A_52 = arith.constant 0 : i32
        %dma_start3A_53 = tpu.memref_slice %arg7[%dma_start3A, %dma_start3A_52] : memref<80x128xf32, #tpu.memory_space<vmem>> -> memref<72x128xf32, #tpu.memory_space<vmem>>
        %dma_start3A_54 = arith.constant 0 : i32
        %dma_start3A_55 = tpu.memref_slice %arg6[%sub3A_51, %dma_start3A_54] : memref<10000x128xf32, #tpu.memory_space<vmem_shared>> -> memref<72x128xf32, #tpu.memory_space<vmem_shared>>
        %dma_start3A_56 = arith.constant 0 : i32
        %dma_start3A_57 = tpu.memref_slice %arg6[%sub3A_51, %dma_start3A_56] : memref<10000x128xf32, #tpu.memory_space<vmem_shared>> -> memref<72x128xf32, #tpu.memory_space<vmem_shared>>
        %dma_start3A_58 = arith.constant 0 : i32
        %dma_start3A_59 = arith.constant 0 : i32
        %dma_start3A_60 = tpu.memref_slice %arg7[%dma_start3A_58, %dma_start3A_59] : memref<80x128xf32, #tpu.memory_space<vmem>> -> memref<72x128xf32, #tpu.memory_space<vmem>>
        tpu.enqueue_dma source(%dma_start3A_60 : memref<72x128xf32, #tpu.memory_space<vmem>>) target(%dma_start3A_57 : memref<72x128xf32, #tpu.memory_space<vmem_shared>>) target_semaphore(%run_scoped3A : memref<!tpu.dma_semaphore, #tpu.memory_space<semaphore_mem>>)
        %dma_wait3A = arith.constant 0 : i32
        %dma_wait3A_61 = arith.constant 0 : i32
        %dma_wait3A_62 = tpu.memref_slice %arg7[%dma_wait3A, %dma_wait3A_61] : memref<80x128xf32, #tpu.memory_space<vmem>> -> memref<72x128xf32, #tpu.memory_space<vmem>>
        %dma_wait3A_63 = arith.constant 0 : i32
        %dma_wait3A_64 = tpu.memref_slice %arg6[%sub3A_51, %dma_wait3A_63] : memref<10000x128xf32, #tpu.memory_space<vmem_shared>> -> memref<72x128xf32, #tpu.memory_space<vmem_shared>>
        %dma_wait3A_65 = arith.constant 0 : i32
        %dma_wait3A_66 = tpu.memref_slice %arg6[%sub3A_51, %dma_wait3A_65] : memref<10000x128xf32, #tpu.memory_space<vmem_shared>> -> memref<72x128xf32, #tpu.memory_space<vmem_shared>>
        %dma_wait3A_67 = arith.constant 0 : i32
        %dma_wait3A_68 = arith.constant 0 : i32
        %dma_wait3A_69 = tpu.memref_slice %arg7[%dma_wait3A_67, %dma_wait3A_68] : memref<80x128xf32, #tpu.memory_space<vmem>> -> memref<72x128xf32, #tpu.memory_space<vmem>>
        tpu.wait_dma2 semaphore(%run_scoped3A : memref<!tpu.dma_semaphore, #tpu.memory_space<semaphore_mem>>) src(%dma_wait3A_69 : memref<72x128xf32, #tpu.memory_space<vmem>>) dst(%dma_wait3A_66 : memref<72x128xf32, #tpu.memory_space<vmem_shared>>)
        tpu.yield
      }) : () -> ()
    } else {
    }
    %eq3A = arith.constant 15 : i32
    %eq3A_8 = arith.cmpi eq, %arg1, %eq3A : i32
    %convert_element_type3A_9 = arith.extui %eq3A_8 : i1 to i32
    %cond3A_10 = arith.constant 0 : i32
    %cond3A_11 = arith.cmpi ne, %convert_element_type3A_9, %cond3A_10 : i32
    scf.if %cond3A_11 {
      "tpu.region"() ({
        %run_scoped3A = tpu.sem_alloc : memref<!tpu.dma_semaphore, #tpu.memory_space<semaphore_mem>>
        %dma_start3A = arith.constant 9480 : i32
        %dma_start3A_36 = arith.constant 0 : i32
        %dma_start3A_37 = tpu.memref_slice %arg6[%dma_start3A, %dma_start3A_36] : memref<10000x128xf32, #tpu.memory_space<vmem_shared>> -> memref<80x128xf32, #tpu.memory_space<vmem_shared>>
        %dma_start3A_38 = arith.constant 9480 : i32
        %dma_start3A_39 = arith.constant 0 : i32
        %dma_start3A_40 = tpu.memref_slice %arg6[%dma_start3A_38, %dma_start3A_39] : memref<10000x128xf32, #tpu.memory_space<vmem_shared>> -> memref<80x128xf32, #tpu.memory_space<vmem_shared>>
        tpu.enqueue_dma source(%arg7 : memref<80x128xf32, #tpu.memory_space<vmem>>) target(%dma_start3A_40 : memref<80x128xf32, #tpu.memory_space<vmem_shared>>) target_semaphore(%run_scoped3A : memref<!tpu.dma_semaphore, #tpu.memory_space<semaphore_mem>>)
        %dma_wait3A = arith.constant 9480 : i32
        %dma_wait3A_41 = arith.constant 0 : i32
        %dma_wait3A_42 = tpu.memref_slice %arg6[%dma_wait3A, %dma_wait3A_41] : memref<10000x128xf32, #tpu.memory_space<vmem_shared>> -> memref<80x128xf32, #tpu.memory_space<vmem_shared>>
        %dma_wait3A_43 = arith.constant 9480 : i32
        %dma_wait3A_44 = arith.constant 0 : i32
        %dma_wait3A_45 = tpu.memref_slice %arg6[%dma_wait3A_43, %dma_wait3A_44] : memref<10000x128xf32, #tpu.memory_space<vmem_shared>> -> memref<80x128xf32, #tpu.memory_space<vmem_shared>>
        tpu.wait_dma2 semaphore(%run_scoped3A : memref<!tpu.dma_semaphore, #tpu.memory_space<semaphore_mem>>) src(%arg7 : memref<80x128xf32, #tpu.memory_space<vmem>>) dst(%dma_wait3A_45 : memref<80x128xf32, #tpu.memory_space<vmem_shared>>)
        tpu.yield
      }) : () -> ()
      "tpu.region"() ({
        %run_scoped3A = tpu.sem_alloc : memref<!tpu.dma_semaphore, #tpu.memory_space<semaphore_mem>>
        %dma_start3A = arith.constant 9560 : i32
        %dma_start3A_36 = arith.constant 0 : i32
        %dma_start3A_37 = tpu.memref_slice %arg6[%dma_start3A, %dma_start3A_36] : memref<10000x128xf32, #tpu.memory_space<vmem_shared>> -> memref<80x128xf32, #tpu.memory_space<vmem_shared>>
        %dma_start3A_38 = arith.constant 9560 : i32
        %dma_start3A_39 = arith.constant 0 : i32
        %dma_start3A_40 = tpu.memref_slice %arg6[%dma_start3A_38, %dma_start3A_39] : memref<10000x128xf32, #tpu.memory_space<vmem_shared>> -> memref<80x128xf32, #tpu.memory_space<vmem_shared>>
        tpu.enqueue_dma source(%arg7 : memref<80x128xf32, #tpu.memory_space<vmem>>) target(%dma_start3A_40 : memref<80x128xf32, #tpu.memory_space<vmem_shared>>) target_semaphore(%run_scoped3A : memref<!tpu.dma_semaphore, #tpu.memory_space<semaphore_mem>>)
        %dma_wait3A = arith.constant 9560 : i32
        %dma_wait3A_41 = arith.constant 0 : i32
        %dma_wait3A_42 = tpu.memref_slice %arg6[%dma_wait3A, %dma_wait3A_41] : memref<10000x128xf32, #tpu.memory_space<vmem_shared>> -> memref<80x128xf32, #tpu.memory_space<vmem_shared>>
        %dma_wait3A_43 = arith.constant 9560 : i32
        %dma_wait3A_44 = arith.constant 0 : i32
        %dma_wait3A_45 = tpu.memref_slice %arg6[%dma_wait3A_43, %dma_wait3A_44] : memref<10000x128xf32, #tpu.memory_space<vmem_shared>> -> memref<80x128xf32, #tpu.memory_space<vmem_shared>>
        tpu.wait_dma2 semaphore(%run_scoped3A : memref<!tpu.dma_semaphore, #tpu.memory_space<semaphore_mem>>) src(%arg7 : memref<80x128xf32, #tpu.memory_space<vmem>>) dst(%dma_wait3A_45 : memref<80x128xf32, #tpu.memory_space<vmem_shared>>)
        tpu.yield
      }) : () -> ()
      "tpu.region"() ({
        %run_scoped3A = tpu.sem_alloc : memref<!tpu.dma_semaphore, #tpu.memory_space<semaphore_mem>>
        %dma_start3A = arith.constant 9640 : i32
        %dma_start3A_36 = arith.constant 0 : i32
        %dma_start3A_37 = tpu.memref_slice %arg6[%dma_start3A, %dma_start3A_36] : memref<10000x128xf32, #tpu.memory_space<vmem_shared>> -> memref<80x128xf32, #tpu.memory_space<vmem_shared>>
        %dma_start3A_38 = arith.constant 9640 : i32
        %dma_start3A_39 = arith.constant 0 : i32
        %dma_start3A_40 = tpu.memref_slice %arg6[%dma_start3A_38, %dma_start3A_39] : memref<10000x128xf32, #tpu.memory_space<vmem_shared>> -> memref<80x128xf32, #tpu.memory_space<vmem_shared>>
        tpu.enqueue_dma source(%arg7 : memref<80x128xf32, #tpu.memory_space<vmem>>) target(%dma_start3A_40 : memref<80x128xf32, #tpu.memory_space<vmem_shared>>) target_semaphore(%run_scoped3A : memref<!tpu.dma_semaphore, #tpu.memory_space<semaphore_mem>>)
        %dma_wait3A = arith.constant 9640 : i32
        %dma_wait3A_41 = arith.constant 0 : i32
        %dma_wait3A_42 = tpu.memref_slice %arg6[%dma_wait3A, %dma_wait3A_41] : memref<10000x128xf32, #tpu.memory_space<vmem_shared>> -> memref<80x128xf32, #tpu.memory_space<vmem_shared>>
        %dma_wait3A_43 = arith.constant 9640 : i32
        %dma_wait3A_44 = arith.constant 0 : i32
        %dma_wait3A_45 = tpu.memref_slice %arg6[%dma_wait3A_43, %dma_wait3A_44] : memref<10000x128xf32, #tpu.memory_space<vmem_shared>> -> memref<80x128xf32, #tpu.memory_space<vmem_shared>>
        tpu.wait_dma2 semaphore(%run_scoped3A : memref<!tpu.dma_semaphore, #tpu.memory_space<semaphore_mem>>) src(%arg7 : memref<80x128xf32, #tpu.memory_space<vmem>>) dst(%dma_wait3A_45 : memref<80x128xf32, #tpu.memory_space<vmem_shared>>)
        tpu.yield
      }) : () -> ()
      "tpu.region"() ({
        %run_scoped3A = tpu.sem_alloc : memref<!tpu.dma_semaphore, #tpu.memory_space<semaphore_mem>>
        %dma_start3A = arith.constant 9720 : i32
        %dma_start3A_36 = arith.constant 0 : i32
        %dma_start3A_37 = tpu.memref_slice %arg6[%dma_start3A, %dma_start3A_36] : memref<10000x128xf32, #tpu.memory_space<vmem_shared>> -> memref<80x128xf32, #tpu.memory_space<vmem_shared>>
        %dma_start3A_38 = arith.constant 9720 : i32
        %dma_start3A_39 = arith.constant 0 : i32
        %dma_start3A_40 = tpu.memref_slice %arg6[%dma_start3A_38, %dma_start3A_39] : memref<10000x128xf32, #tpu.memory_space<vmem_shared>> -> memref<80x128xf32, #tpu.memory_space<vmem_shared>>
        tpu.enqueue_dma source(%arg7 : memref<80x128xf32, #tpu.memory_space<vmem>>) target(%dma_start3A_40 : memref<80x128xf32, #tpu.memory_space<vmem_shared>>) target_semaphore(%run_scoped3A : memref<!tpu.dma_semaphore, #tpu.memory_space<semaphore_mem>>)
        %dma_wait3A = arith.constant 9720 : i32
        %dma_wait3A_41 = arith.constant 0 : i32
        %dma_wait3A_42 = tpu.memref_slice %arg6[%dma_wait3A, %dma_wait3A_41] : memref<10000x128xf32, #tpu.memory_space<vmem_shared>> -> memref<80x128xf32, #tpu.memory_space<vmem_shared>>
        %dma_wait3A_43 = arith.constant 9720 : i32
        %dma_wait3A_44 = arith.constant 0 : i32
        %dma_wait3A_45 = tpu.memref_slice %arg6[%dma_wait3A_43, %dma_wait3A_44] : memref<10000x128xf32, #tpu.memory_space<vmem_shared>> -> memref<80x128xf32, #tpu.memory_space<vmem_shared>>
        tpu.wait_dma2 semaphore(%run_scoped3A : memref<!tpu.dma_semaphore, #tpu.memory_space<semaphore_mem>>) src(%arg7 : memref<80x128xf32, #tpu.memory_space<vmem>>) dst(%dma_wait3A_45 : memref<80x128xf32, #tpu.memory_space<vmem_shared>>)
        tpu.yield
      }) : () -> ()
      "tpu.region"() ({
        %run_scoped3A = tpu.sem_alloc : memref<!tpu.dma_semaphore, #tpu.memory_space<semaphore_mem>>
        %dma_start3A = arith.constant 9800 : i32
        %dma_start3A_36 = arith.constant 0 : i32
        %dma_start3A_37 = tpu.memref_slice %arg6[%dma_start3A, %dma_start3A_36] : memref<10000x128xf32, #tpu.memory_space<vmem_shared>> -> memref<80x128xf32, #tpu.memory_space<vmem_shared>>
        %dma_start3A_38 = arith.constant 9800 : i32
        %dma_start3A_39 = arith.constant 0 : i32
        %dma_start3A_40 = tpu.memref_slice %arg6[%dma_start3A_38, %dma_start3A_39] : memref<10000x128xf32, #tpu.memory_space<vmem_shared>> -> memref<80x128xf32, #tpu.memory_space<vmem_shared>>
        tpu.enqueue_dma source(%arg7 : memref<80x128xf32, #tpu.memory_space<vmem>>) target(%dma_start3A_40 : memref<80x128xf32, #tpu.memory_space<vmem_shared>>) target_semaphore(%run_scoped3A : memref<!tpu.dma_semaphore, #tpu.memory_space<semaphore_mem>>)
        %dma_wait3A = arith.constant 9800 : i32
        %dma_wait3A_41 = arith.constant 0 : i32
        %dma_wait3A_42 = tpu.memref_slice %arg6[%dma_wait3A, %dma_wait3A_41] : memref<10000x128xf32, #tpu.memory_space<vmem_shared>> -> memref<80x128xf32, #tpu.memory_space<vmem_shared>>
        %dma_wait3A_43 = arith.constant 9800 : i32
        %dma_wait3A_44 = arith.constant 0 : i32
        %dma_wait3A_45 = tpu.memref_slice %arg6[%dma_wait3A_43, %dma_wait3A_44] : memref<10000x128xf32, #tpu.memory_space<vmem_shared>> -> memref<80x128xf32, #tpu.memory_space<vmem_shared>>
        tpu.wait_dma2 semaphore(%run_scoped3A : memref<!tpu.dma_semaphore, #tpu.memory_space<semaphore_mem>>) src(%arg7 : memref<80x128xf32, #tpu.memory_space<vmem>>) dst(%dma_wait3A_45 : memref<80x128xf32, #tpu.memory_space<vmem_shared>>)
        tpu.yield
      }) : () -> ()
      "tpu.region"() ({
        %run_scoped3A = tpu.sem_alloc : memref<!tpu.dma_semaphore, #tpu.memory_space<semaphore_mem>>
        %dma_start3A = arith.constant 9880 : i32
        %dma_start3A_36 = arith.constant 0 : i32
        %dma_start3A_37 = tpu.memref_slice %arg6[%dma_start3A, %dma_start3A_36] : memref<10000x128xf32, #tpu.memory_space<vmem_shared>> -> memref<80x128xf32, #tpu.memory_space<vmem_shared>>
        %dma_start3A_38 = arith.constant 9880 : i32
        %dma_start3A_39 = arith.constant 0 : i32
        %dma_start3A_40 = tpu.memref_slice %arg6[%dma_start3A_38, %dma_start3A_39] : memref<10000x128xf32, #tpu.memory_space<vmem_shared>> -> memref<80x128xf32, #tpu.memory_space<vmem_shared>>
        tpu.enqueue_dma source(%arg7 : memref<80x128xf32, #tpu.memory_space<vmem>>) target(%dma_start3A_40 : memref<80x128xf32, #tpu.memory_space<vmem_shared>>) target_semaphore(%run_scoped3A : memref<!tpu.dma_semaphore, #tpu.memory_space<semaphore_mem>>)
        %dma_wait3A = arith.constant 9880 : i32
        %dma_wait3A_41 = arith.constant 0 : i32
        %dma_wait3A_42 = tpu.memref_slice %arg6[%dma_wait3A, %dma_wait3A_41] : memref<10000x128xf32, #tpu.memory_space<vmem_shared>> -> memref<80x128xf32, #tpu.memory_space<vmem_shared>>
        %dma_wait3A_43 = arith.constant 9880 : i32
        %dma_wait3A_44 = arith.constant 0 : i32
        %dma_wait3A_45 = tpu.memref_slice %arg6[%dma_wait3A_43, %dma_wait3A_44] : memref<10000x128xf32, #tpu.memory_space<vmem_shared>> -> memref<80x128xf32, #tpu.memory_space<vmem_shared>>
        tpu.wait_dma2 semaphore(%run_scoped3A : memref<!tpu.dma_semaphore, #tpu.memory_space<semaphore_mem>>) src(%arg7 : memref<80x128xf32, #tpu.memory_space<vmem>>) dst(%dma_wait3A_45 : memref<80x128xf32, #tpu.memory_space<vmem_shared>>)
        tpu.yield
      }) : () -> ()
      "tpu.region"() ({
        %run_scoped3A = tpu.sem_alloc : memref<!tpu.dma_semaphore, #tpu.memory_space<semaphore_mem>>
        %dma_start3A = arith.constant 0 : i32
        %dma_start3A_36 = arith.constant 0 : i32
        %dma_start3A_37 = tpu.memref_slice %arg7[%dma_start3A, %dma_start3A_36] : memref<80x128xf32, #tpu.memory_space<vmem>> -> memref<40x128xf32, #tpu.memory_space<vmem>>
        %dma_start3A_38 = arith.constant 9960 : i32
        %dma_start3A_39 = arith.constant 0 : i32
        %dma_start3A_40 = tpu.memref_slice %arg6[%dma_start3A_38, %dma_start3A_39] : memref<10000x128xf32, #tpu.memory_space<vmem_shared>> -> memref<40x128xf32, #tpu.memory_space<vmem_shared>>
        %dma_start3A_41 = arith.constant 9960 : i32
        %dma_start3A_42 = arith.constant 0 : i32
        %dma_start3A_43 = tpu.memref_slice %arg6[%dma_start3A_41, %dma_start3A_42] : memref<10000x128xf32, #tpu.memory_space<vmem_shared>> -> memref<40x128xf32, #tpu.memory_space<vmem_shared>>
        %dma_start3A_44 = arith.constant 0 : i32
        %dma_start3A_45 = arith.constant 0 : i32
        %dma_start3A_46 = tpu.memref_slice %arg7[%dma_start3A_44, %dma_start3A_45] : memref<80x128xf32, #tpu.memory_space<vmem>> -> memref<40x128xf32, #tpu.memory_space<vmem>>
        tpu.enqueue_dma source(%dma_start3A_46 : memref<40x128xf32, #tpu.memory_space<vmem>>) target(%dma_start3A_43 : memref<40x128xf32, #tpu.memory_space<vmem_shared>>) target_semaphore(%run_scoped3A : memref<!tpu.dma_semaphore, #tpu.memory_space<semaphore_mem>>)
        %dma_wait3A = arith.constant 0 : i32
        %dma_wait3A_47 = arith.constant 0 : i32
        %dma_wait3A_48 = tpu.memref_slice %arg7[%dma_wait3A, %dma_wait3A_47] : memref<80x128xf32, #tpu.memory_space<vmem>> -> memref<40x128xf32, #tpu.memory_space<vmem>>
        %dma_wait3A_49 = arith.constant 9960 : i32
        %dma_wait3A_50 = arith.constant 0 : i32
        %dma_wait3A_51 = tpu.memref_slice %arg6[%dma_wait3A_49, %dma_wait3A_50] : memref<10000x128xf32, #tpu.memory_space<vmem_shared>> -> memref<40x128xf32, #tpu.memory_space<vmem_shared>>
        %dma_wait3A_52 = arith.constant 9960 : i32
        %dma_wait3A_53 = arith.constant 0 : i32
        %dma_wait3A_54 = tpu.memref_slice %arg6[%dma_wait3A_52, %dma_wait3A_53] : memref<10000x128xf32, #tpu.memory_space<vmem_shared>> -> memref<40x128xf32, #tpu.memory_space<vmem_shared>>
        %dma_wait3A_55 = arith.constant 0 : i32
        %dma_wait3A_56 = arith.constant 0 : i32
        %dma_wait3A_57 = tpu.memref_slice %arg7[%dma_wait3A_55, %dma_wait3A_56] : memref<80x128xf32, #tpu.memory_space<vmem>> -> memref<40x128xf32, #tpu.memory_space<vmem>>
        tpu.wait_dma2 semaphore(%run_scoped3A : memref<!tpu.dma_semaphore, #tpu.memory_space<semaphore_mem>>) src(%dma_wait3A_57 : memref<40x128xf32, #tpu.memory_space<vmem>>) dst(%dma_wait3A_54 : memref<40x128xf32, #tpu.memory_space<vmem_shared>>)
        tpu.yield
      }) : () -> ()
    } else {
    }
    %barrier3A = arith.constant 0 : index
    tpu.barrier barrier_id(%barrier3A)
    %mul3A_12 = arith.constant 20000 : i32
    %mul3A_13 = arith.muli %arg1, %mul3A_12 : i32
    %multiple_of3A_14 = tpu.assume_multiple %mul3A_13, 8 : i32
    %eq3A_15 = arith.constant 0 : i32
    %eq3A_16 = arith.cmpi eq, %arg0, %eq3A_15 : i32
    %convert_element_type3A_17 = arith.extui %eq3A_16 : i1 to i32
    %cond3A_18 = arith.constant 0 : i32
    %cond3A_19 = arith.cmpi ne, %convert_element_type3A_17, %cond3A_18 : i32
    scf.if %cond3A_19 {
      %scan3A_36 = arith.constant 0 : i32
      %scan3A_37 = arith.constant 0 : i32
      %scan3A_38 = arith.constant 63 : i32
      %scan3A_39 = arith.addi %scan3A_37, %scan3A_38 : i32
      %scan3A_40 = arith.constant 1 : i32
      scf.for %scan3A_47 = %scan3A_37 to %scan3A_39 step %scan3A_40  : i32 {
        %mul3A_48 = arith.constant 4 : i32
        %mul3A_49 = arith.muli %mul3A_48, %scan3A_47 : i32
        %add3A = arith.constant 0 : i32
        %add3A_50 = arith.addi %mul3A_49, %add3A : i32
        %sub3A = arith.constant 2 : i32
        %sub3A_51 = arith.subi %add3A_50, %sub3A : i32
        %ge3A = arith.constant 2 : i32
        %ge3A_52 = arith.cmpi sge, %sub3A_51, %ge3A : i32
        %convert_element_type3A_53 = arith.extui %ge3A_52 : i1 to i32
        %cond3A_54 = arith.constant 0 : i32
        %cond3A_55 = arith.cmpi ne, %convert_element_type3A_53, %cond3A_54 : i32
        scf.if %cond3A_55 {
          %dma_wait3A_196 = arith.constant 0 : i32
          %dma_wait3A_197 = arith.constant 0 : i32
          %dma_wait3A_198 = tpu.memref_slice %arg6[%dma_wait3A_196, %dma_wait3A_197] : memref<10000x128xf32, #tpu.memory_space<vmem_shared>> -> memref<10000x128xf32, #tpu.memory_space<vmem_shared>>
          tpu.wait_indirect_dma semaphore(%arg23 : memref<!tpu.dma_semaphore, #tpu.memory_space<semaphore_mem>>) src(%arg7 : memref<80x128xf32, #tpu.memory_space<vmem>>) dst(%dma_wait3A_198 : memref<10000x128xf32, #tpu.memory_space<vmem_shared>>)
        } else {
        }
        %add3A_56 = arith.constant 2 : i32
        %add3A_57 = arith.addi %sub3A_51, %add3A_56 : i32
        %lt3A_58 = arith.constant 250 : i32
        %lt3A_59 = arith.cmpi slt, %add3A_57, %lt3A_58 : i32
        %convert_element_type3A_60 = arith.extui %lt3A_59 : i1 to i32
        %cond3A_61 = arith.constant 0 : i32
        %cond3A_62 = arith.cmpi ne, %convert_element_type3A_60, %cond3A_61 : i32
        scf.if %cond3A_62 {
          %add3A_196 = arith.constant 2 : i32
          %add3A_197 = arith.addi %sub3A_51, %add3A_196 : i32
          %mul3A_198 = arith.constant 80 : i32
          %mul3A_199 = arith.muli %add3A_197, %mul3A_198 : i32
          %add3A_200 = arith.addi %multiple_of3A_14, %mul3A_199 : i32
          %multiple_of3A_201 = tpu.assume_multiple %add3A_200, 8 : i32
          %add3A_202 = arith.constant 0 : i32
          %add3A_203 = arith.addi %add3A_202, %multiple_of3A_201 : i32
          %dma_start3A = tpu.memref_slice %arg3[%add3A_203] : memref<1280000xi32, #tpu.memory_space<hbm>> -> memref<80xi32, #tpu.memory_space<hbm>>
          %dma_start3A_204 = tpu.memref_slice %arg3[%add3A_203] : memref<1280000xi32, #tpu.memory_space<hbm>> -> memref<80xi32, #tpu.memory_space<hbm>>
          tpu.enqueue_dma source(%dma_start3A_204 : memref<80xi32, #tpu.memory_space<hbm>>) target(%arg11 : memref<80xi32, #tpu.memory_space<vmem>>) target_semaphore(%arg27 : memref<!tpu.dma_semaphore, #tpu.memory_space<semaphore_mem>>)
          %add3A_205 = arith.constant 320000 : i32
          %add3A_206 = arith.addi %add3A_205, %multiple_of3A_201 : i32
          %dma_start3A_207 = tpu.memref_slice %arg3[%add3A_206] : memref<1280000xi32, #tpu.memory_space<hbm>> -> memref<80xi32, #tpu.memory_space<hbm>>
          %dma_start3A_208 = tpu.memref_slice %arg3[%add3A_206] : memref<1280000xi32, #tpu.memory_space<hbm>> -> memref<80xi32, #tpu.memory_space<hbm>>
          tpu.enqueue_dma source(%dma_start3A_208 : memref<80xi32, #tpu.memory_space<hbm>>) target(%arg15 : memref<80xi32, #tpu.memory_space<vmem>>) target_semaphore(%arg27 : memref<!tpu.dma_semaphore, #tpu.memory_space<semaphore_mem>>)
        } else {
        }
        %add3A_63 = arith.constant 1 : i32
        %add3A_64 = arith.addi %sub3A_51, %add3A_63 : i32
        %ge3A_65 = arith.constant 0 : i32
        %ge3A_66 = arith.cmpi sge, %add3A_64, %ge3A_65 : i32
        %add3A_67 = arith.constant 1 : i32
        %add3A_68 = arith.addi %sub3A_51, %add3A_67 : i32
        %lt3A_69 = arith.constant 250 : i32
        %lt3A_70 = arith.cmpi slt, %add3A_68, %lt3A_69 : i32
        %and3A = arith.andi %ge3A_66, %lt3A_70 : i1
        %convert_element_type3A_71 = arith.extui %and3A : i1 to i32
        %cond3A_72 = arith.constant 0 : i32
        %cond3A_73 = arith.cmpi ne, %convert_element_type3A_71, %cond3A_72 : i32
        scf.if %cond3A_73 {
          %dma_wait3A_196 = arith.constant 0 : i32
          %dma_wait3A_197 = tpu.memref_slice %arg3[%dma_wait3A_196] : memref<1280000xi32, #tpu.memory_space<hbm>> -> memref<80xi32, #tpu.memory_space<hbm>>
          %dma_wait3A_198 = arith.constant 0 : i32
          %dma_wait3A_199 = tpu.memref_slice %arg3[%dma_wait3A_198] : memref<1280000xi32, #tpu.memory_space<hbm>> -> memref<80xi32, #tpu.memory_space<hbm>>
          tpu.wait_dma2 semaphore(%arg30 : memref<!tpu.dma_semaphore, #tpu.memory_space<semaphore_mem>>) src(%dma_wait3A_199 : memref<80xi32, #tpu.memory_space<hbm>>) dst(%arg14 : memref<80xi32, #tpu.memory_space<vmem>>)
          %dma_wait3A_200 = arith.constant 0 : i32
          %dma_wait3A_201 = tpu.memref_slice %arg3[%dma_wait3A_200] : memref<1280000xi32, #tpu.memory_space<hbm>> -> memref<80xi32, #tpu.memory_space<hbm>>
          %dma_wait3A_202 = arith.constant 0 : i32
          %dma_wait3A_203 = tpu.memref_slice %arg3[%dma_wait3A_202] : memref<1280000xi32, #tpu.memory_space<hbm>> -> memref<80xi32, #tpu.memory_space<hbm>>
          tpu.wait_dma2 semaphore(%arg30 : memref<!tpu.dma_semaphore, #tpu.memory_space<semaphore_mem>>) src(%dma_wait3A_203 : memref<80xi32, #tpu.memory_space<hbm>>) dst(%arg18 : memref<80xi32, #tpu.memory_space<vmem>>)
          %get3A = arith.constant 0 : index
          %get3A_204 = tpu.vector_load %arg14[%get3A] {strides = array<i32>} : memref<80xi32, #tpu.memory_space<vmem>>, vector<16xi32>,
          %get3A_205 = vector.shape_cast %get3A_204 : vector<16xi32> to vector<16xi32>
          %add3A_206 = arith.constant 10000 : i32
          %add3A_207 = vector.broadcast %add3A_206 : i32 to vector<16xi32>
          %add3A_208 = arith.addi %get3A_205, %add3A_207 : vector<16xi32>
          %swap3A = arith.constant 0 : index
          %swap3A_209 = tpu.vector_load %arg14[%swap3A] {strides = array<i32>} : memref<80xi32, #tpu.memory_space<vmem>>, vector<16xi32>,
          %swap3A_210 = vector.shape_cast %swap3A_209 : vector<16xi32> to vector<16xi32>
          %swap3A_211 = vector.shape_cast %add3A_208 : vector<16xi32> to vector<16xi32>
          tpu.vector_store %arg14[%swap3A], %swap3A_211 {strides = array<i32>} : memref<80xi32, #tpu.memory_space<vmem>>, vector<16xi32>,
          %get3A_212 = arith.constant 16 : index
          %get3A_213 = tpu.vector_load %arg14[%get3A_212] {strides = array<i32>} : memref<80xi32, #tpu.memory_space<vmem>>, vector<16xi32>,
          %get3A_214 = vector.shape_cast %get3A_213 : vector<16xi32> to vector<16xi32>
          %add3A_215 = arith.constant 10000 : i32
          %add3A_216 = vector.broadcast %add3A_215 : i32 to vector<16xi32>
          %add3A_217 = arith.addi %get3A_214, %add3A_216 : vector<16xi32>
          %swap3A_218 = arith.constant 16 : index
          %swap3A_219 = tpu.vector_load %arg14[%swap3A_218] {strides = array<i32>} : memref<80xi32, #tpu.memory_space<vmem>>, vector<16xi32>,
          %swap3A_220 = vector.shape_cast %swap3A_219 : vector<16xi32> to vector<16xi32>
          %swap3A_221 = vector.shape_cast %add3A_217 : vector<16xi32> to vector<16xi32>
          tpu.vector_store %arg14[%swap3A_218], %swap3A_221 {strides = array<i32>} : memref<80xi32, #tpu.memory_space<vmem>>, vector<16xi32>,
          %get3A_222 = arith.constant 32 : index
          %get3A_223 = tpu.vector_load %arg14[%get3A_222] {strides = array<i32>} : memref<80xi32, #tpu.memory_space<vmem>>, vector<16xi32>,
          %get3A_224 = vector.shape_cast %get3A_223 : vector<16xi32> to vector<16xi32>
          %add3A_225 = arith.constant 10000 : i32
          %add3A_226 = vector.broadcast %add3A_225 : i32 to vector<16xi32>
          %add3A_227 = arith.addi %get3A_224, %add3A_226 : vector<16xi32>
          %swap3A_228 = arith.constant 32 : index
          %swap3A_229 = tpu.vector_load %arg14[%swap3A_228] {strides = array<i32>} : memref<80xi32, #tpu.memory_space<vmem>>, vector<16xi32>,
          %swap3A_230 = vector.shape_cast %swap3A_229 : vector<16xi32> to vector<16xi32>
          %swap3A_231 = vector.shape_cast %add3A_227 : vector<16xi32> to vector<16xi32>
          tpu.vector_store %arg14[%swap3A_228], %swap3A_231 {strides = array<i32>} : memref<80xi32, #tpu.memory_space<vmem>>, vector<16xi32>,
          %get3A_232 = arith.constant 48 : index
          %get3A_233 = tpu.vector_load %arg14[%get3A_232] {strides = array<i32>} : memref<80xi32, #tpu.memory_space<vmem>>, vector<16xi32>,
          %get3A_234 = vector.shape_cast %get3A_233 : vector<16xi32> to vector<16xi32>
          %add3A_235 = arith.constant 10000 : i32
          %add3A_236 = vector.broadcast %add3A_235 : i32 to vector<16xi32>
          %add3A_237 = arith.addi %get3A_234, %add3A_236 : vector<16xi32>
          %swap3A_238 = arith.constant 48 : index
          %swap3A_239 = tpu.vector_load %arg14[%swap3A_238] {strides = array<i32>} : memref<80xi32, #tpu.memory_space<vmem>>, vector<16xi32>,
          %swap3A_240 = vector.shape_cast %swap3A_239 : vector<16xi32> to vector<16xi32>
          %swap3A_241 = vector.shape_cast %add3A_237 : vector<16xi32> to vector<16xi32>
          tpu.vector_store %arg14[%swap3A_238], %swap3A_241 {strides = array<i32>} : memref<80xi32, #tpu.memory_space<vmem>>, vector<16xi32>,
          %get3A_242 = arith.constant 64 : index
          %get3A_243 = tpu.vector_load %arg14[%get3A_242] {strides = array<i32>} : memref<80xi32, #tpu.memory_space<vmem>>, vector<16xi32>,
          %get3A_244 = vector.shape_cast %get3A_243 : vector<16xi32> to vector<16xi32>
          %add3A_245 = arith.constant 10000 : i32
          %add3A_246 = vector.broadcast %add3A_245 : i32 to vector<16xi32>
          %add3A_247 = arith.addi %get3A_244, %add3A_246 : vector<16xi32>
          %swap3A_248 = arith.constant 64 : index
          %swap3A_249 = tpu.vector_load %arg14[%swap3A_248] {strides = array<i32>} : memref<80xi32, #tpu.memory_space<vmem>>, vector<16xi32>,
          %swap3A_250 = vector.shape_cast %swap3A_249 : vector<16xi32> to vector<16xi32>
          %swap3A_251 = vector.shape_cast %add3A_247 : vector<16xi32> to vector<16xi32>
          tpu.vector_store %arg14[%swap3A_248], %swap3A_251 {strides = array<i32>} : memref<80xi32, #tpu.memory_space<vmem>>, vector<16xi32>,
          %dma_start3A = arith.constant 0 : i32
          %dma_start3A_252 = arith.constant 0 : i32
          %dma_start3A_253 = tpu.memref_slice %arg2[%dma_start3A, %dma_start3A_252] : memref<30000x128xf32, #tpu.memory_space<hbm>> -> memref<30000x128xf32, #tpu.memory_space<hbm>>
          tpu.enqueue_indirect_dma source(%dma_start3A_253 : memref<30000x128xf32, #tpu.memory_space<hbm>>) target(%arg10 : memref<80x128xf32, #tpu.memory_space<vmem>>) offsets(%arg14 : memref<80xi32, #tpu.memory_space<vmem>>) semaphore(%arg22 : memref<!tpu.dma_semaphore, #tpu.memory_space<semaphore_mem>>)
        } else {
        }
        %ge3A_74 = arith.constant 0 : i32
        %ge3A_75 = arith.cmpi sge, %sub3A_51, %ge3A_74 : i32
        %lt3A_76 = arith.constant 250 : i32
        %lt3A_77 = arith.cmpi slt, %sub3A_51, %lt3A_76 : i32
        %and3A_78 = arith.andi %ge3A_75, %lt3A_77 : i1
        %convert_element_type3A_79 = arith.extui %and3A_78 : i1 to i32
        %cond3A_80 = arith.constant 0 : i32
        %cond3A_81 = arith.cmpi ne, %convert_element_type3A_79, %cond3A_80 : i32
        scf.if %cond3A_81 {
          %dma_wait3A_196 = arith.constant 0 : i32
          %dma_wait3A_197 = arith.constant 0 : i32
          %dma_wait3A_198 = tpu.memref_slice %arg2[%dma_wait3A_196, %dma_wait3A_197] : memref<30000x128xf32, #tpu.memory_space<hbm>> -> memref<30000x128xf32, #tpu.memory_space<hbm>>
          tpu.wait_indirect_dma semaphore(%arg21 : memref<!tpu.dma_semaphore, #tpu.memory_space<semaphore_mem>>) src(%dma_wait3A_198 : memref<30000x128xf32, #tpu.memory_space<hbm>>) dst(%arg9 : memref<80x128xf32, #tpu.memory_space<vmem>>)
          %dma_start3A = arith.constant 0 : i32
          %dma_start3A_199 = arith.constant 0 : i32
          %dma_start3A_200 = tpu.memref_slice %arg6[%dma_start3A, %dma_start3A_199] : memref<10000x128xf32, #tpu.memory_space<vmem_shared>> -> memref<10000x128xf32, #tpu.memory_space<vmem_shared>>
          tpu.enqueue_indirect_dma source(%arg9 : memref<80x128xf32, #tpu.memory_space<vmem>>) target(%dma_start3A_200 : memref<10000x128xf32, #tpu.memory_space<vmem_shared>>) offsets(%arg17 : memref<80xi32, #tpu.memory_space<vmem>>) semaphore(%arg25 : memref<!tpu.dma_semaphore, #tpu.memory_space<semaphore_mem>>) {add = true}
        } else {
        }
        %mul3A_82 = arith.constant 4 : i32
        %mul3A_83 = arith.muli %mul3A_82, %scan3A_47 : i32
        %add3A_84 = arith.constant 1 : i32
        %add3A_85 = arith.addi %mul3A_83, %add3A_84 : i32
        %sub3A_86 = arith.constant 2 : i32
        %sub3A_87 = arith.subi %add3A_85, %sub3A_86 : i32
        %ge3A_88 = arith.constant 2 : i32
        %ge3A_89 = arith.cmpi sge, %sub3A_87, %ge3A_88 : i32
        %convert_element_type3A_90 = arith.extui %ge3A_89 : i1 to i32
        %cond3A_91 = arith.constant 0 : i32
        %cond3A_92 = arith.cmpi ne, %convert_element_type3A_90, %cond3A_91 : i32
        scf.if %cond3A_92 {
          %dma_wait3A_196 = arith.constant 0 : i32
          %dma_wait3A_197 = arith.constant 0 : i32
          %dma_wait3A_198 = tpu.memref_slice %arg6[%dma_wait3A_196, %dma_wait3A_197] : memref<10000x128xf32, #tpu.memory_space<vmem_shared>> -> memref<10000x128xf32, #tpu.memory_space<vmem_shared>>
          tpu.wait_indirect_dma semaphore(%arg24 : memref<!tpu.dma_semaphore, #tpu.memory_space<semaphore_mem>>) src(%arg8 : memref<80x128xf32, #tpu.memory_space<vmem>>) dst(%dma_wait3A_198 : memref<10000x128xf32, #tpu.memory_space<vmem_shared>>)
        } else {
        }
        %add3A_93 = arith.constant 2 : i32
        %add3A_94 = arith.addi %sub3A_87, %add3A_93 : i32
        %lt3A_95 = arith.constant 250 : i32
        %lt3A_96 = arith.cmpi slt, %add3A_94, %lt3A_95 : i32
        %convert_element_type3A_97 = arith.extui %lt3A_96 : i1 to i32
        %cond3A_98 = arith.constant 0 : i32
        %cond3A_99 = arith.cmpi ne, %convert_element_type3A_97, %cond3A_98 : i32
        scf.if %cond3A_99 {
          %add3A_196 = arith.constant 2 : i32
          %add3A_197 = arith.addi %sub3A_87, %add3A_196 : i32
          %mul3A_198 = arith.constant 80 : i32
          %mul3A_199 = arith.muli %add3A_197, %mul3A_198 : i32
          %add3A_200 = arith.addi %multiple_of3A_14, %mul3A_199 : i32
          %multiple_of3A_201 = tpu.assume_multiple %add3A_200, 8 : i32
          %add3A_202 = arith.constant 0 : i32
          %add3A_203 = arith.addi %add3A_202, %multiple_of3A_201 : i32
          %dma_start3A = tpu.memref_slice %arg3[%add3A_203] : memref<1280000xi32, #tpu.memory_space<hbm>> -> memref<80xi32, #tpu.memory_space<hbm>>
          %dma_start3A_204 = tpu.memref_slice %arg3[%add3A_203] : memref<1280000xi32, #tpu.memory_space<hbm>> -> memref<80xi32, #tpu.memory_space<hbm>>
          tpu.enqueue_dma source(%dma_start3A_204 : memref<80xi32, #tpu.memory_space<hbm>>) target(%arg12 : memref<80xi32, #tpu.memory_space<vmem>>) target_semaphore(%arg28 : memref<!tpu.dma_semaphore, #tpu.memory_space<semaphore_mem>>)
          %add3A_205 = arith.constant 320000 : i32
          %add3A_206 = arith.addi %add3A_205, %multiple_of3A_201 : i32
          %dma_start3A_207 = tpu.memref_slice %arg3[%add3A_206] : memref<1280000xi32, #tpu.memory_space<hbm>> -> memref<80xi32, #tpu.memory_space<hbm>>
          %dma_start3A_208 = tpu.memref_slice %arg3[%add3A_206] : memref<1280000xi32, #tpu.memory_space<hbm>> -> memref<80xi32, #tpu.memory_space<hbm>>
          tpu.enqueue_dma source(%dma_start3A_208 : memref<80xi32, #tpu.memory_space<hbm>>) target(%arg16 : memref<80xi32, #tpu.memory_space<vmem>>) target_semaphore(%arg28 : memref<!tpu.dma_semaphore, #tpu.memory_space<semaphore_mem>>)
        } else {
        }
        %add3A_100 = arith.constant 1 : i32
        %add3A_101 = arith.addi %sub3A_87, %add3A_100 : i32
        %ge3A_102 = arith.constant 0 : i32
        %ge3A_103 = arith.cmpi sge, %add3A_101, %ge3A_102 : i32
        %add3A_104 = arith.constant 1 : i32
        %add3A_105 = arith.addi %sub3A_87, %add3A_104 : i32
        %lt3A_106 = arith.constant 250 : i32
        %lt3A_107 = arith.cmpi slt, %add3A_105, %lt3A_106 : i32
        %and3A_108 = arith.andi %ge3A_103, %lt3A_107 : i1
        %convert_element_type3A_109 = arith.extui %and3A_108 : i1 to i32
        %cond3A_110 = arith.constant 0 : i32
        %cond3A_111 = arith.cmpi ne, %convert_element_type3A_109, %cond3A_110 : i32
        scf.if %cond3A_111 {
          %dma_wait3A_196 = arith.constant 0 : i32
          %dma_wait3A_197 = tpu.memref_slice %arg3[%dma_wait3A_196] : memref<1280000xi32, #tpu.memory_space<hbm>> -> memref<80xi32, #tpu.memory_space<hbm>>
          %dma_wait3A_198 = arith.constant 0 : i32
          %dma_wait3A_199 = tpu.memref_slice %arg3[%dma_wait3A_198] : memref<1280000xi32, #tpu.memory_space<hbm>> -> memref<80xi32, #tpu.memory_space<hbm>>
          tpu.wait_dma2 semaphore(%arg27 : memref<!tpu.dma_semaphore, #tpu.memory_space<semaphore_mem>>) src(%dma_wait3A_199 : memref<80xi32, #tpu.memory_space<hbm>>) dst(%arg11 : memref<80xi32, #tpu.memory_space<vmem>>)
          %dma_wait3A_200 = arith.constant 0 : i32
          %dma_wait3A_201 = tpu.memref_slice %arg3[%dma_wait3A_200] : memref<1280000xi32, #tpu.memory_space<hbm>> -> memref<80xi32, #tpu.memory_space<hbm>>
          %dma_wait3A_202 = arith.constant 0 : i32
          %dma_wait3A_203 = tpu.memref_slice %arg3[%dma_wait3A_202] : memref<1280000xi32, #tpu.memory_space<hbm>> -> memref<80xi32, #tpu.memory_space<hbm>>
          tpu.wait_dma2 semaphore(%arg27 : memref<!tpu.dma_semaphore, #tpu.memory_space<semaphore_mem>>) src(%dma_wait3A_203 : memref<80xi32, #tpu.memory_space<hbm>>) dst(%arg15 : memref<80xi32, #tpu.memory_space<vmem>>)
          %get3A = arith.constant 0 : index
          %get3A_204 = tpu.vector_load %arg11[%get3A] {strides = array<i32>} : memref<80xi32, #tpu.memory_space<vmem>>, vector<16xi32>,
          %get3A_205 = vector.shape_cast %get3A_204 : vector<16xi32> to vector<16xi32>
          %add3A_206 = arith.constant 10000 : i32
          %add3A_207 = vector.broadcast %add3A_206 : i32 to vector<16xi32>
          %add3A_208 = arith.addi %get3A_205, %add3A_207 : vector<16xi32>
          %swap3A = arith.constant 0 : index
          %swap3A_209 = tpu.vector_load %arg11[%swap3A] {strides = array<i32>} : memref<80xi32, #tpu.memory_space<vmem>>, vector<16xi32>,
          %swap3A_210 = vector.shape_cast %swap3A_209 : vector<16xi32> to vector<16xi32>
          %swap3A_211 = vector.shape_cast %add3A_208 : vector<16xi32> to vector<16xi32>
          tpu.vector_store %arg11[%swap3A], %swap3A_211 {strides = array<i32>} : memref<80xi32, #tpu.memory_space<vmem>>, vector<16xi32>,
          %get3A_212 = arith.constant 16 : index
          %get3A_213 = tpu.vector_load %arg11[%get3A_212] {strides = array<i32>} : memref<80xi32, #tpu.memory_space<vmem>>, vector<16xi32>,
          %get3A_214 = vector.shape_cast %get3A_213 : vector<16xi32> to vector<16xi32>
          %add3A_215 = arith.constant 10000 : i32
          %add3A_216 = vector.broadcast %add3A_215 : i32 to vector<16xi32>
          %add3A_217 = arith.addi %get3A_214, %add3A_216 : vector<16xi32>
          %swap3A_218 = arith.constant 16 : index
          %swap3A_219 = tpu.vector_load %arg11[%swap3A_218] {strides = array<i32>} : memref<80xi32, #tpu.memory_space<vmem>>, vector<16xi32>,
          %swap3A_220 = vector.shape_cast %swap3A_219 : vector<16xi32> to vector<16xi32>
          %swap3A_221 = vector.shape_cast %add3A_217 : vector<16xi32> to vector<16xi32>
          tpu.vector_store %arg11[%swap3A_218], %swap3A_221 {strides = array<i32>} : memref<80xi32, #tpu.memory_space<vmem>>, vector<16xi32>,
          %get3A_222 = arith.constant 32 : index
          %get3A_223 = tpu.vector_load %arg11[%get3A_222] {strides = array<i32>} : memref<80xi32, #tpu.memory_space<vmem>>, vector<16xi32>,
          %get3A_224 = vector.shape_cast %get3A_223 : vector<16xi32> to vector<16xi32>
          %add3A_225 = arith.constant 10000 : i32
          %add3A_226 = vector.broadcast %add3A_225 : i32 to vector<16xi32>
          %add3A_227 = arith.addi %get3A_224, %add3A_226 : vector<16xi32>
          %swap3A_228 = arith.constant 32 : index
          %swap3A_229 = tpu.vector_load %arg11[%swap3A_228] {strides = array<i32>} : memref<80xi32, #tpu.memory_space<vmem>>, vector<16xi32>,
          %swap3A_230 = vector.shape_cast %swap3A_229 : vector<16xi32> to vector<16xi32>
          %swap3A_231 = vector.shape_cast %add3A_227 : vector<16xi32> to vector<16xi32>
          tpu.vector_store %arg11[%swap3A_228], %swap3A_231 {strides = array<i32>} : memref<80xi32, #tpu.memory_space<vmem>>, vector<16xi32>,
          %get3A_232 = arith.constant 48 : index
          %get3A_233 = tpu.vector_load %arg11[%get3A_232] {strides = array<i32>} : memref<80xi32, #tpu.memory_space<vmem>>, vector<16xi32>,
          %get3A_234 = vector.shape_cast %get3A_233 : vector<16xi32> to vector<16xi32>
          %add3A_235 = arith.constant 10000 : i32
          %add3A_236 = vector.broadcast %add3A_235 : i32 to vector<16xi32>
          %add3A_237 = arith.addi %get3A_234, %add3A_236 : vector<16xi32>
          %swap3A_238 = arith.constant 48 : index
          %swap3A_239 = tpu.vector_load %arg11[%swap3A_238] {strides = array<i32>} : memref<80xi32, #tpu.memory_space<vmem>>, vector<16xi32>,
          %swap3A_240 = vector.shape_cast %swap3A_239 : vector<16xi32> to vector<16xi32>
          %swap3A_241 = vector.shape_cast %add3A_237 : vector<16xi32> to vector<16xi32>
          tpu.vector_store %arg11[%swap3A_238], %swap3A_241 {strides = array<i32>} : memref<80xi32, #tpu.memory_space<vmem>>, vector<16xi32>,
          %get3A_242 = arith.constant 64 : index
          %get3A_243 = tpu.vector_load %arg11[%get3A_242] {strides = array<i32>} : memref<80xi32, #tpu.memory_space<vmem>>, vector<16xi32>,
          %get3A_244 = vector.shape_cast %get3A_243 : vector<16xi32> to vector<16xi32>
          %add3A_245 = arith.constant 10000 : i32
          %add3A_246 = vector.broadcast %add3A_245 : i32 to vector<16xi32>
          %add3A_247 = arith.addi %get3A_244, %add3A_246 : vector<16xi32>
          %swap3A_248 = arith.constant 64 : index
          %swap3A_249 = tpu.vector_load %arg11[%swap3A_248] {strides = array<i32>} : memref<80xi32, #tpu.memory_space<vmem>>, vector<16xi32>,
          %swap3A_250 = vector.shape_cast %swap3A_249 : vector<16xi32> to vector<16xi32>
          %swap3A_251 = vector.shape_cast %add3A_247 : vector<16xi32> to vector<16xi32>
          tpu.vector_store %arg11[%swap3A_248], %swap3A_251 {strides = array<i32>} : memref<80xi32, #tpu.memory_space<vmem>>, vector<16xi32>,
          %dma_start3A = arith.constant 0 : i32
          %dma_start3A_252 = arith.constant 0 : i32
          %dma_start3A_253 = tpu.memref_slice %arg2[%dma_start3A, %dma_start3A_252] : memref<30000x128xf32, #tpu.memory_space<hbm>> -> memref<30000x128xf32, #tpu.memory_space<hbm>>
          tpu.enqueue_indirect_dma source(%dma_start3A_253 : memref<30000x128xf32, #tpu.memory_space<hbm>>) target(%arg7 : memref<80x128xf32, #tpu.memory_space<vmem>>) offsets(%arg11 : memref<80xi32, #tpu.memory_space<vmem>>) semaphore(%arg19 : memref<!tpu.dma_semaphore, #tpu.memory_space<semaphore_mem>>)
        } else {
        }
        %ge3A_112 = arith.constant 0 : i32
        %ge3A_113 = arith.cmpi sge, %sub3A_87, %ge3A_112 : i32
        %lt3A_114 = arith.constant 250 : i32
        %lt3A_115 = arith.cmpi slt, %sub3A_87, %lt3A_114 : i32
        %and3A_116 = arith.andi %ge3A_113, %lt3A_115 : i1
        %convert_element_type3A_117 = arith.extui %and3A_116 : i1 to i32
        %cond3A_118 = arith.constant 0 : i32
        %cond3A_119 = arith.cmpi ne, %convert_element_type3A_117, %cond3A_118 : i32
        scf.if %cond3A_119 {
          %dma_wait3A_196 = arith.constant 0 : i32
          %dma_wait3A_197 = arith.constant 0 : i32
          %dma_wait3A_198 = tpu.memref_slice %arg2[%dma_wait3A_196, %dma_wait3A_197] : memref<30000x128xf32, #tpu.memory_space<hbm>> -> memref<30000x128xf32, #tpu.memory_space<hbm>>
          tpu.wait_indirect_dma semaphore(%arg22 : memref<!tpu.dma_semaphore, #tpu.memory_space<semaphore_mem>>) src(%dma_wait3A_198 : memref<30000x128xf32, #tpu.memory_space<hbm>>) dst(%arg10 : memref<80x128xf32, #tpu.memory_space<vmem>>)
          %dma_start3A = arith.constant 0 : i32
          %dma_start3A_199 = arith.constant 0 : i32
          %dma_start3A_200 = tpu.memref_slice %arg6[%dma_start3A, %dma_start3A_199] : memref<10000x128xf32, #tpu.memory_space<vmem_shared>> -> memref<10000x128xf32, #tpu.memory_space<vmem_shared>>
          tpu.enqueue_indirect_dma source(%arg10 : memref<80x128xf32, #tpu.memory_space<vmem>>) target(%dma_start3A_200 : memref<10000x128xf32, #tpu.memory_space<vmem_shared>>) offsets(%arg18 : memref<80xi32, #tpu.memory_space<vmem>>) semaphore(%arg26 : memref<!tpu.dma_semaphore, #tpu.memory_space<semaphore_mem>>) {add = true}
        } else {
        }
        %mul3A_120 = arith.constant 4 : i32
        %mul3A_121 = arith.muli %mul3A_120, %scan3A_47 : i32
        %add3A_122 = arith.constant 2 : i32
        %add3A_123 = arith.addi %mul3A_121, %add3A_122 : i32
        %sub3A_124 = arith.constant 2 : i32
        %sub3A_125 = arith.subi %add3A_123, %sub3A_124 : i32
        %ge3A_126 = arith.constant 2 : i32
        %ge3A_127 = arith.cmpi sge, %sub3A_125, %ge3A_126 : i32
        %convert_element_type3A_128 = arith.extui %ge3A_127 : i1 to i32
        %cond3A_129 = arith.constant 0 : i32
        %cond3A_130 = arith.cmpi ne, %convert_element_type3A_128, %cond3A_129 : i32
        scf.if %cond3A_130 {
          %dma_wait3A_196 = arith.constant 0 : i32
          %dma_wait3A_197 = arith.constant 0 : i32
          %dma_wait3A_198 = tpu.memref_slice %arg6[%dma_wait3A_196, %dma_wait3A_197] : memref<10000x128xf32, #tpu.memory_space<vmem_shared>> -> memref<10000x128xf32, #tpu.memory_space<vmem_shared>>
          tpu.wait_indirect_dma semaphore(%arg25 : memref<!tpu.dma_semaphore, #tpu.memory_space<semaphore_mem>>) src(%arg9 : memref<80x128xf32, #tpu.memory_space<vmem>>) dst(%dma_wait3A_198 : memref<10000x128xf32, #tpu.memory_space<vmem_shared>>)
        } else {
        }
        %add3A_131 = arith.constant 2 : i32
        %add3A_132 = arith.addi %sub3A_125, %add3A_131 : i32
        %lt3A_133 = arith.constant 250 : i32
        %lt3A_134 = arith.cmpi slt, %add3A_132, %lt3A_133 : i32
        %convert_element_type3A_135 = arith.extui %lt3A_134 : i1 to i32
        %cond3A_136 = arith.constant 0 : i32
        %cond3A_137 = arith.cmpi ne, %convert_element_type3A_135, %cond3A_136 : i32
        scf.if %cond3A_137 {
          %add3A_196 = arith.constant 2 : i32
          %add3A_197 = arith.addi %sub3A_125, %add3A_196 : i32
          %mul3A_198 = arith.constant 80 : i32
          %mul3A_199 = arith.muli %add3A_197, %mul3A_198 : i32
          %add3A_200 = arith.addi %multiple_of3A_14, %mul3A_199 : i32
          %multiple_of3A_201 = tpu.assume_multiple %add3A_200, 8 : i32
          %add3A_202 = arith.constant 0 : i32
          %add3A_203 = arith.addi %add3A_202, %multiple_of3A_201 : i32
          %dma_start3A = tpu.memref_slice %arg3[%add3A_203] : memref<1280000xi32, #tpu.memory_space<hbm>> -> memref<80xi32, #tpu.memory_space<hbm>>
          %dma_start3A_204 = tpu.memref_slice %arg3[%add3A_203] : memref<1280000xi32, #tpu.memory_space<hbm>> -> memref<80xi32, #tpu.memory_space<hbm>>
          tpu.enqueue_dma source(%dma_start3A_204 : memref<80xi32, #tpu.memory_space<hbm>>) target(%arg13 : memref<80xi32, #tpu.memory_space<vmem>>) target_semaphore(%arg29 : memref<!tpu.dma_semaphore, #tpu.memory_space<semaphore_mem>>)
          %add3A_205 = arith.constant 320000 : i32
          %add3A_206 = arith.addi %add3A_205, %multiple_of3A_201 : i32
          %dma_start3A_207 = tpu.memref_slice %arg3[%add3A_206] : memref<1280000xi32, #tpu.memory_space<hbm>> -> memref<80xi32, #tpu.memory_space<hbm>>
          %dma_start3A_208 = tpu.memref_slice %arg3[%add3A_206] : memref<1280000xi32, #tpu.memory_space<hbm>> -> memref<80xi32, #tpu.memory_space<hbm>>
          tpu.enqueue_dma source(%dma_start3A_208 : memref<80xi32, #tpu.memory_space<hbm>>) target(%arg17 : memref<80xi32, #tpu.memory_space<vmem>>) target_semaphore(%arg29 : memref<!tpu.dma_semaphore, #tpu.memory_space<semaphore_mem>>)
        } else {
        }
        %add3A_138 = arith.constant 1 : i32
        %add3A_139 = arith.addi %sub3A_125, %add3A_138 : i32
        %ge3A_140 = arith.constant 0 : i32
        %ge3A_141 = arith.cmpi sge, %add3A_139, %ge3A_140 : i32
        %add3A_142 = arith.constant 1 : i32
        %add3A_143 = arith.addi %sub3A_125, %add3A_142 : i32
        %lt3A_144 = arith.constant 250 : i32
        %lt3A_145 = arith.cmpi slt, %add3A_143, %lt3A_144 : i32
        %and3A_146 = arith.andi %ge3A_141, %lt3A_145 : i1
        %convert_element_type3A_147 = arith.extui %and3A_146 : i1 to i32
        %cond3A_148 = arith.constant 0 : i32
        %cond3A_149 = arith.cmpi ne, %convert_element_type3A_147, %cond3A_148 : i32
        scf.if %cond3A_149 {
          %dma_wait3A_196 = arith.constant 0 : i32
          %dma_wait3A_197 = tpu.memref_slice %arg3[%dma_wait3A_196] : memref<1280000xi32, #tpu.memory_space<hbm>> -> memref<80xi32, #tpu.memory_space<hbm>>
          %dma_wait3A_198 = arith.constant 0 : i32
          %dma_wait3A_199 = tpu.memref_slice %arg3[%dma_wait3A_198] : memref<1280000xi32, #tpu.memory_space<hbm>> -> memref<80xi32, #tpu.memory_space<hbm>>
          tpu.wait_dma2 semaphore(%arg28 : memref<!tpu.dma_semaphore, #tpu.memory_space<semaphore_mem>>) src(%dma_wait3A_199 : memref<80xi32, #tpu.memory_space<hbm>>) dst(%arg12 : memref<80xi32, #tpu.memory_space<vmem>>)
          %dma_wait3A_200 = arith.constant 0 : i32
          %dma_wait3A_201 = tpu.memref_slice %arg3[%dma_wait3A_200] : memref<1280000xi32, #tpu.memory_space<hbm>> -> memref<80xi32, #tpu.memory_space<hbm>>
          %dma_wait3A_202 = arith.constant 0 : i32
          %dma_wait3A_203 = tpu.memref_slice %arg3[%dma_wait3A_202] : memref<1280000xi32, #tpu.memory_space<hbm>> -> memref<80xi32, #tpu.memory_space<hbm>>
          tpu.wait_dma2 semaphore(%arg28 : memref<!tpu.dma_semaphore, #tpu.memory_space<semaphore_mem>>) src(%dma_wait3A_203 : memref<80xi32, #tpu.memory_space<hbm>>) dst(%arg16 : memref<80xi32, #tpu.memory_space<vmem>>)
          %get3A = arith.constant 0 : index
          %get3A_204 = tpu.vector_load %arg12[%get3A] {strides = array<i32>} : memref<80xi32, #tpu.memory_space<vmem>>, vector<16xi32>,
          %get3A_205 = vector.shape_cast %get3A_204 : vector<16xi32> to vector<16xi32>
          %add3A_206 = arith.constant 10000 : i32
          %add3A_207 = vector.broadcast %add3A_206 : i32 to vector<16xi32>
          %add3A_208 = arith.addi %get3A_205, %add3A_207 : vector<16xi32>
          %swap3A = arith.constant 0 : index
          %swap3A_209 = tpu.vector_load %arg12[%swap3A] {strides = array<i32>} : memref<80xi32, #tpu.memory_space<vmem>>, vector<16xi32>,
          %swap3A_210 = vector.shape_cast %swap3A_209 : vector<16xi32> to vector<16xi32>
          %swap3A_211 = vector.shape_cast %add3A_208 : vector<16xi32> to vector<16xi32>
          tpu.vector_store %arg12[%swap3A], %swap3A_211 {strides = array<i32>} : memref<80xi32, #tpu.memory_space<vmem>>, vector<16xi32>,
          %get3A_212 = arith.constant 16 : index
          %get3A_213 = tpu.vector_load %arg12[%get3A_212] {strides = array<i32>} : memref<80xi32, #tpu.memory_space<vmem>>, vector<16xi32>,
          %get3A_214 = vector.shape_cast %get3A_213 : vector<16xi32> to vector<16xi32>
          %add3A_215 = arith.constant 10000 : i32
          %add3A_216 = vector.broadcast %add3A_215 : i32 to vector<16xi32>
          %add3A_217 = arith.addi %get3A_214, %add3A_216 : vector<16xi32>
          %swap3A_218 = arith.constant 16 : index
          %swap3A_219 = tpu.vector_load %arg12[%swap3A_218] {strides = array<i32>} : memref<80xi32, #tpu.memory_space<vmem>>, vector<16xi32>,
          %swap3A_220 = vector.shape_cast %swap3A_219 : vector<16xi32> to vector<16xi32>
          %swap3A_221 = vector.shape_cast %add3A_217 : vector<16xi32> to vector<16xi32>
          tpu.vector_store %arg12[%swap3A_218], %swap3A_221 {strides = array<i32>} : memref<80xi32, #tpu.memory_space<vmem>>, vector<16xi32>,
          %get3A_222 = arith.constant 32 : index
          %get3A_223 = tpu.vector_load %arg12[%get3A_222] {strides = array<i32>} : memref<80xi32, #tpu.memory_space<vmem>>, vector<16xi32>,
          %get3A_224 = vector.shape_cast %get3A_223 : vector<16xi32> to vector<16xi32>
          %add3A_225 = arith.constant 10000 : i32
          %add3A_226 = vector.broadcast %add3A_225 : i32 to vector<16xi32>
          %add3A_227 = arith.addi %get3A_224, %add3A_226 : vector<16xi32>
          %swap3A_228 = arith.constant 32 : index
          %swap3A_229 = tpu.vector_load %arg12[%swap3A_228] {strides = array<i32>} : memref<80xi32, #tpu.memory_space<vmem>>, vector<16xi32>,
          %swap3A_230 = vector.shape_cast %swap3A_229 : vector<16xi32> to vector<16xi32>
          %swap3A_231 = vector.shape_cast %add3A_227 : vector<16xi32> to vector<16xi32>
          tpu.vector_store %arg12[%swap3A_228], %swap3A_231 {strides = array<i32>} : memref<80xi32, #tpu.memory_space<vmem>>, vector<16xi32>,
          %get3A_232 = arith.constant 48 : index
          %get3A_233 = tpu.vector_load %arg12[%get3A_232] {strides = array<i32>} : memref<80xi32, #tpu.memory_space<vmem>>, vector<16xi32>,
          %get3A_234 = vector.shape_cast %get3A_233 : vector<16xi32> to vector<16xi32>
          %add3A_235 = arith.constant 10000 : i32
          %add3A_236 = vector.broadcast %add3A_235 : i32 to vector<16xi32>
          %add3A_237 = arith.addi %get3A_234, %add3A_236 : vector<16xi32>
          %swap3A_238 = arith.constant 48 : index
          %swap3A_239 = tpu.vector_load %arg12[%swap3A_238] {strides = array<i32>} : memref<80xi32, #tpu.memory_space<vmem>>, vector<16xi32>,
          %swap3A_240 = vector.shape_cast %swap3A_239 : vector<16xi32> to vector<16xi32>
          %swap3A_241 = vector.shape_cast %add3A_237 : vector<16xi32> to vector<16xi32>
          tpu.vector_store %arg12[%swap3A_238], %swap3A_241 {strides = array<i32>} : memref<80xi32, #tpu.memory_space<vmem>>, vector<16xi32>,
          %get3A_242 = arith.constant 64 : index
          %get3A_243 = tpu.vector_load %arg12[%get3A_242] {strides = array<i32>} : memref<80xi32, #tpu.memory_space<vmem>>, vector<16xi32>,
          %get3A_244 = vector.shape_cast %get3A_243 : vector<16xi32> to vector<16xi32>
          %add3A_245 = arith.constant 10000 : i32
          %add3A_246 = vector.broadcast %add3A_245 : i32 to vector<16xi32>
          %add3A_247 = arith.addi %get3A_244, %add3A_246 : vector<16xi32>
          %swap3A_248 = arith.constant 64 : index
          %swap3A_249 = tpu.vector_load %arg12[%swap3A_248] {strides = array<i32>} : memref<80xi32, #tpu.memory_space<vmem>>, vector<16xi32>,
          %swap3A_250 = vector.shape_cast %swap3A_249 : vector<16xi32> to vector<16xi32>
          %swap3A_251 = vector.shape_cast %add3A_247 : vector<16xi32> to vector<16xi32>
          tpu.vector_store %arg12[%swap3A_248], %swap3A_251 {strides = array<i32>} : memref<80xi32, #tpu.memory_space<vmem>>, vector<16xi32>,
          %dma_start3A = arith.constant 0 : i32
          %dma_start3A_252 = arith.constant 0 : i32
          %dma_start3A_253 = tpu.memref_slice %arg2[%dma_start3A, %dma_start3A_252] : memref<30000x128xf32, #tpu.memory_space<hbm>> -> memref<30000x128xf32, #tpu.memory_space<hbm>>
          tpu.enqueue_indirect_dma source(%dma_start3A_253 : memref<30000x128xf32, #tpu.memory_space<hbm>>) target(%arg8 : memref<80x128xf32, #tpu.memory_space<vmem>>) offsets(%arg12 : memref<80xi32, #tpu.memory_space<vmem>>) semaphore(%arg20 : memref<!tpu.dma_semaphore, #tpu.memory_space<semaphore_mem>>)
        } else {
        }
        %ge3A_150 = arith.constant 0 : i32
        %ge3A_151 = arith.cmpi sge, %sub3A_125, %ge3A_150 : i32
        %lt3A_152 = arith.constant 250 : i32
        %lt3A_153 = arith.cmpi slt, %sub3A_125, %lt3A_152 : i32
        %and3A_154 = arith.andi %ge3A_151, %lt3A_153 : i1
        %convert_element_type3A_155 = arith.extui %and3A_154 : i1 to i32
        %cond3A_156 = arith.constant 0 : i32
        %cond3A_157 = arith.cmpi ne, %convert_element_type3A_155, %cond3A_156 : i32
        scf.if %cond3A_157 {
          %dma_wait3A_196 = arith.constant 0 : i32
          %dma_wait3A_197 = arith.constant 0 : i32
          %dma_wait3A_198 = tpu.memref_slice %arg2[%dma_wait3A_196, %dma_wait3A_197] : memref<30000x128xf32, #tpu.memory_space<hbm>> -> memref<30000x128xf32, #tpu.memory_space<hbm>>
          tpu.wait_indirect_dma semaphore(%arg19 : memref<!tpu.dma_semaphore, #tpu.memory_space<semaphore_mem>>) src(%dma_wait3A_198 : memref<30000x128xf32, #tpu.memory_space<hbm>>) dst(%arg7 : memref<80x128xf32, #tpu.memory_space<vmem>>)
          %dma_start3A = arith.constant 0 : i32
          %dma_start3A_199 = arith.constant 0 : i32
          %dma_start3A_200 = tpu.memref_slice %arg6[%dma_start3A, %dma_start3A_199] : memref<10000x128xf32, #tpu.memory_space<vmem_shared>> -> memref<10000x128xf32, #tpu.memory_space<vmem_shared>>
          tpu.enqueue_indirect_dma source(%arg7 : memref<80x128xf32, #tpu.memory_space<vmem>>) target(%dma_start3A_200 : memref<10000x128xf32, #tpu.memory_space<vmem_shared>>) offsets(%arg15 : memref<80xi32, #tpu.memory_space<vmem>>) semaphore(%arg23 : memref<!tpu.dma_semaphore, #tpu.memory_space<semaphore_mem>>) {add = true}
        } else {
        }
        %mul3A_158 = arith.constant 4 : i32
        %mul3A_159 = arith.muli %mul3A_158, %scan3A_47 : i32
        %add3A_160 = arith.constant 3 : i32
        %add3A_161 = arith.addi %mul3A_159, %add3A_160 : i32
        %sub3A_162 = arith.constant 2 : i32
        %sub3A_163 = arith.subi %add3A_161, %sub3A_162 : i32
        %ge3A_164 = arith.constant 2 : i32
        %ge3A_165 = arith.cmpi sge, %sub3A_163, %ge3A_164 : i32
        %convert_element_type3A_166 = arith.extui %ge3A_165 : i1 to i32
        %cond3A_167 = arith.constant 0 : i32
        %cond3A_168 = arith.cmpi ne, %convert_element_type3A_166, %cond3A_167 : i32
        scf.if %cond3A_168 {
          %dma_wait3A_196 = arith.constant 0 : i32
          %dma_wait3A_197 = arith.constant 0 : i32
          %dma_wait3A_198 = tpu.memref_slice %arg6[%dma_wait3A_196, %dma_wait3A_197] : memref<10000x128xf32, #tpu.memory_space<vmem_shared>> -> memref<10000x128xf32, #tpu.memory_space<vmem_shared>>
          tpu.wait_indirect_dma semaphore(%arg26 : memref<!tpu.dma_semaphore, #tpu.memory_space<semaphore_mem>>) src(%arg10 : memref<80x128xf32, #tpu.memory_space<vmem>>) dst(%dma_wait3A_198 : memref<10000x128xf32, #tpu.memory_space<vmem_shared>>)
        } else {
        }
        %add3A_169 = arith.constant 2 : i32
        %add3A_170 = arith.addi %sub3A_163, %add3A_169 : i32
        %lt3A_171 = arith.constant 250 : i32
        %lt3A_172 = arith.cmpi slt, %add3A_170, %lt3A_171 : i32
        %convert_element_type3A_173 = arith.extui %lt3A_172 : i1 to i32
        %cond3A_174 = arith.constant 0 : i32
        %cond3A_175 = arith.cmpi ne, %convert_element_type3A_173, %cond3A_174 : i32
        scf.if %cond3A_175 {
          %add3A_196 = arith.constant 2 : i32
          %add3A_197 = arith.addi %sub3A_163, %add3A_196 : i32
          %mul3A_198 = arith.constant 80 : i32
          %mul3A_199 = arith.muli %add3A_197, %mul3A_198 : i32
          %add3A_200 = arith.addi %multiple_of3A_14, %mul3A_199 : i32
          %multiple_of3A_201 = tpu.assume_multiple %add3A_200, 8 : i32
          %add3A_202 = arith.constant 0 : i32
          %add3A_203 = arith.addi %add3A_202, %multiple_of3A_201 : i32
          %dma_start3A = tpu.memref_slice %arg3[%add3A_203] : memref<1280000xi32, #tpu.memory_space<hbm>> -> memref<80xi32, #tpu.memory_space<hbm>>
          %dma_start3A_204 = tpu.memref_slice %arg3[%add3A_203] : memref<1280000xi32, #tpu.memory_space<hbm>> -> memref<80xi32, #tpu.memory_space<hbm>>
          tpu.enqueue_dma source(%dma_start3A_204 : memref<80xi32, #tpu.memory_space<hbm>>) target(%arg14 : memref<80xi32, #tpu.memory_space<vmem>>) target_semaphore(%arg30 : memref<!tpu.dma_semaphore, #tpu.memory_space<semaphore_mem>>)
          %add3A_205 = arith.constant 320000 : i32
          %add3A_206 = arith.addi %add3A_205, %multiple_of3A_201 : i32
          %dma_start3A_207 = tpu.memref_slice %arg3[%add3A_206] : memref<1280000xi32, #tpu.memory_space<hbm>> -> memref<80xi32, #tpu.memory_space<hbm>>
          %dma_start3A_208 = tpu.memref_slice %arg3[%add3A_206] : memref<1280000xi32, #tpu.memory_space<hbm>> -> memref<80xi32, #tpu.memory_space<hbm>>
          tpu.enqueue_dma source(%dma_start3A_208 : memref<80xi32, #tpu.memory_space<hbm>>) target(%arg18 : memref<80xi32, #tpu.memory_space<vmem>>) target_semaphore(%arg30 : memref<!tpu.dma_semaphore, #tpu.memory_space<semaphore_mem>>)
        } else {
        }
        %add3A_176 = arith.constant 1 : i32
        %add3A_177 = arith.addi %sub3A_163, %add3A_176 : i32
        %ge3A_178 = arith.constant 0 : i32
        %ge3A_179 = arith.cmpi sge, %add3A_177, %ge3A_178 : i32
        %add3A_180 = arith.constant 1 : i32
        %add3A_181 = arith.addi %sub3A_163, %add3A_180 : i32
        %lt3A_182 = arith.constant 250 : i32
        %lt3A_183 = arith.cmpi slt, %add3A_181, %lt3A_182 : i32
        %and3A_184 = arith.andi %ge3A_179, %lt3A_183 : i1
        %convert_element_type3A_185 = arith.extui %and3A_184 : i1 to i32
        %cond3A_186 = arith.constant 0 : i32
        %cond3A_187 = arith.cmpi ne, %convert_element_type3A_185, %cond3A_186 : i32
        scf.if %cond3A_187 {
          %dma_wait3A_196 = arith.constant 0 : i32
          %dma_wait3A_197 = tpu.memref_slice %arg3[%dma_wait3A_196] : memref<1280000xi32, #tpu.memory_space<hbm>> -> memref<80xi32, #tpu.memory_space<hbm>>
          %dma_wait3A_198 = arith.constant 0 : i32
          %dma_wait3A_199 = tpu.memref_slice %arg3[%dma_wait3A_198] : memref<1280000xi32, #tpu.memory_space<hbm>> -> memref<80xi32, #tpu.memory_space<hbm>>
          tpu.wait_dma2 semaphore(%arg29 : memref<!tpu.dma_semaphore, #tpu.memory_space<semaphore_mem>>) src(%dma_wait3A_199 : memref<80xi32, #tpu.memory_space<hbm>>) dst(%arg13 : memref<80xi32, #tpu.memory_space<vmem>>)
          %dma_wait3A_200 = arith.constant 0 : i32
          %dma_wait3A_201 = tpu.memref_slice %arg3[%dma_wait3A_200] : memref<1280000xi32, #tpu.memory_space<hbm>> -> memref<80xi32, #tpu.memory_space<hbm>>
          %dma_wait3A_202 = arith.constant 0 : i32
          %dma_wait3A_203 = tpu.memref_slice %arg3[%dma_wait3A_202] : memref<1280000xi32, #tpu.memory_space<hbm>> -> memref<80xi32, #tpu.memory_space<hbm>>
          tpu.wait_dma2 semaphore(%arg29 : memref<!tpu.dma_semaphore, #tpu.memory_space<semaphore_mem>>) src(%dma_wait3A_203 : memref<80xi32, #tpu.memory_space<hbm>>) dst(%arg17 : memref<80xi32, #tpu.memory_space<vmem>>)
          %get3A = arith.constant 0 : index
          %get3A_204 = tpu.vector_load %arg13[%get3A] {strides = array<i32>} : memref<80xi32, #tpu.memory_space<vmem>>, vector<16xi32>,
          %get3A_205 = vector.shape_cast %get3A_204 : vector<16xi32> to vector<16xi32>
          %add3A_206 = arith.constant 10000 : i32
          %add3A_207 = vector.broadcast %add3A_206 : i32 to vector<16xi32>
          %add3A_208 = arith.addi %get3A_205, %add3A_207 : vector<16xi32>
          %swap3A = arith.constant 0 : index
          %swap3A_209 = tpu.vector_load %arg13[%swap3A] {strides = array<i32>} : memref<80xi32, #tpu.memory_space<vmem>>, vector<16xi32>,
          %swap3A_210 = vector.shape_cast %swap3A_209 : vector<16xi32> to vector<16xi32>
          %swap3A_211 = vector.shape_cast %add3A_208 : vector<16xi32> to vector<16xi32>
          tpu.vector_store %arg13[%swap3A], %swap3A_211 {strides = array<i32>} : memref<80xi32, #tpu.memory_space<vmem>>, vector<16xi32>,
          %get3A_212 = arith.constant 16 : index
          %get3A_213 = tpu.vector_load %arg13[%get3A_212] {strides = array<i32>} : memref<80xi32, #tpu.memory_space<vmem>>, vector<16xi32>,
          %get3A_214 = vector.shape_cast %get3A_213 : vector<16xi32> to vector<16xi32>
          %add3A_215 = arith.constant 10000 : i32
          %add3A_216 = vector.broadcast %add3A_215 : i32 to vector<16xi32>
          %add3A_217 = arith.addi %get3A_214, %add3A_216 : vector<16xi32>
          %swap3A_218 = arith.constant 16 : index
          %swap3A_219 = tpu.vector_load %arg13[%swap3A_218] {strides = array<i32>} : memref<80xi32, #tpu.memory_space<vmem>>, vector<16xi32>,
          %swap3A_220 = vector.shape_cast %swap3A_219 : vector<16xi32> to vector<16xi32>
          %swap3A_221 = vector.shape_cast %add3A_217 : vector<16xi32> to vector<16xi32>
          tpu.vector_store %arg13[%swap3A_218], %swap3A_221 {strides = array<i32>} : memref<80xi32, #tpu.memory_space<vmem>>, vector<16xi32>,
          %get3A_222 = arith.constant 32 : index
          %get3A_223 = tpu.vector_load %arg13[%get3A_222] {strides = array<i32>} : memref<80xi32, #tpu.memory_space<vmem>>, vector<16xi32>,
          %get3A_224 = vector.shape_cast %get3A_223 : vector<16xi32> to vector<16xi32>
          %add3A_225 = arith.constant 10000 : i32
          %add3A_226 = vector.broadcast %add3A_225 : i32 to vector<16xi32>
          %add3A_227 = arith.addi %get3A_224, %add3A_226 : vector<16xi32>
          %swap3A_228 = arith.constant 32 : index
          %swap3A_229 = tpu.vector_load %arg13[%swap3A_228] {strides = array<i32>} : memref<80xi32, #tpu.memory_space<vmem>>, vector<16xi32>,
          %swap3A_230 = vector.shape_cast %swap3A_229 : vector<16xi32> to vector<16xi32>
          %swap3A_231 = vector.shape_cast %add3A_227 : vector<16xi32> to vector<16xi32>
          tpu.vector_store %arg13[%swap3A_228], %swap3A_231 {strides = array<i32>} : memref<80xi32, #tpu.memory_space<vmem>>, vector<16xi32>,
          %get3A_232 = arith.constant 48 : index
          %get3A_233 = tpu.vector_load %arg13[%get3A_232] {strides = array<i32>} : memref<80xi32, #tpu.memory_space<vmem>>, vector<16xi32>,
          %get3A_234 = vector.shape_cast %get3A_233 : vector<16xi32> to vector<16xi32>
          %add3A_235 = arith.constant 10000 : i32
          %add3A_236 = vector.broadcast %add3A_235 : i32 to vector<16xi32>
          %add3A_237 = arith.addi %get3A_234, %add3A_236 : vector<16xi32>
          %swap3A_238 = arith.constant 48 : index
          %swap3A_239 = tpu.vector_load %arg13[%swap3A_238] {strides = array<i32>} : memref<80xi32, #tpu.memory_space<vmem>>, vector<16xi32>,
          %swap3A_240 = vector.shape_cast %swap3A_239 : vector<16xi32> to vector<16xi32>
          %swap3A_241 = vector.shape_cast %add3A_237 : vector<16xi32> to vector<16xi32>
          tpu.vector_store %arg13[%swap3A_238], %swap3A_241 {strides = array<i32>} : memref<80xi32, #tpu.memory_space<vmem>>, vector<16xi32>,
          %get3A_242 = arith.constant 64 : index
          %get3A_243 = tpu.vector_load %arg13[%get3A_242] {strides = array<i32>} : memref<80xi32, #tpu.memory_space<vmem>>, vector<16xi32>,
          %get3A_244 = vector.shape_cast %get3A_243 : vector<16xi32> to vector<16xi32>
          %add3A_245 = arith.constant 10000 : i32
          %add3A_246 = vector.broadcast %add3A_245 : i32 to vector<16xi32>
          %add3A_247 = arith.addi %get3A_244, %add3A_246 : vector<16xi32>
          %swap3A_248 = arith.constant 64 : index
          %swap3A_249 = tpu.vector_load %arg13[%swap3A_248] {strides = array<i32>} : memref<80xi32, #tpu.memory_space<vmem>>, vector<16xi32>,
          %swap3A_250 = vector.shape_cast %swap3A_249 : vector<16xi32> to vector<16xi32>
          %swap3A_251 = vector.shape_cast %add3A_247 : vector<16xi32> to vector<16xi32>
          tpu.vector_store %arg13[%swap3A_248], %swap3A_251 {strides = array<i32>} : memref<80xi32, #tpu.memory_space<vmem>>, vector<16xi32>,
          %dma_start3A = arith.constant 0 : i32
          %dma_start3A_252 = arith.constant 0 : i32
          %dma_start3A_253 = tpu.memref_slice %arg2[%dma_start3A, %dma_start3A_252] : memref<30000x128xf32, #tpu.memory_space<hbm>> -> memref<30000x128xf32, #tpu.memory_space<hbm>>
          tpu.enqueue_indirect_dma source(%dma_start3A_253 : memref<30000x128xf32, #tpu.memory_space<hbm>>) target(%arg9 : memref<80x128xf32, #tpu.memory_space<vmem>>) offsets(%arg13 : memref<80xi32, #tpu.memory_space<vmem>>) semaphore(%arg21 : memref<!tpu.dma_semaphore, #tpu.memory_space<semaphore_mem>>)
        } else {
        }
        %ge3A_188 = arith.constant 0 : i32
        %ge3A_189 = arith.cmpi sge, %sub3A_163, %ge3A_188 : i32
        %lt3A_190 = arith.constant 250 : i32
        %lt3A_191 = arith.cmpi slt, %sub3A_163, %lt3A_190 : i32
        %and3A_192 = arith.andi %ge3A_189, %lt3A_191 : i1
        %convert_element_type3A_193 = arith.extui %and3A_192 : i1 to i32
        %cond3A_194 = arith.constant 0 : i32
        %cond3A_195 = arith.cmpi ne, %convert_element_type3A_193, %cond3A_194 : i32
        scf.if %cond3A_195 {
          %dma_wait3A_196 = arith.constant 0 : i32
          %dma_wait3A_197 = arith.constant 0 : i32
          %dma_wait3A_198 = tpu.memref_slice %arg2[%dma_wait3A_196, %dma_wait3A_197] : memref<30000x128xf32, #tpu.memory_space<hbm>> -> memref<30000x128xf32, #tpu.memory_space<hbm>>
          tpu.wait_indirect_dma semaphore(%arg20 : memref<!tpu.dma_semaphore, #tpu.memory_space<semaphore_mem>>) src(%dma_wait3A_198 : memref<30000x128xf32, #tpu.memory_space<hbm>>) dst(%arg8 : memref<80x128xf32, #tpu.memory_space<vmem>>)
          %dma_start3A = arith.constant 0 : i32
          %dma_start3A_199 = arith.constant 0 : i32
          %dma_start3A_200 = tpu.memref_slice %arg6[%dma_start3A, %dma_start3A_199] : memref<10000x128xf32, #tpu.memory_space<vmem_shared>> -> memref<10000x128xf32, #tpu.memory_space<vmem_shared>>
          tpu.enqueue_indirect_dma source(%arg8 : memref<80x128xf32, #tpu.memory_space<vmem>>) target(%dma_start3A_200 : memref<10000x128xf32, #tpu.memory_space<vmem_shared>>) offsets(%arg16 : memref<80xi32, #tpu.memory_space<vmem>>) semaphore(%arg24 : memref<!tpu.dma_semaphore, #tpu.memory_space<semaphore_mem>>) {add = true}
        } else {
        }
      }
      %scan3A_41 = arith.constant 63 : i32
      %dma_wait3A = arith.constant 0 : i32
      %dma_wait3A_42 = arith.constant 0 : i32
      %dma_wait3A_43 = tpu.memref_slice %arg6[%dma_wait3A, %dma_wait3A_42] : memref<10000x128xf32, #tpu.memory_space<vmem_shared>> -> memref<10000x128xf32, #tpu.memory_space<vmem_shared>>
      tpu.wait_indirect_dma semaphore(%arg23 : memref<!tpu.dma_semaphore, #tpu.memory_space<semaphore_mem>>) src(%arg7 : memref<80x128xf32, #tpu.memory_space<vmem>>) dst(%dma_wait3A_43 : memref<10000x128xf32, #tpu.memory_space<vmem_shared>>)
      %dma_wait3A_44 = arith.constant 0 : i32
      %dma_wait3A_45 = arith.constant 0 : i32
      %dma_wait3A_46 = tpu.memref_slice %arg6[%dma_wait3A_44, %dma_wait3A_45] : memref<10000x128xf32, #tpu.memory_space<vmem_shared>> -> memref<10000x128xf32, #tpu.memory_space<vmem_shared>>
      tpu.wait_indirect_dma semaphore(%arg24 : memref<!tpu.dma_semaphore, #tpu.memory_space<semaphore_mem>>) src(%arg8 : memref<80x128xf32, #tpu.memory_space<vmem>>) dst(%dma_wait3A_46 : memref<10000x128xf32, #tpu.memory_space<vmem_shared>>)
    } else {
    }
    %eq3A_20 = arith.constant 1 : i32
    %eq3A_21 = arith.cmpi eq, %arg0, %eq3A_20 : i32
    %convert_element_type3A_22 = arith.extui %eq3A_21 : i1 to i32
    %cond3A_23 = arith.constant 0 : i32
    %cond3A_24 = arith.cmpi ne, %convert_element_type3A_22, %cond3A_23 : i32
    scf.if %cond3A_24 {
      %scan3A_36 = arith.constant 0 : i32
      %scan3A_37 = arith.constant 0 : i32
      %scan3A_38 = arith.constant 63 : i32
      %scan3A_39 = arith.addi %scan3A_37, %scan3A_38 : i32
      %scan3A_40 = arith.constant 1 : i32
      scf.for %scan3A_47 = %scan3A_37 to %scan3A_39 step %scan3A_40  : i32 {
        %mul3A_48 = arith.constant 4 : i32
        %mul3A_49 = arith.muli %mul3A_48, %scan3A_47 : i32
        %add3A = arith.constant 0 : i32
        %add3A_50 = arith.addi %mul3A_49, %add3A : i32
        %sub3A = arith.constant 2 : i32
        %sub3A_51 = arith.subi %add3A_50, %sub3A : i32
        %ge3A = arith.constant 2 : i32
        %ge3A_52 = arith.cmpi sge, %sub3A_51, %ge3A : i32
        %convert_element_type3A_53 = arith.extui %ge3A_52 : i1 to i32
        %cond3A_54 = arith.constant 0 : i32
        %cond3A_55 = arith.cmpi ne, %convert_element_type3A_53, %cond3A_54 : i32
        scf.if %cond3A_55 {
          %dma_wait3A_196 = arith.constant 0 : i32
          %dma_wait3A_197 = arith.constant 0 : i32
          %dma_wait3A_198 = tpu.memref_slice %arg6[%dma_wait3A_196, %dma_wait3A_197] : memref<10000x128xf32, #tpu.memory_space<vmem_shared>> -> memref<10000x128xf32, #tpu.memory_space<vmem_shared>>
          tpu.wait_indirect_dma semaphore(%arg23 : memref<!tpu.dma_semaphore, #tpu.memory_space<semaphore_mem>>) src(%arg7 : memref<80x128xf32, #tpu.memory_space<vmem>>) dst(%dma_wait3A_198 : memref<10000x128xf32, #tpu.memory_space<vmem_shared>>)
        } else {
        }
        %add3A_56 = arith.constant 2 : i32
        %add3A_57 = arith.addi %sub3A_51, %add3A_56 : i32
        %lt3A_58 = arith.constant 250 : i32
        %lt3A_59 = arith.cmpi slt, %add3A_57, %lt3A_58 : i32
        %convert_element_type3A_60 = arith.extui %lt3A_59 : i1 to i32
        %cond3A_61 = arith.constant 0 : i32
        %cond3A_62 = arith.cmpi ne, %convert_element_type3A_60, %cond3A_61 : i32
        scf.if %cond3A_62 {
          %add3A_196 = arith.constant 2 : i32
          %add3A_197 = arith.addi %sub3A_51, %add3A_196 : i32
          %mul3A_198 = arith.constant 80 : i32
          %mul3A_199 = arith.muli %add3A_197, %mul3A_198 : i32
          %add3A_200 = arith.addi %multiple_of3A_14, %mul3A_199 : i32
          %multiple_of3A_201 = tpu.assume_multiple %add3A_200, 8 : i32
          %add3A_202 = arith.constant 640000 : i32
          %add3A_203 = arith.addi %add3A_202, %multiple_of3A_201 : i32
          %dma_start3A = tpu.memref_slice %arg3[%add3A_203] : memref<1280000xi32, #tpu.memory_space<hbm>> -> memref<80xi32, #tpu.memory_space<hbm>>
          %dma_start3A_204 = tpu.memref_slice %arg3[%add3A_203] : memref<1280000xi32, #tpu.memory_space<hbm>> -> memref<80xi32, #tpu.memory_space<hbm>>
          tpu.enqueue_dma source(%dma_start3A_204 : memref<80xi32, #tpu.memory_space<hbm>>) target(%arg11 : memref<80xi32, #tpu.memory_space<vmem>>) target_semaphore(%arg27 : memref<!tpu.dma_semaphore, #tpu.memory_space<semaphore_mem>>)
          %add3A_205 = arith.constant 960000 : i32
          %add3A_206 = arith.addi %add3A_205, %multiple_of3A_201 : i32
          %dma_start3A_207 = tpu.memref_slice %arg3[%add3A_206] : memref<1280000xi32, #tpu.memory_space<hbm>> -> memref<80xi32, #tpu.memory_space<hbm>>
          %dma_start3A_208 = tpu.memref_slice %arg3[%add3A_206] : memref<1280000xi32, #tpu.memory_space<hbm>> -> memref<80xi32, #tpu.memory_space<hbm>>
          tpu.enqueue_dma source(%dma_start3A_208 : memref<80xi32, #tpu.memory_space<hbm>>) target(%arg15 : memref<80xi32, #tpu.memory_space<vmem>>) target_semaphore(%arg27 : memref<!tpu.dma_semaphore, #tpu.memory_space<semaphore_mem>>)
        } else {
        }
        %add3A_63 = arith.constant 1 : i32
        %add3A_64 = arith.addi %sub3A_51, %add3A_63 : i32
        %ge3A_65 = arith.constant 0 : i32
        %ge3A_66 = arith.cmpi sge, %add3A_64, %ge3A_65 : i32
        %add3A_67 = arith.constant 1 : i32
        %add3A_68 = arith.addi %sub3A_51, %add3A_67 : i32
        %lt3A_69 = arith.constant 250 : i32
        %lt3A_70 = arith.cmpi slt, %add3A_68, %lt3A_69 : i32
        %and3A = arith.andi %ge3A_66, %lt3A_70 : i1
        %convert_element_type3A_71 = arith.extui %and3A : i1 to i32
        %cond3A_72 = arith.constant 0 : i32
        %cond3A_73 = arith.cmpi ne, %convert_element_type3A_71, %cond3A_72 : i32
        scf.if %cond3A_73 {
          %dma_wait3A_196 = arith.constant 0 : i32
          %dma_wait3A_197 = tpu.memref_slice %arg3[%dma_wait3A_196] : memref<1280000xi32, #tpu.memory_space<hbm>> -> memref<80xi32, #tpu.memory_space<hbm>>
          %dma_wait3A_198 = arith.constant 0 : i32
          %dma_wait3A_199 = tpu.memref_slice %arg3[%dma_wait3A_198] : memref<1280000xi32, #tpu.memory_space<hbm>> -> memref<80xi32, #tpu.memory_space<hbm>>
          tpu.wait_dma2 semaphore(%arg30 : memref<!tpu.dma_semaphore, #tpu.memory_space<semaphore_mem>>) src(%dma_wait3A_199 : memref<80xi32, #tpu.memory_space<hbm>>) dst(%arg14 : memref<80xi32, #tpu.memory_space<vmem>>)
          %dma_wait3A_200 = arith.constant 0 : i32
          %dma_wait3A_201 = tpu.memref_slice %arg3[%dma_wait3A_200] : memref<1280000xi32, #tpu.memory_space<hbm>> -> memref<80xi32, #tpu.memory_space<hbm>>
          %dma_wait3A_202 = arith.constant 0 : i32
          %dma_wait3A_203 = tpu.memref_slice %arg3[%dma_wait3A_202] : memref<1280000xi32, #tpu.memory_space<hbm>> -> memref<80xi32, #tpu.memory_space<hbm>>
          tpu.wait_dma2 semaphore(%arg30 : memref<!tpu.dma_semaphore, #tpu.memory_space<semaphore_mem>>) src(%dma_wait3A_203 : memref<80xi32, #tpu.memory_space<hbm>>) dst(%arg18 : memref<80xi32, #tpu.memory_space<vmem>>)
          %get3A = arith.constant 0 : index
          %get3A_204 = tpu.vector_load %arg14[%get3A] {strides = array<i32>} : memref<80xi32, #tpu.memory_space<vmem>>, vector<16xi32>,
          %get3A_205 = vector.shape_cast %get3A_204 : vector<16xi32> to vector<16xi32>
          %add3A_206 = arith.constant 20000 : i32
          %add3A_207 = vector.broadcast %add3A_206 : i32 to vector<16xi32>
          %add3A_208 = arith.addi %get3A_205, %add3A_207 : vector<16xi32>
          %swap3A = arith.constant 0 : index
          %swap3A_209 = tpu.vector_load %arg14[%swap3A] {strides = array<i32>} : memref<80xi32, #tpu.memory_space<vmem>>, vector<16xi32>,
          %swap3A_210 = vector.shape_cast %swap3A_209 : vector<16xi32> to vector<16xi32>
          %swap3A_211 = vector.shape_cast %add3A_208 : vector<16xi32> to vector<16xi32>
          tpu.vector_store %arg14[%swap3A], %swap3A_211 {strides = array<i32>} : memref<80xi32, #tpu.memory_space<vmem>>, vector<16xi32>,
          %get3A_212 = arith.constant 16 : index
          %get3A_213 = tpu.vector_load %arg14[%get3A_212] {strides = array<i32>} : memref<80xi32, #tpu.memory_space<vmem>>, vector<16xi32>,
          %get3A_214 = vector.shape_cast %get3A_213 : vector<16xi32> to vector<16xi32>
          %add3A_215 = arith.constant 20000 : i32
          %add3A_216 = vector.broadcast %add3A_215 : i32 to vector<16xi32>
          %add3A_217 = arith.addi %get3A_214, %add3A_216 : vector<16xi32>
          %swap3A_218 = arith.constant 16 : index
          %swap3A_219 = tpu.vector_load %arg14[%swap3A_218] {strides = array<i32>} : memref<80xi32, #tpu.memory_space<vmem>>, vector<16xi32>,
          %swap3A_220 = vector.shape_cast %swap3A_219 : vector<16xi32> to vector<16xi32>
          %swap3A_221 = vector.shape_cast %add3A_217 : vector<16xi32> to vector<16xi32>
          tpu.vector_store %arg14[%swap3A_218], %swap3A_221 {strides = array<i32>} : memref<80xi32, #tpu.memory_space<vmem>>, vector<16xi32>,
          %get3A_222 = arith.constant 32 : index
          %get3A_223 = tpu.vector_load %arg14[%get3A_222] {strides = array<i32>} : memref<80xi32, #tpu.memory_space<vmem>>, vector<16xi32>,
          %get3A_224 = vector.shape_cast %get3A_223 : vector<16xi32> to vector<16xi32>
          %add3A_225 = arith.constant 20000 : i32
          %add3A_226 = vector.broadcast %add3A_225 : i32 to vector<16xi32>
          %add3A_227 = arith.addi %get3A_224, %add3A_226 : vector<16xi32>
          %swap3A_228 = arith.constant 32 : index
          %swap3A_229 = tpu.vector_load %arg14[%swap3A_228] {strides = array<i32>} : memref<80xi32, #tpu.memory_space<vmem>>, vector<16xi32>,
          %swap3A_230 = vector.shape_cast %swap3A_229 : vector<16xi32> to vector<16xi32>
          %swap3A_231 = vector.shape_cast %add3A_227 : vector<16xi32> to vector<16xi32>
          tpu.vector_store %arg14[%swap3A_228], %swap3A_231 {strides = array<i32>} : memref<80xi32, #tpu.memory_space<vmem>>, vector<16xi32>,
          %get3A_232 = arith.constant 48 : index
          %get3A_233 = tpu.vector_load %arg14[%get3A_232] {strides = array<i32>} : memref<80xi32, #tpu.memory_space<vmem>>, vector<16xi32>,
          %get3A_234 = vector.shape_cast %get3A_233 : vector<16xi32> to vector<16xi32>
          %add3A_235 = arith.constant 20000 : i32
          %add3A_236 = vector.broadcast %add3A_235 : i32 to vector<16xi32>
          %add3A_237 = arith.addi %get3A_234, %add3A_236 : vector<16xi32>
          %swap3A_238 = arith.constant 48 : index
          %swap3A_239 = tpu.vector_load %arg14[%swap3A_238] {strides = array<i32>} : memref<80xi32, #tpu.memory_space<vmem>>, vector<16xi32>,
          %swap3A_240 = vector.shape_cast %swap3A_239 : vector<16xi32> to vector<16xi32>
          %swap3A_241 = vector.shape_cast %add3A_237 : vector<16xi32> to vector<16xi32>
          tpu.vector_store %arg14[%swap3A_238], %swap3A_241 {strides = array<i32>} : memref<80xi32, #tpu.memory_space<vmem>>, vector<16xi32>,
          %get3A_242 = arith.constant 64 : index
          %get3A_243 = tpu.vector_load %arg14[%get3A_242] {strides = array<i32>} : memref<80xi32, #tpu.memory_space<vmem>>, vector<16xi32>,
          %get3A_244 = vector.shape_cast %get3A_243 : vector<16xi32> to vector<16xi32>
          %add3A_245 = arith.constant 20000 : i32
          %add3A_246 = vector.broadcast %add3A_245 : i32 to vector<16xi32>
          %add3A_247 = arith.addi %get3A_244, %add3A_246 : vector<16xi32>
          %swap3A_248 = arith.constant 64 : index
          %swap3A_249 = tpu.vector_load %arg14[%swap3A_248] {strides = array<i32>} : memref<80xi32, #tpu.memory_space<vmem>>, vector<16xi32>,
          %swap3A_250 = vector.shape_cast %swap3A_249 : vector<16xi32> to vector<16xi32>
          %swap3A_251 = vector.shape_cast %add3A_247 : vector<16xi32> to vector<16xi32>
          tpu.vector_store %arg14[%swap3A_248], %swap3A_251 {strides = array<i32>} : memref<80xi32, #tpu.memory_space<vmem>>, vector<16xi32>,
          %dma_start3A = arith.constant 0 : i32
          %dma_start3A_252 = arith.constant 0 : i32
          %dma_start3A_253 = tpu.memref_slice %arg2[%dma_start3A, %dma_start3A_252] : memref<30000x128xf32, #tpu.memory_space<hbm>> -> memref<30000x128xf32, #tpu.memory_space<hbm>>
          tpu.enqueue_indirect_dma source(%dma_start3A_253 : memref<30000x128xf32, #tpu.memory_space<hbm>>) target(%arg10 : memref<80x128xf32, #tpu.memory_space<vmem>>) offsets(%arg14 : memref<80xi32, #tpu.memory_space<vmem>>) semaphore(%arg22 : memref<!tpu.dma_semaphore, #tpu.memory_space<semaphore_mem>>)
        } else {
        }
        %ge3A_74 = arith.constant 0 : i32
        %ge3A_75 = arith.cmpi sge, %sub3A_51, %ge3A_74 : i32
        %lt3A_76 = arith.constant 250 : i32
        %lt3A_77 = arith.cmpi slt, %sub3A_51, %lt3A_76 : i32
        %and3A_78 = arith.andi %ge3A_75, %lt3A_77 : i1
        %convert_element_type3A_79 = arith.extui %and3A_78 : i1 to i32
        %cond3A_80 = arith.constant 0 : i32
        %cond3A_81 = arith.cmpi ne, %convert_element_type3A_79, %cond3A_80 : i32
        scf.if %cond3A_81 {
          %dma_wait3A_196 = arith.constant 0 : i32
          %dma_wait3A_197 = arith.constant 0 : i32
          %dma_wait3A_198 = tpu.memref_slice %arg2[%dma_wait3A_196, %dma_wait3A_197] : memref<30000x128xf32, #tpu.memory_space<hbm>> -> memref<30000x128xf32, #tpu.memory_space<hbm>>
          tpu.wait_indirect_dma semaphore(%arg21 : memref<!tpu.dma_semaphore, #tpu.memory_space<semaphore_mem>>) src(%dma_wait3A_198 : memref<30000x128xf32, #tpu.memory_space<hbm>>) dst(%arg9 : memref<80x128xf32, #tpu.memory_space<vmem>>)
          %dma_start3A = arith.constant 0 : i32
          %dma_start3A_199 = arith.constant 0 : i32
          %dma_start3A_200 = tpu.memref_slice %arg6[%dma_start3A, %dma_start3A_199] : memref<10000x128xf32, #tpu.memory_space<vmem_shared>> -> memref<10000x128xf32, #tpu.memory_space<vmem_shared>>
          tpu.enqueue_indirect_dma source(%arg9 : memref<80x128xf32, #tpu.memory_space<vmem>>) target(%dma_start3A_200 : memref<10000x128xf32, #tpu.memory_space<vmem_shared>>) offsets(%arg17 : memref<80xi32, #tpu.memory_space<vmem>>) semaphore(%arg25 : memref<!tpu.dma_semaphore, #tpu.memory_space<semaphore_mem>>) {add = true}
        } else {
        }
        %mul3A_82 = arith.constant 4 : i32
        %mul3A_83 = arith.muli %mul3A_82, %scan3A_47 : i32
        %add3A_84 = arith.constant 1 : i32
        %add3A_85 = arith.addi %mul3A_83, %add3A_84 : i32
        %sub3A_86 = arith.constant 2 : i32
        %sub3A_87 = arith.subi %add3A_85, %sub3A_86 : i32
        %ge3A_88 = arith.constant 2 : i32
        %ge3A_89 = arith.cmpi sge, %sub3A_87, %ge3A_88 : i32
        %convert_element_type3A_90 = arith.extui %ge3A_89 : i1 to i32
        %cond3A_91 = arith.constant 0 : i32
        %cond3A_92 = arith.cmpi ne, %convert_element_type3A_90, %cond3A_91 : i32
        scf.if %cond3A_92 {
          %dma_wait3A_196 = arith.constant 0 : i32
          %dma_wait3A_197 = arith.constant 0 : i32
          %dma_wait3A_198 = tpu.memref_slice %arg6[%dma_wait3A_196, %dma_wait3A_197] : memref<10000x128xf32, #tpu.memory_space<vmem_shared>> -> memref<10000x128xf32, #tpu.memory_space<vmem_shared>>
          tpu.wait_indirect_dma semaphore(%arg24 : memref<!tpu.dma_semaphore, #tpu.memory_space<semaphore_mem>>) src(%arg8 : memref<80x128xf32, #tpu.memory_space<vmem>>) dst(%dma_wait3A_198 : memref<10000x128xf32, #tpu.memory_space<vmem_shared>>)
        } else {
        }
        %add3A_93 = arith.constant 2 : i32
        %add3A_94 = arith.addi %sub3A_87, %add3A_93 : i32
        %lt3A_95 = arith.constant 250 : i32
        %lt3A_96 = arith.cmpi slt, %add3A_94, %lt3A_95 : i32
        %convert_element_type3A_97 = arith.extui %lt3A_96 : i1 to i32
        %cond3A_98 = arith.constant 0 : i32
        %cond3A_99 = arith.cmpi ne, %convert_element_type3A_97, %cond3A_98 : i32
        scf.if %cond3A_99 {
          %add3A_196 = arith.constant 2 : i32
          %add3A_197 = arith.addi %sub3A_87, %add3A_196 : i32
          %mul3A_198 = arith.constant 80 : i32
          %mul3A_199 = arith.muli %add3A_197, %mul3A_198 : i32
          %add3A_200 = arith.addi %multiple_of3A_14, %mul3A_199 : i32
          %multiple_of3A_201 = tpu.assume_multiple %add3A_200, 8 : i32
          %add3A_202 = arith.constant 640000 : i32
          %add3A_203 = arith.addi %add3A_202, %multiple_of3A_201 : i32
          %dma_start3A = tpu.memref_slice %arg3[%add3A_203] : memref<1280000xi32, #tpu.memory_space<hbm>> -> memref<80xi32, #tpu.memory_space<hbm>>
          %dma_start3A_204 = tpu.memref_slice %arg3[%add3A_203] : memref<1280000xi32, #tpu.memory_space<hbm>> -> memref<80xi32, #tpu.memory_space<hbm>>
          tpu.enqueue_dma source(%dma_start3A_204 : memref<80xi32, #tpu.memory_space<hbm>>) target(%arg12 : memref<80xi32, #tpu.memory_space<vmem>>) target_semaphore(%arg28 : memref<!tpu.dma_semaphore, #tpu.memory_space<semaphore_mem>>)
          %add3A_205 = arith.constant 960000 : i32
          %add3A_206 = arith.addi %add3A_205, %multiple_of3A_201 : i32
          %dma_start3A_207 = tpu.memref_slice %arg3[%add3A_206] : memref<1280000xi32, #tpu.memory_space<hbm>> -> memref<80xi32, #tpu.memory_space<hbm>>
          %dma_start3A_208 = tpu.memref_slice %arg3[%add3A_206] : memref<1280000xi32, #tpu.memory_space<hbm>> -> memref<80xi32, #tpu.memory_space<hbm>>
          tpu.enqueue_dma source(%dma_start3A_208 : memref<80xi32, #tpu.memory_space<hbm>>) target(%arg16 : memref<80xi32, #tpu.memory_space<vmem>>) target_semaphore(%arg28 : memref<!tpu.dma_semaphore, #tpu.memory_space<semaphore_mem>>)
        } else {
        }
        %add3A_100 = arith.constant 1 : i32
        %add3A_101 = arith.addi %sub3A_87, %add3A_100 : i32
        %ge3A_102 = arith.constant 0 : i32
        %ge3A_103 = arith.cmpi sge, %add3A_101, %ge3A_102 : i32
        %add3A_104 = arith.constant 1 : i32
        %add3A_105 = arith.addi %sub3A_87, %add3A_104 : i32
        %lt3A_106 = arith.constant 250 : i32
        %lt3A_107 = arith.cmpi slt, %add3A_105, %lt3A_106 : i32
        %and3A_108 = arith.andi %ge3A_103, %lt3A_107 : i1
        %convert_element_type3A_109 = arith.extui %and3A_108 : i1 to i32
        %cond3A_110 = arith.constant 0 : i32
        %cond3A_111 = arith.cmpi ne, %convert_element_type3A_109, %cond3A_110 : i32
        scf.if %cond3A_111 {
          %dma_wait3A_196 = arith.constant 0 : i32
          %dma_wait3A_197 = tpu.memref_slice %arg3[%dma_wait3A_196] : memref<1280000xi32, #tpu.memory_space<hbm>> -> memref<80xi32, #tpu.memory_space<hbm>>
          %dma_wait3A_198 = arith.constant 0 : i32
          %dma_wait3A_199 = tpu.memref_slice %arg3[%dma_wait3A_198] : memref<1280000xi32, #tpu.memory_space<hbm>> -> memref<80xi32, #tpu.memory_space<hbm>>
          tpu.wait_dma2 semaphore(%arg27 : memref<!tpu.dma_semaphore, #tpu.memory_space<semaphore_mem>>) src(%dma_wait3A_199 : memref<80xi32, #tpu.memory_space<hbm>>) dst(%arg11 : memref<80xi32, #tpu.memory_space<vmem>>)
          %dma_wait3A_200 = arith.constant 0 : i32
          %dma_wait3A_201 = tpu.memref_slice %arg3[%dma_wait3A_200] : memref<1280000xi32, #tpu.memory_space<hbm>> -> memref<80xi32, #tpu.memory_space<hbm>>
          %dma_wait3A_202 = arith.constant 0 : i32
          %dma_wait3A_203 = tpu.memref_slice %arg3[%dma_wait3A_202] : memref<1280000xi32, #tpu.memory_space<hbm>> -> memref<80xi32, #tpu.memory_space<hbm>>
          tpu.wait_dma2 semaphore(%arg27 : memref<!tpu.dma_semaphore, #tpu.memory_space<semaphore_mem>>) src(%dma_wait3A_203 : memref<80xi32, #tpu.memory_space<hbm>>) dst(%arg15 : memref<80xi32, #tpu.memory_space<vmem>>)
          %get3A = arith.constant 0 : index
          %get3A_204 = tpu.vector_load %arg11[%get3A] {strides = array<i32>} : memref<80xi32, #tpu.memory_space<vmem>>, vector<16xi32>,
          %get3A_205 = vector.shape_cast %get3A_204 : vector<16xi32> to vector<16xi32>
          %add3A_206 = arith.constant 20000 : i32
          %add3A_207 = vector.broadcast %add3A_206 : i32 to vector<16xi32>
          %add3A_208 = arith.addi %get3A_205, %add3A_207 : vector<16xi32>
          %swap3A = arith.constant 0 : index
          %swap3A_209 = tpu.vector_load %arg11[%swap3A] {strides = array<i32>} : memref<80xi32, #tpu.memory_space<vmem>>, vector<16xi32>,
          %swap3A_210 = vector.shape_cast %swap3A_209 : vector<16xi32> to vector<16xi32>
          %swap3A_211 = vector.shape_cast %add3A_208 : vector<16xi32> to vector<16xi32>
          tpu.vector_store %arg11[%swap3A], %swap3A_211 {strides = array<i32>} : memref<80xi32, #tpu.memory_space<vmem>>, vector<16xi32>,
          %get3A_212 = arith.constant 16 : index
          %get3A_213 = tpu.vector_load %arg11[%get3A_212] {strides = array<i32>} : memref<80xi32, #tpu.memory_space<vmem>>, vector<16xi32>,
          %get3A_214 = vector.shape_cast %get3A_213 : vector<16xi32> to vector<16xi32>
          %add3A_215 = arith.constant 20000 : i32
          %add3A_216 = vector.broadcast %add3A_215 : i32 to vector<16xi32>
          %add3A_217 = arith.addi %get3A_214, %add3A_216 : vector<16xi32>
          %swap3A_218 = arith.constant 16 : index
          %swap3A_219 = tpu.vector_load %arg11[%swap3A_218] {strides = array<i32>} : memref<80xi32, #tpu.memory_space<vmem>>, vector<16xi32>,
          %swap3A_220 = vector.shape_cast %swap3A_219 : vector<16xi32> to vector<16xi32>
          %swap3A_221 = vector.shape_cast %add3A_217 : vector<16xi32> to vector<16xi32>
          tpu.vector_store %arg11[%swap3A_218], %swap3A_221 {strides = array<i32>} : memref<80xi32, #tpu.memory_space<vmem>>, vector<16xi32>,
          %get3A_222 = arith.constant 32 : index
          %get3A_223 = tpu.vector_load %arg11[%get3A_222] {strides = array<i32>} : memref<80xi32, #tpu.memory_space<vmem>>, vector<16xi32>,
          %get3A_224 = vector.shape_cast %get3A_223 : vector<16xi32> to vector<16xi32>
          %add3A_225 = arith.constant 20000 : i32
          %add3A_226 = vector.broadcast %add3A_225 : i32 to vector<16xi32>
          %add3A_227 = arith.addi %get3A_224, %add3A_226 : vector<16xi32>
          %swap3A_228 = arith.constant 32 : index
          %swap3A_229 = tpu.vector_load %arg11[%swap3A_228] {strides = array<i32>} : memref<80xi32, #tpu.memory_space<vmem>>, vector<16xi32>,
          %swap3A_230 = vector.shape_cast %swap3A_229 : vector<16xi32> to vector<16xi32>
          %swap3A_231 = vector.shape_cast %add3A_227 : vector<16xi32> to vector<16xi32>
          tpu.vector_store %arg11[%swap3A_228], %swap3A_231 {strides = array<i32>} : memref<80xi32, #tpu.memory_space<vmem>>, vector<16xi32>,
          %get3A_232 = arith.constant 48 : index
          %get3A_233 = tpu.vector_load %arg11[%get3A_232] {strides = array<i32>} : memref<80xi32, #tpu.memory_space<vmem>>, vector<16xi32>,
          %get3A_234 = vector.shape_cast %get3A_233 : vector<16xi32> to vector<16xi32>
          %add3A_235 = arith.constant 20000 : i32
          %add3A_236 = vector.broadcast %add3A_235 : i32 to vector<16xi32>
          %add3A_237 = arith.addi %get3A_234, %add3A_236 : vector<16xi32>
          %swap3A_238 = arith.constant 48 : index
          %swap3A_239 = tpu.vector_load %arg11[%swap3A_238] {strides = array<i32>} : memref<80xi32, #tpu.memory_space<vmem>>, vector<16xi32>,
          %swap3A_240 = vector.shape_cast %swap3A_239 : vector<16xi32> to vector<16xi32>
          %swap3A_241 = vector.shape_cast %add3A_237 : vector<16xi32> to vector<16xi32>
          tpu.vector_store %arg11[%swap3A_238], %swap3A_241 {strides = array<i32>} : memref<80xi32, #tpu.memory_space<vmem>>, vector<16xi32>,
          %get3A_242 = arith.constant 64 : index
          %get3A_243 = tpu.vector_load %arg11[%get3A_242] {strides = array<i32>} : memref<80xi32, #tpu.memory_space<vmem>>, vector<16xi32>,
          %get3A_244 = vector.shape_cast %get3A_243 : vector<16xi32> to vector<16xi32>
          %add3A_245 = arith.constant 20000 : i32
          %add3A_246 = vector.broadcast %add3A_245 : i32 to vector<16xi32>
          %add3A_247 = arith.addi %get3A_244, %add3A_246 : vector<16xi32>
          %swap3A_248 = arith.constant 64 : index
          %swap3A_249 = tpu.vector_load %arg11[%swap3A_248] {strides = array<i32>} : memref<80xi32, #tpu.memory_space<vmem>>, vector<16xi32>,
          %swap3A_250 = vector.shape_cast %swap3A_249 : vector<16xi32> to vector<16xi32>
          %swap3A_251 = vector.shape_cast %add3A_247 : vector<16xi32> to vector<16xi32>
          tpu.vector_store %arg11[%swap3A_248], %swap3A_251 {strides = array<i32>} : memref<80xi32, #tpu.memory_space<vmem>>, vector<16xi32>,
          %dma_start3A = arith.constant 0 : i32
          %dma_start3A_252 = arith.constant 0 : i32
          %dma_start3A_253 = tpu.memref_slice %arg2[%dma_start3A, %dma_start3A_252] : memref<30000x128xf32, #tpu.memory_space<hbm>> -> memref<30000x128xf32, #tpu.memory_space<hbm>>
          tpu.enqueue_indirect_dma source(%dma_start3A_253 : memref<30000x128xf32, #tpu.memory_space<hbm>>) target(%arg7 : memref<80x128xf32, #tpu.memory_space<vmem>>) offsets(%arg11 : memref<80xi32, #tpu.memory_space<vmem>>) semaphore(%arg19 : memref<!tpu.dma_semaphore, #tpu.memory_space<semaphore_mem>>)
        } else {
        }
        %ge3A_112 = arith.constant 0 : i32
        %ge3A_113 = arith.cmpi sge, %sub3A_87, %ge3A_112 : i32
        %lt3A_114 = arith.constant 250 : i32
        %lt3A_115 = arith.cmpi slt, %sub3A_87, %lt3A_114 : i32
        %and3A_116 = arith.andi %ge3A_113, %lt3A_115 : i1
        %convert_element_type3A_117 = arith.extui %and3A_116 : i1 to i32
        %cond3A_118 = arith.constant 0 : i32
        %cond3A_119 = arith.cmpi ne, %convert_element_type3A_117, %cond3A_118 : i32
        scf.if %cond3A_119 {
          %dma_wait3A_196 = arith.constant 0 : i32
          %dma_wait3A_197 = arith.constant 0 : i32
          %dma_wait3A_198 = tpu.memref_slice %arg2[%dma_wait3A_196, %dma_wait3A_197] : memref<30000x128xf32, #tpu.memory_space<hbm>> -> memref<30000x128xf32, #tpu.memory_space<hbm>>
          tpu.wait_indirect_dma semaphore(%arg22 : memref<!tpu.dma_semaphore, #tpu.memory_space<semaphore_mem>>) src(%dma_wait3A_198 : memref<30000x128xf32, #tpu.memory_space<hbm>>) dst(%arg10 : memref<80x128xf32, #tpu.memory_space<vmem>>)
          %dma_start3A = arith.constant 0 : i32
          %dma_start3A_199 = arith.constant 0 : i32
          %dma_start3A_200 = tpu.memref_slice %arg6[%dma_start3A, %dma_start3A_199] : memref<10000x128xf32, #tpu.memory_space<vmem_shared>> -> memref<10000x128xf32, #tpu.memory_space<vmem_shared>>
          tpu.enqueue_indirect_dma source(%arg10 : memref<80x128xf32, #tpu.memory_space<vmem>>) target(%dma_start3A_200 : memref<10000x128xf32, #tpu.memory_space<vmem_shared>>) offsets(%arg18 : memref<80xi32, #tpu.memory_space<vmem>>) semaphore(%arg26 : memref<!tpu.dma_semaphore, #tpu.memory_space<semaphore_mem>>) {add = true}
        } else {
        }
        %mul3A_120 = arith.constant 4 : i32
        %mul3A_121 = arith.muli %mul3A_120, %scan3A_47 : i32
        %add3A_122 = arith.constant 2 : i32
        %add3A_123 = arith.addi %mul3A_121, %add3A_122 : i32
        %sub3A_124 = arith.constant 2 : i32
        %sub3A_125 = arith.subi %add3A_123, %sub3A_124 : i32
        %ge3A_126 = arith.constant 2 : i32
        %ge3A_127 = arith.cmpi sge, %sub3A_125, %ge3A_126 : i32
        %convert_element_type3A_128 = arith.extui %ge3A_127 : i1 to i32
        %cond3A_129 = arith.constant 0 : i32
        %cond3A_130 = arith.cmpi ne, %convert_element_type3A_128, %cond3A_129 : i32
        scf.if %cond3A_130 {
          %dma_wait3A_196 = arith.constant 0 : i32
          %dma_wait3A_197 = arith.constant 0 : i32
          %dma_wait3A_198 = tpu.memref_slice %arg6[%dma_wait3A_196, %dma_wait3A_197] : memref<10000x128xf32, #tpu.memory_space<vmem_shared>> -> memref<10000x128xf32, #tpu.memory_space<vmem_shared>>
          tpu.wait_indirect_dma semaphore(%arg25 : memref<!tpu.dma_semaphore, #tpu.memory_space<semaphore_mem>>) src(%arg9 : memref<80x128xf32, #tpu.memory_space<vmem>>) dst(%dma_wait3A_198 : memref<10000x128xf32, #tpu.memory_space<vmem_shared>>)
        } else {
        }
        %add3A_131 = arith.constant 2 : i32
        %add3A_132 = arith.addi %sub3A_125, %add3A_131 : i32
        %lt3A_133 = arith.constant 250 : i32
        %lt3A_134 = arith.cmpi slt, %add3A_132, %lt3A_133 : i32
        %convert_element_type3A_135 = arith.extui %lt3A_134 : i1 to i32
        %cond3A_136 = arith.constant 0 : i32
        %cond3A_137 = arith.cmpi ne, %convert_element_type3A_135, %cond3A_136 : i32
        scf.if %cond3A_137 {
          %add3A_196 = arith.constant 2 : i32
          %add3A_197 = arith.addi %sub3A_125, %add3A_196 : i32
          %mul3A_198 = arith.constant 80 : i32
          %mul3A_199 = arith.muli %add3A_197, %mul3A_198 : i32
          %add3A_200 = arith.addi %multiple_of3A_14, %mul3A_199 : i32
          %multiple_of3A_201 = tpu.assume_multiple %add3A_200, 8 : i32
          %add3A_202 = arith.constant 640000 : i32
          %add3A_203 = arith.addi %add3A_202, %multiple_of3A_201 : i32
          %dma_start3A = tpu.memref_slice %arg3[%add3A_203] : memref<1280000xi32, #tpu.memory_space<hbm>> -> memref<80xi32, #tpu.memory_space<hbm>>
          %dma_start3A_204 = tpu.memref_slice %arg3[%add3A_203] : memref<1280000xi32, #tpu.memory_space<hbm>> -> memref<80xi32, #tpu.memory_space<hbm>>
          tpu.enqueue_dma source(%dma_start3A_204 : memref<80xi32, #tpu.memory_space<hbm>>) target(%arg13 : memref<80xi32, #tpu.memory_space<vmem>>) target_semaphore(%arg29 : memref<!tpu.dma_semaphore, #tpu.memory_space<semaphore_mem>>)
          %add3A_205 = arith.constant 960000 : i32
          %add3A_206 = arith.addi %add3A_205, %multiple_of3A_201 : i32
          %dma_start3A_207 = tpu.memref_slice %arg3[%add3A_206] : memref<1280000xi32, #tpu.memory_space<hbm>> -> memref<80xi32, #tpu.memory_space<hbm>>
          %dma_start3A_208 = tpu.memref_slice %arg3[%add3A_206] : memref<1280000xi32, #tpu.memory_space<hbm>> -> memref<80xi32, #tpu.memory_space<hbm>>
          tpu.enqueue_dma source(%dma_start3A_208 : memref<80xi32, #tpu.memory_space<hbm>>) target(%arg17 : memref<80xi32, #tpu.memory_space<vmem>>) target_semaphore(%arg29 : memref<!tpu.dma_semaphore, #tpu.memory_space<semaphore_mem>>)
        } else {
        }
        %add3A_138 = arith.constant 1 : i32
        %add3A_139 = arith.addi %sub3A_125, %add3A_138 : i32
        %ge3A_140 = arith.constant 0 : i32
        %ge3A_141 = arith.cmpi sge, %add3A_139, %ge3A_140 : i32
        %add3A_142 = arith.constant 1 : i32
        %add3A_143 = arith.addi %sub3A_125, %add3A_142 : i32
        %lt3A_144 = arith.constant 250 : i32
        %lt3A_145 = arith.cmpi slt, %add3A_143, %lt3A_144 : i32
        %and3A_146 = arith.andi %ge3A_141, %lt3A_145 : i1
        %convert_element_type3A_147 = arith.extui %and3A_146 : i1 to i32
        %cond3A_148 = arith.constant 0 : i32
        %cond3A_149 = arith.cmpi ne, %convert_element_type3A_147, %cond3A_148 : i32
        scf.if %cond3A_149 {
          %dma_wait3A_196 = arith.constant 0 : i32
          %dma_wait3A_197 = tpu.memref_slice %arg3[%dma_wait3A_196] : memref<1280000xi32, #tpu.memory_space<hbm>> -> memref<80xi32, #tpu.memory_space<hbm>>
          %dma_wait3A_198 = arith.constant 0 : i32
          %dma_wait3A_199 = tpu.memref_slice %arg3[%dma_wait3A_198] : memref<1280000xi32, #tpu.memory_space<hbm>> -> memref<80xi32, #tpu.memory_space<hbm>>
          tpu.wait_dma2 semaphore(%arg28 : memref<!tpu.dma_semaphore, #tpu.memory_space<semaphore_mem>>) src(%dma_wait3A_199 : memref<80xi32, #tpu.memory_space<hbm>>) dst(%arg12 : memref<80xi32, #tpu.memory_space<vmem>>)
          %dma_wait3A_200 = arith.constant 0 : i32
          %dma_wait3A_201 = tpu.memref_slice %arg3[%dma_wait3A_200] : memref<1280000xi32, #tpu.memory_space<hbm>> -> memref<80xi32, #tpu.memory_space<hbm>>
          %dma_wait3A_202 = arith.constant 0 : i32
          %dma_wait3A_203 = tpu.memref_slice %arg3[%dma_wait3A_202] : memref<1280000xi32, #tpu.memory_space<hbm>> -> memref<80xi32, #tpu.memory_space<hbm>>
          tpu.wait_dma2 semaphore(%arg28 : memref<!tpu.dma_semaphore, #tpu.memory_space<semaphore_mem>>) src(%dma_wait3A_203 : memref<80xi32, #tpu.memory_space<hbm>>) dst(%arg16 : memref<80xi32, #tpu.memory_space<vmem>>)
          %get3A = arith.constant 0 : index
          %get3A_204 = tpu.vector_load %arg12[%get3A] {strides = array<i32>} : memref<80xi32, #tpu.memory_space<vmem>>, vector<16xi32>,
          %get3A_205 = vector.shape_cast %get3A_204 : vector<16xi32> to vector<16xi32>
          %add3A_206 = arith.constant 20000 : i32
          %add3A_207 = vector.broadcast %add3A_206 : i32 to vector<16xi32>
          %add3A_208 = arith.addi %get3A_205, %add3A_207 : vector<16xi32>
          %swap3A = arith.constant 0 : index
          %swap3A_209 = tpu.vector_load %arg12[%swap3A] {strides = array<i32>} : memref<80xi32, #tpu.memory_space<vmem>>, vector<16xi32>,
          %swap3A_210 = vector.shape_cast %swap3A_209 : vector<16xi32> to vector<16xi32>
          %swap3A_211 = vector.shape_cast %add3A_208 : vector<16xi32> to vector<16xi32>
          tpu.vector_store %arg12[%swap3A], %swap3A_211 {strides = array<i32>} : memref<80xi32, #tpu.memory_space<vmem>>, vector<16xi32>,
          %get3A_212 = arith.constant 16 : index
          %get3A_213 = tpu.vector_load %arg12[%get3A_212] {strides = array<i32>} : memref<80xi32, #tpu.memory_space<vmem>>, vector<16xi32>,
          %get3A_214 = vector.shape_cast %get3A_213 : vector<16xi32> to vector<16xi32>
          %add3A_215 = arith.constant 20000 : i32
          %add3A_216 = vector.broadcast %add3A_215 : i32 to vector<16xi32>
          %add3A_217 = arith.addi %get3A_214, %add3A_216 : vector<16xi32>
          %swap3A_218 = arith.constant 16 : index
          %swap3A_219 = tpu.vector_load %arg12[%swap3A_218] {strides = array<i32>} : memref<80xi32, #tpu.memory_space<vmem>>, vector<16xi32>,
          %swap3A_220 = vector.shape_cast %swap3A_219 : vector<16xi32> to vector<16xi32>
          %swap3A_221 = vector.shape_cast %add3A_217 : vector<16xi32> to vector<16xi32>
          tpu.vector_store %arg12[%swap3A_218], %swap3A_221 {strides = array<i32>} : memref<80xi32, #tpu.memory_space<vmem>>, vector<16xi32>,
          %get3A_222 = arith.constant 32 : index
          %get3A_223 = tpu.vector_load %arg12[%get3A_222] {strides = array<i32>} : memref<80xi32, #tpu.memory_space<vmem>>, vector<16xi32>,
          %get3A_224 = vector.shape_cast %get3A_223 : vector<16xi32> to vector<16xi32>
          %add3A_225 = arith.constant 20000 : i32
          %add3A_226 = vector.broadcast %add3A_225 : i32 to vector<16xi32>
          %add3A_227 = arith.addi %get3A_224, %add3A_226 : vector<16xi32>
          %swap3A_228 = arith.constant 32 : index
          %swap3A_229 = tpu.vector_load %arg12[%swap3A_228] {strides = array<i32>} : memref<80xi32, #tpu.memory_space<vmem>>, vector<16xi32>,
          %swap3A_230 = vector.shape_cast %swap3A_229 : vector<16xi32> to vector<16xi32>
          %swap3A_231 = vector.shape_cast %add3A_227 : vector<16xi32> to vector<16xi32>
          tpu.vector_store %arg12[%swap3A_228], %swap3A_231 {strides = array<i32>} : memref<80xi32, #tpu.memory_space<vmem>>, vector<16xi32>,
          %get3A_232 = arith.constant 48 : index
          %get3A_233 = tpu.vector_load %arg12[%get3A_232] {strides = array<i32>} : memref<80xi32, #tpu.memory_space<vmem>>, vector<16xi32>,
          %get3A_234 = vector.shape_cast %get3A_233 : vector<16xi32> to vector<16xi32>
          %add3A_235 = arith.constant 20000 : i32
          %add3A_236 = vector.broadcast %add3A_235 : i32 to vector<16xi32>
          %add3A_237 = arith.addi %get3A_234, %add3A_236 : vector<16xi32>
          %swap3A_238 = arith.constant 48 : index
          %swap3A_239 = tpu.vector_load %arg12[%swap3A_238] {strides = array<i32>} : memref<80xi32, #tpu.memory_space<vmem>>, vector<16xi32>,
          %swap3A_240 = vector.shape_cast %swap3A_239 : vector<16xi32> to vector<16xi32>
          %swap3A_241 = vector.shape_cast %add3A_237 : vector<16xi32> to vector<16xi32>
          tpu.vector_store %arg12[%swap3A_238], %swap3A_241 {strides = array<i32>} : memref<80xi32, #tpu.memory_space<vmem>>, vector<16xi32>,
          %get3A_242 = arith.constant 64 : index
          %get3A_243 = tpu.vector_load %arg12[%get3A_242] {strides = array<i32>} : memref<80xi32, #tpu.memory_space<vmem>>, vector<16xi32>,
          %get3A_244 = vector.shape_cast %get3A_243 : vector<16xi32> to vector<16xi32>
          %add3A_245 = arith.constant 20000 : i32
          %add3A_246 = vector.broadcast %add3A_245 : i32 to vector<16xi32>
          %add3A_247 = arith.addi %get3A_244, %add3A_246 : vector<16xi32>
          %swap3A_248 = arith.constant 64 : index
          %swap3A_249 = tpu.vector_load %arg12[%swap3A_248] {strides = array<i32>} : memref<80xi32, #tpu.memory_space<vmem>>, vector<16xi32>,
          %swap3A_250 = vector.shape_cast %swap3A_249 : vector<16xi32> to vector<16xi32>
          %swap3A_251 = vector.shape_cast %add3A_247 : vector<16xi32> to vector<16xi32>
          tpu.vector_store %arg12[%swap3A_248], %swap3A_251 {strides = array<i32>} : memref<80xi32, #tpu.memory_space<vmem>>, vector<16xi32>,
          %dma_start3A = arith.constant 0 : i32
          %dma_start3A_252 = arith.constant 0 : i32
          %dma_start3A_253 = tpu.memref_slice %arg2[%dma_start3A, %dma_start3A_252] : memref<30000x128xf32, #tpu.memory_space<hbm>> -> memref<30000x128xf32, #tpu.memory_space<hbm>>
          tpu.enqueue_indirect_dma source(%dma_start3A_253 : memref<30000x128xf32, #tpu.memory_space<hbm>>) target(%arg8 : memref<80x128xf32, #tpu.memory_space<vmem>>) offsets(%arg12 : memref<80xi32, #tpu.memory_space<vmem>>) semaphore(%arg20 : memref<!tpu.dma_semaphore, #tpu.memory_space<semaphore_mem>>)
        } else {
        }
        %ge3A_150 = arith.constant 0 : i32
        %ge3A_151 = arith.cmpi sge, %sub3A_125, %ge3A_150 : i32
        %lt3A_152 = arith.constant 250 : i32
        %lt3A_153 = arith.cmpi slt, %sub3A_125, %lt3A_152 : i32
        %and3A_154 = arith.andi %ge3A_151, %lt3A_153 : i1
        %convert_element_type3A_155 = arith.extui %and3A_154 : i1 to i32
        %cond3A_156 = arith.constant 0 : i32
        %cond3A_157 = arith.cmpi ne, %convert_element_type3A_155, %cond3A_156 : i32
        scf.if %cond3A_157 {
          %dma_wait3A_196 = arith.constant 0 : i32
          %dma_wait3A_197 = arith.constant 0 : i32
          %dma_wait3A_198 = tpu.memref_slice %arg2[%dma_wait3A_196, %dma_wait3A_197] : memref<30000x128xf32, #tpu.memory_space<hbm>> -> memref<30000x128xf32, #tpu.memory_space<hbm>>
          tpu.wait_indirect_dma semaphore(%arg19 : memref<!tpu.dma_semaphore, #tpu.memory_space<semaphore_mem>>) src(%dma_wait3A_198 : memref<30000x128xf32, #tpu.memory_space<hbm>>) dst(%arg7 : memref<80x128xf32, #tpu.memory_space<vmem>>)
          %dma_start3A = arith.constant 0 : i32
          %dma_start3A_199 = arith.constant 0 : i32
          %dma_start3A_200 = tpu.memref_slice %arg6[%dma_start3A, %dma_start3A_199] : memref<10000x128xf32, #tpu.memory_space<vmem_shared>> -> memref<10000x128xf32, #tpu.memory_space<vmem_shared>>
          tpu.enqueue_indirect_dma source(%arg7 : memref<80x128xf32, #tpu.memory_space<vmem>>) target(%dma_start3A_200 : memref<10000x128xf32, #tpu.memory_space<vmem_shared>>) offsets(%arg15 : memref<80xi32, #tpu.memory_space<vmem>>) semaphore(%arg23 : memref<!tpu.dma_semaphore, #tpu.memory_space<semaphore_mem>>) {add = true}
        } else {
        }
        %mul3A_158 = arith.constant 4 : i32
        %mul3A_159 = arith.muli %mul3A_158, %scan3A_47 : i32
        %add3A_160 = arith.constant 3 : i32
        %add3A_161 = arith.addi %mul3A_159, %add3A_160 : i32
        %sub3A_162 = arith.constant 2 : i32
        %sub3A_163 = arith.subi %add3A_161, %sub3A_162 : i32
        %ge3A_164 = arith.constant 2 : i32
        %ge3A_165 = arith.cmpi sge, %sub3A_163, %ge3A_164 : i32
        %convert_element_type3A_166 = arith.extui %ge3A_165 : i1 to i32
        %cond3A_167 = arith.constant 0 : i32
        %cond3A_168 = arith.cmpi ne, %convert_element_type3A_166, %cond3A_167 : i32
        scf.if %cond3A_168 {
          %dma_wait3A_196 = arith.constant 0 : i32
          %dma_wait3A_197 = arith.constant 0 : i32
          %dma_wait3A_198 = tpu.memref_slice %arg6[%dma_wait3A_196, %dma_wait3A_197] : memref<10000x128xf32, #tpu.memory_space<vmem_shared>> -> memref<10000x128xf32, #tpu.memory_space<vmem_shared>>
          tpu.wait_indirect_dma semaphore(%arg26 : memref<!tpu.dma_semaphore, #tpu.memory_space<semaphore_mem>>) src(%arg10 : memref<80x128xf32, #tpu.memory_space<vmem>>) dst(%dma_wait3A_198 : memref<10000x128xf32, #tpu.memory_space<vmem_shared>>)
        } else {
        }
        %add3A_169 = arith.constant 2 : i32
        %add3A_170 = arith.addi %sub3A_163, %add3A_169 : i32
        %lt3A_171 = arith.constant 250 : i32
        %lt3A_172 = arith.cmpi slt, %add3A_170, %lt3A_171 : i32
        %convert_element_type3A_173 = arith.extui %lt3A_172 : i1 to i32
        %cond3A_174 = arith.constant 0 : i32
        %cond3A_175 = arith.cmpi ne, %convert_element_type3A_173, %cond3A_174 : i32
        scf.if %cond3A_175 {
          %add3A_196 = arith.constant 2 : i32
          %add3A_197 = arith.addi %sub3A_163, %add3A_196 : i32
          %mul3A_198 = arith.constant 80 : i32
          %mul3A_199 = arith.muli %add3A_197, %mul3A_198 : i32
          %add3A_200 = arith.addi %multiple_of3A_14, %mul3A_199 : i32
          %multiple_of3A_201 = tpu.assume_multiple %add3A_200, 8 : i32
          %add3A_202 = arith.constant 640000 : i32
          %add3A_203 = arith.addi %add3A_202, %multiple_of3A_201 : i32
          %dma_start3A = tpu.memref_slice %arg3[%add3A_203] : memref<1280000xi32, #tpu.memory_space<hbm>> -> memref<80xi32, #tpu.memory_space<hbm>>
          %dma_start3A_204 = tpu.memref_slice %arg3[%add3A_203] : memref<1280000xi32, #tpu.memory_space<hbm>> -> memref<80xi32, #tpu.memory_space<hbm>>
          tpu.enqueue_dma source(%dma_start3A_204 : memref<80xi32, #tpu.memory_space<hbm>>) target(%arg14 : memref<80xi32, #tpu.memory_space<vmem>>) target_semaphore(%arg30 : memref<!tpu.dma_semaphore, #tpu.memory_space<semaphore_mem>>)
          %add3A_205 = arith.constant 960000 : i32
          %add3A_206 = arith.addi %add3A_205, %multiple_of3A_201 : i32
          %dma_start3A_207 = tpu.memref_slice %arg3[%add3A_206] : memref<1280000xi32, #tpu.memory_space<hbm>> -> memref<80xi32, #tpu.memory_space<hbm>>
          %dma_start3A_208 = tpu.memref_slice %arg3[%add3A_206] : memref<1280000xi32, #tpu.memory_space<hbm>> -> memref<80xi32, #tpu.memory_space<hbm>>
          tpu.enqueue_dma source(%dma_start3A_208 : memref<80xi32, #tpu.memory_space<hbm>>) target(%arg18 : memref<80xi32, #tpu.memory_space<vmem>>) target_semaphore(%arg30 : memref<!tpu.dma_semaphore, #tpu.memory_space<semaphore_mem>>)
        } else {
        }
        %add3A_176 = arith.constant 1 : i32
        %add3A_177 = arith.addi %sub3A_163, %add3A_176 : i32
        %ge3A_178 = arith.constant 0 : i32
        %ge3A_179 = arith.cmpi sge, %add3A_177, %ge3A_178 : i32
        %add3A_180 = arith.constant 1 : i32
        %add3A_181 = arith.addi %sub3A_163, %add3A_180 : i32
        %lt3A_182 = arith.constant 250 : i32
        %lt3A_183 = arith.cmpi slt, %add3A_181, %lt3A_182 : i32
        %and3A_184 = arith.andi %ge3A_179, %lt3A_183 : i1
        %convert_element_type3A_185 = arith.extui %and3A_184 : i1 to i32
        %cond3A_186 = arith.constant 0 : i32
        %cond3A_187 = arith.cmpi ne, %convert_element_type3A_185, %cond3A_186 : i32
        scf.if %cond3A_187 {
          %dma_wait3A_196 = arith.constant 0 : i32
          %dma_wait3A_197 = tpu.memref_slice %arg3[%dma_wait3A_196] : memref<1280000xi32, #tpu.memory_space<hbm>> -> memref<80xi32, #tpu.memory_space<hbm>>
          %dma_wait3A_198 = arith.constant 0 : i32
          %dma_wait3A_199 = tpu.memref_slice %arg3[%dma_wait3A_198] : memref<1280000xi32, #tpu.memory_space<hbm>> -> memref<80xi32, #tpu.memory_space<hbm>>
          tpu.wait_dma2 semaphore(%arg29 : memref<!tpu.dma_semaphore, #tpu.memory_space<semaphore_mem>>) src(%dma_wait3A_199 : memref<80xi32, #tpu.memory_space<hbm>>) dst(%arg13 : memref<80xi32, #tpu.memory_space<vmem>>)
          %dma_wait3A_200 = arith.constant 0 : i32
          %dma_wait3A_201 = tpu.memref_slice %arg3[%dma_wait3A_200] : memref<1280000xi32, #tpu.memory_space<hbm>> -> memref<80xi32, #tpu.memory_space<hbm>>
          %dma_wait3A_202 = arith.constant 0 : i32
          %dma_wait3A_203 = tpu.memref_slice %arg3[%dma_wait3A_202] : memref<1280000xi32, #tpu.memory_space<hbm>> -> memref<80xi32, #tpu.memory_space<hbm>>
          tpu.wait_dma2 semaphore(%arg29 : memref<!tpu.dma_semaphore, #tpu.memory_space<semaphore_mem>>) src(%dma_wait3A_203 : memref<80xi32, #tpu.memory_space<hbm>>) dst(%arg17 : memref<80xi32, #tpu.memory_space<vmem>>)
          %get3A = arith.constant 0 : index
          %get3A_204 = tpu.vector_load %arg13[%get3A] {strides = array<i32>} : memref<80xi32, #tpu.memory_space<vmem>>, vector<16xi32>,
          %get3A_205 = vector.shape_cast %get3A_204 : vector<16xi32> to vector<16xi32>
          %add3A_206 = arith.constant 20000 : i32
          %add3A_207 = vector.broadcast %add3A_206 : i32 to vector<16xi32>
          %add3A_208 = arith.addi %get3A_205, %add3A_207 : vector<16xi32>
          %swap3A = arith.constant 0 : index
          %swap3A_209 = tpu.vector_load %arg13[%swap3A] {strides = array<i32>} : memref<80xi32, #tpu.memory_space<vmem>>, vector<16xi32>,
          %swap3A_210 = vector.shape_cast %swap3A_209 : vector<16xi32> to vector<16xi32>
          %swap3A_211 = vector.shape_cast %add3A_208 : vector<16xi32> to vector<16xi32>
          tpu.vector_store %arg13[%swap3A], %swap3A_211 {strides = array<i32>} : memref<80xi32, #tpu.memory_space<vmem>>, vector<16xi32>,
          %get3A_212 = arith.constant 16 : index
          %get3A_213 = tpu.vector_load %arg13[%get3A_212] {strides = array<i32>} : memref<80xi32, #tpu.memory_space<vmem>>, vector<16xi32>,
          %get3A_214 = vector.shape_cast %get3A_213 : vector<16xi32> to vector<16xi32>
          %add3A_215 = arith.constant 20000 : i32
          %add3A_216 = vector.broadcast %add3A_215 : i32 to vector<16xi32>
          %add3A_217 = arith.addi %get3A_214, %add3A_216 : vector<16xi32>
          %swap3A_218 = arith.constant 16 : index
          %swap3A_219 = tpu.vector_load %arg13[%swap3A_218] {strides = array<i32>} : memref<80xi32, #tpu.memory_space<vmem>>, vector<16xi32>,
          %swap3A_220 = vector.shape_cast %swap3A_219 : vector<16xi32> to vector<16xi32>
          %swap3A_221 = vector.shape_cast %add3A_217 : vector<16xi32> to vector<16xi32>
          tpu.vector_store %arg13[%swap3A_218], %swap3A_221 {strides = array<i32>} : memref<80xi32, #tpu.memory_space<vmem>>, vector<16xi32>,
          %get3A_222 = arith.constant 32 : index
          %get3A_223 = tpu.vector_load %arg13[%get3A_222] {strides = array<i32>} : memref<80xi32, #tpu.memory_space<vmem>>, vector<16xi32>,
          %get3A_224 = vector.shape_cast %get3A_223 : vector<16xi32> to vector<16xi32>
          %add3A_225 = arith.constant 20000 : i32
          %add3A_226 = vector.broadcast %add3A_225 : i32 to vector<16xi32>
          %add3A_227 = arith.addi %get3A_224, %add3A_226 : vector<16xi32>
          %swap3A_228 = arith.constant 32 : index
          %swap3A_229 = tpu.vector_load %arg13[%swap3A_228] {strides = array<i32>} : memref<80xi32, #tpu.memory_space<vmem>>, vector<16xi32>,
          %swap3A_230 = vector.shape_cast %swap3A_229 : vector<16xi32> to vector<16xi32>
          %swap3A_231 = vector.shape_cast %add3A_227 : vector<16xi32> to vector<16xi32>
          tpu.vector_store %arg13[%swap3A_228], %swap3A_231 {strides = array<i32>} : memref<80xi32, #tpu.memory_space<vmem>>, vector<16xi32>,
          %get3A_232 = arith.constant 48 : index
          %get3A_233 = tpu.vector_load %arg13[%get3A_232] {strides = array<i32>} : memref<80xi32, #tpu.memory_space<vmem>>, vector<16xi32>,
          %get3A_234 = vector.shape_cast %get3A_233 : vector<16xi32> to vector<16xi32>
          %add3A_235 = arith.constant 20000 : i32
          %add3A_236 = vector.broadcast %add3A_235 : i32 to vector<16xi32>
          %add3A_237 = arith.addi %get3A_234, %add3A_236 : vector<16xi32>
          %swap3A_238 = arith.constant 48 : index
          %swap3A_239 = tpu.vector_load %arg13[%swap3A_238] {strides = array<i32>} : memref<80xi32, #tpu.memory_space<vmem>>, vector<16xi32>,
          %swap3A_240 = vector.shape_cast %swap3A_239 : vector<16xi32> to vector<16xi32>
          %swap3A_241 = vector.shape_cast %add3A_237 : vector<16xi32> to vector<16xi32>
          tpu.vector_store %arg13[%swap3A_238], %swap3A_241 {strides = array<i32>} : memref<80xi32, #tpu.memory_space<vmem>>, vector<16xi32>,
          %get3A_242 = arith.constant 64 : index
          %get3A_243 = tpu.vector_load %arg13[%get3A_242] {strides = array<i32>} : memref<80xi32, #tpu.memory_space<vmem>>, vector<16xi32>,
          %get3A_244 = vector.shape_cast %get3A_243 : vector<16xi32> to vector<16xi32>
          %add3A_245 = arith.constant 20000 : i32
          %add3A_246 = vector.broadcast %add3A_245 : i32 to vector<16xi32>
          %add3A_247 = arith.addi %get3A_244, %add3A_246 : vector<16xi32>
          %swap3A_248 = arith.constant 64 : index
          %swap3A_249 = tpu.vector_load %arg13[%swap3A_248] {strides = array<i32>} : memref<80xi32, #tpu.memory_space<vmem>>, vector<16xi32>,
          %swap3A_250 = vector.shape_cast %swap3A_249 : vector<16xi32> to vector<16xi32>
          %swap3A_251 = vector.shape_cast %add3A_247 : vector<16xi32> to vector<16xi32>
          tpu.vector_store %arg13[%swap3A_248], %swap3A_251 {strides = array<i32>} : memref<80xi32, #tpu.memory_space<vmem>>, vector<16xi32>,
          %dma_start3A = arith.constant 0 : i32
          %dma_start3A_252 = arith.constant 0 : i32
          %dma_start3A_253 = tpu.memref_slice %arg2[%dma_start3A, %dma_start3A_252] : memref<30000x128xf32, #tpu.memory_space<hbm>> -> memref<30000x128xf32, #tpu.memory_space<hbm>>
          tpu.enqueue_indirect_dma source(%dma_start3A_253 : memref<30000x128xf32, #tpu.memory_space<hbm>>) target(%arg9 : memref<80x128xf32, #tpu.memory_space<vmem>>) offsets(%arg13 : memref<80xi32, #tpu.memory_space<vmem>>) semaphore(%arg21 : memref<!tpu.dma_semaphore, #tpu.memory_space<semaphore_mem>>)
        } else {
        }
        %ge3A_188 = arith.constant 0 : i32
        %ge3A_189 = arith.cmpi sge, %sub3A_163, %ge3A_188 : i32
        %lt3A_190 = arith.constant 250 : i32
        %lt3A_191 = arith.cmpi slt, %sub3A_163, %lt3A_190 : i32
        %and3A_192 = arith.andi %ge3A_189, %lt3A_191 : i1
        %convert_element_type3A_193 = arith.extui %and3A_192 : i1 to i32
        %cond3A_194 = arith.constant 0 : i32
        %cond3A_195 = arith.cmpi ne, %convert_element_type3A_193, %cond3A_194 : i32
        scf.if %cond3A_195 {
          %dma_wait3A_196 = arith.constant 0 : i32
          %dma_wait3A_197 = arith.constant 0 : i32
          %dma_wait3A_198 = tpu.memref_slice %arg2[%dma_wait3A_196, %dma_wait3A_197] : memref<30000x128xf32, #tpu.memory_space<hbm>> -> memref<30000x128xf32, #tpu.memory_space<hbm>>
          tpu.wait_indirect_dma semaphore(%arg20 : memref<!tpu.dma_semaphore, #tpu.memory_space<semaphore_mem>>) src(%dma_wait3A_198 : memref<30000x128xf32, #tpu.memory_space<hbm>>) dst(%arg8 : memref<80x128xf32, #tpu.memory_space<vmem>>)
          %dma_start3A = arith.constant 0 : i32
          %dma_start3A_199 = arith.constant 0 : i32
          %dma_start3A_200 = tpu.memref_slice %arg6[%dma_start3A, %dma_start3A_199] : memref<10000x128xf32, #tpu.memory_space<vmem_shared>> -> memref<10000x128xf32, #tpu.memory_space<vmem_shared>>
          tpu.enqueue_indirect_dma source(%arg8 : memref<80x128xf32, #tpu.memory_space<vmem>>) target(%dma_start3A_200 : memref<10000x128xf32, #tpu.memory_space<vmem_shared>>) offsets(%arg16 : memref<80xi32, #tpu.memory_space<vmem>>) semaphore(%arg24 : memref<!tpu.dma_semaphore, #tpu.memory_space<semaphore_mem>>) {add = true}
        } else {
        }
      }
      %scan3A_41 = arith.constant 63 : i32
      %dma_wait3A = arith.constant 0 : i32
      %dma_wait3A_42 = arith.constant 0 : i32
      %dma_wait3A_43 = tpu.memref_slice %arg6[%dma_wait3A, %dma_wait3A_42] : memref<10000x128xf32, #tpu.memory_space<vmem_shared>> -> memref<10000x128xf32, #tpu.memory_space<vmem_shared>>
      tpu.wait_indirect_dma semaphore(%arg23 : memref<!tpu.dma_semaphore, #tpu.memory_space<semaphore_mem>>) src(%arg7 : memref<80x128xf32, #tpu.memory_space<vmem>>) dst(%dma_wait3A_43 : memref<10000x128xf32, #tpu.memory_space<vmem_shared>>)
      %dma_wait3A_44 = arith.constant 0 : i32
      %dma_wait3A_45 = arith.constant 0 : i32
      %dma_wait3A_46 = tpu.memref_slice %arg6[%dma_wait3A_44, %dma_wait3A_45] : memref<10000x128xf32, #tpu.memory_space<vmem_shared>> -> memref<10000x128xf32, #tpu.memory_space<vmem_shared>>
      tpu.wait_indirect_dma semaphore(%arg24 : memref<!tpu.dma_semaphore, #tpu.memory_space<semaphore_mem>>) src(%arg8 : memref<80x128xf32, #tpu.memory_space<vmem>>) dst(%dma_wait3A_46 : memref<10000x128xf32, #tpu.memory_space<vmem_shared>>)
    } else {
    }
    %barrier3A_25 = arith.constant 0 : index
    tpu.barrier barrier_id(%barrier3A_25)
    %eq3A_26 = arith.constant 0 : i32
    %eq3A_27 = arith.cmpi eq, %arg0, %eq3A_26 : i32
    %convert_element_type3A_28 = arith.extui %eq3A_27 : i1 to i32
    %cond3A_29 = arith.constant 0 : i32
    %cond3A_30 = arith.cmpi ne, %convert_element_type3A_28, %cond3A_29 : i32
    scf.if %cond3A_30 {
      %lt3A_36 = arith.constant 15 : i32
      %lt3A_37 = arith.cmpi slt, %arg1, %lt3A_36 : i32
      %convert_element_type3A_38 = arith.extui %lt3A_37 : i1 to i32
      %cond3A_39 = arith.constant 0 : i32
      %cond3A_40 = arith.cmpi ne, %convert_element_type3A_38, %cond3A_39 : i32
      scf.if %cond3A_40 {
        "tpu.region"() ({
          %run_scoped3A = tpu.sem_alloc : memref<!tpu.dma_semaphore, #tpu.memory_space<semaphore_mem>>
          %dma_start3A = arith.constant 0 : i32
          %dma_start3A_46 = tpu.memref_slice %arg4[%multiple_of3A, %dma_start3A] : memref<10000x128xf32, #tpu.memory_space<hbm>> -> memref<632x128xf32, #tpu.memory_space<hbm>>
          %dma_start3A_47 = arith.constant 0 : i32
          %dma_start3A_48 = tpu.memref_slice %arg6[%multiple_of3A, %dma_start3A_47] : memref<10000x128xf32, #tpu.memory_space<vmem_shared>> -> memref<632x128xf32, #tpu.memory_space<vmem_shared>>
          tpu.enqueue_dma source(%dma_start3A_48 : memref<632x128xf32, #tpu.memory_space<vmem_shared>>) target(%dma_start3A_46 : memref<632x128xf32, #tpu.memory_space<hbm>>) target_semaphore(%run_scoped3A : memref<!tpu.dma_semaphore, #tpu.memory_space<semaphore_mem>>)
          %dma_wait3A = arith.constant 0 : i32
          %dma_wait3A_49 = tpu.memref_slice %arg4[%multiple_of3A, %dma_wait3A] : memref<10000x128xf32, #tpu.memory_space<hbm>> -> memref<632x128xf32, #tpu.memory_space<hbm>>
          %dma_wait3A_50 = arith.constant 0 : i32
          %dma_wait3A_51 = tpu.memref_slice %arg6[%multiple_of3A, %dma_wait3A_50] : memref<10000x128xf32, #tpu.memory_space<vmem_shared>> -> memref<632x128xf32, #tpu.memory_space<vmem_shared>>
          tpu.wait_dma2 semaphore(%run_scoped3A : memref<!tpu.dma_semaphore, #tpu.memory_space<semaphore_mem>>) src(%dma_wait3A_51 : memref<632x128xf32, #tpu.memory_space<vmem_shared>>) dst(%dma_wait3A_49 : memref<632x128xf32, #tpu.memory_space<hbm>>)
          tpu.yield
        }) : () -> ()
      } else {
      }
      %eq3A_41 = arith.constant 15 : i32
      %eq3A_42 = arith.cmpi eq, %arg1, %eq3A_41 : i32
      %convert_element_type3A_43 = arith.extui %eq3A_42 : i1 to i32
      %cond3A_44 = arith.constant 0 : i32
      %cond3A_45 = arith.cmpi ne, %convert_element_type3A_43, %cond3A_44 : i32
      scf.if %cond3A_45 {
        "tpu.region"() ({
          %run_scoped3A = tpu.sem_alloc : memref<!tpu.dma_semaphore, #tpu.memory_space<semaphore_mem>>
          %dma_start3A = arith.constant 9480 : i32
          %dma_start3A_46 = arith.constant 0 : i32
          %dma_start3A_47 = tpu.memref_slice %arg4[%dma_start3A, %dma_start3A_46] : memref<10000x128xf32, #tpu.memory_space<hbm>> -> memref<520x128xf32, #tpu.memory_space<hbm>>
          %dma_start3A_48 = arith.constant 9480 : i32
          %dma_start3A_49 = arith.constant 0 : i32
          %dma_start3A_50 = tpu.memref_slice %arg6[%dma_start3A_48, %dma_start3A_49] : memref<10000x128xf32, #tpu.memory_space<vmem_shared>> -> memref<520x128xf32, #tpu.memory_space<vmem_shared>>
          tpu.enqueue_dma source(%dma_start3A_50 : memref<520x128xf32, #tpu.memory_space<vmem_shared>>) target(%dma_start3A_47 : memref<520x128xf32, #tpu.memory_space<hbm>>) target_semaphore(%run_scoped3A : memref<!tpu.dma_semaphore, #tpu.memory_space<semaphore_mem>>)
          %dma_wait3A = arith.constant 9480 : i32
          %dma_wait3A_51 = arith.constant 0 : i32
          %dma_wait3A_52 = tpu.memref_slice %arg4[%dma_wait3A, %dma_wait3A_51] : memref<10000x128xf32, #tpu.memory_space<hbm>> -> memref<520x128xf32, #tpu.memory_space<hbm>>
          %dma_wait3A_53 = arith.constant 9480 : i32
          %dma_wait3A_54 = arith.constant 0 : i32
          %dma_wait3A_55 = tpu.memref_slice %arg6[%dma_wait3A_53, %dma_wait3A_54] : memref<10000x128xf32, #tpu.memory_space<vmem_shared>> -> memref<520x128xf32, #tpu.memory_space<vmem_shared>>
          tpu.wait_dma2 semaphore(%run_scoped3A : memref<!tpu.dma_semaphore, #tpu.memory_space<semaphore_mem>>) src(%dma_wait3A_55 : memref<520x128xf32, #tpu.memory_space<vmem_shared>>) dst(%dma_wait3A_52 : memref<520x128xf32, #tpu.memory_space<hbm>>)
          tpu.yield
        }) : () -> ()
      } else {
      }
    } else {
    }
    %eq3A_31 = arith.constant 1 : i32
    %eq3A_32 = arith.cmpi eq, %arg0, %eq3A_31 : i32
    %convert_element_type3A_33 = arith.extui %eq3A_32 : i1 to i32
    %cond3A_34 = arith.constant 0 : i32
    %cond3A_35 = arith.cmpi ne, %convert_element_type3A_33, %cond3A_34 : i32
    scf.if %cond3A_35 {
      %lt3A_36 = arith.constant 15 : i32
      %lt3A_37 = arith.cmpi slt, %arg1, %lt3A_36 : i32
      %convert_element_type3A_38 = arith.extui %lt3A_37 : i1 to i32
      %cond3A_39 = arith.constant 0 : i32
      %cond3A_40 = arith.cmpi ne, %convert_element_type3A_38, %cond3A_39 : i32
      scf.if %cond3A_40 {
        "tpu.region"() ({
          %run_scoped3A = tpu.sem_alloc : memref<!tpu.dma_semaphore, #tpu.memory_space<semaphore_mem>>
          %dma_start3A = arith.constant 0 : i32
          %dma_start3A_46 = tpu.memref_slice %arg5[%multiple_of3A, %dma_start3A] : memref<10000x128xf32, #tpu.memory_space<hbm>> -> memref<632x128xf32, #tpu.memory_space<hbm>>
          %dma_start3A_47 = arith.constant 0 : i32
          %dma_start3A_48 = tpu.memref_slice %arg6[%multiple_of3A, %dma_start3A_47] : memref<10000x128xf32, #tpu.memory_space<vmem_shared>> -> memref<632x128xf32, #tpu.memory_space<vmem_shared>>
          tpu.enqueue_dma source(%dma_start3A_48 : memref<632x128xf32, #tpu.memory_space<vmem_shared>>) target(%dma_start3A_46 : memref<632x128xf32, #tpu.memory_space<hbm>>) target_semaphore(%run_scoped3A : memref<!tpu.dma_semaphore, #tpu.memory_space<semaphore_mem>>)
          %dma_wait3A = arith.constant 0 : i32
          %dma_wait3A_49 = tpu.memref_slice %arg5[%multiple_of3A, %dma_wait3A] : memref<10000x128xf32, #tpu.memory_space<hbm>> -> memref<632x128xf32, #tpu.memory_space<hbm>>
          %dma_wait3A_50 = arith.constant 0 : i32
          %dma_wait3A_51 = tpu.memref_slice %arg6[%multiple_of3A, %dma_wait3A_50] : memref<10000x128xf32, #tpu.memory_space<vmem_shared>> -> memref<632x128xf32, #tpu.memory_space<vmem_shared>>
          tpu.wait_dma2 semaphore(%run_scoped3A : memref<!tpu.dma_semaphore, #tpu.memory_space<semaphore_mem>>) src(%dma_wait3A_51 : memref<632x128xf32, #tpu.memory_space<vmem_shared>>) dst(%dma_wait3A_49 : memref<632x128xf32, #tpu.memory_space<hbm>>)
          tpu.yield
        }) : () -> ()
      } else {
      }
      %eq3A_41 = arith.constant 15 : i32
      %eq3A_42 = arith.cmpi eq, %arg1, %eq3A_41 : i32
      %convert_element_type3A_43 = arith.extui %eq3A_42 : i1 to i32
      %cond3A_44 = arith.constant 0 : i32
      %cond3A_45 = arith.cmpi ne, %convert_element_type3A_43, %cond3A_44 : i32
      scf.if %cond3A_45 {
        "tpu.region"() ({
          %run_scoped3A = tpu.sem_alloc : memref<!tpu.dma_semaphore, #tpu.memory_space<semaphore_mem>>
          %dma_start3A = arith.constant 9480 : i32
          %dma_start3A_46 = arith.constant 0 : i32
          %dma_start3A_47 = tpu.memref_slice %arg5[%dma_start3A, %dma_start3A_46] : memref<10000x128xf32, #tpu.memory_space<hbm>> -> memref<520x128xf32, #tpu.memory_space<hbm>>
          %dma_start3A_48 = arith.constant 9480 : i32
          %dma_start3A_49 = arith.constant 0 : i32
          %dma_start3A_50 = tpu.memref_slice %arg6[%dma_start3A_48, %dma_start3A_49] : memref<10000x128xf32, #tpu.memory_space<vmem_shared>> -> memref<520x128xf32, #tpu.memory_space<vmem_shared>>
          tpu.enqueue_dma source(%dma_start3A_50 : memref<520x128xf32, #tpu.memory_space<vmem_shared>>) target(%dma_start3A_47 : memref<520x128xf32, #tpu.memory_space<hbm>>) target_semaphore(%run_scoped3A : memref<!tpu.dma_semaphore, #tpu.memory_space<semaphore_mem>>)
          %dma_wait3A = arith.constant 9480 : i32
          %dma_wait3A_51 = arith.constant 0 : i32
          %dma_wait3A_52 = tpu.memref_slice %arg5[%dma_wait3A, %dma_wait3A_51] : memref<10000x128xf32, #tpu.memory_space<hbm>> -> memref<520x128xf32, #tpu.memory_space<hbm>>
          %dma_wait3A_53 = arith.constant 9480 : i32
          %dma_wait3A_54 = arith.constant 0 : i32
          %dma_wait3A_55 = tpu.memref_slice %arg6[%dma_wait3A_53, %dma_wait3A_54] : memref<10000x128xf32, #tpu.memory_space<vmem_shared>> -> memref<520x128xf32, #tpu.memory_space<vmem_shared>>
          tpu.wait_dma2 semaphore(%run_scoped3A : memref<!tpu.dma_semaphore, #tpu.memory_space<semaphore_mem>>) src(%dma_wait3A_55 : memref<520x128xf32, #tpu.memory_space<vmem_shared>>) dst(%dma_wait3A_52 : memref<520x128xf32, #tpu.memory_space<hbm>>)
          tpu.yield
        }) : () -> ()
      } else {
      }
    } else {
    }
    return
  }
}

module attributes {stable_mosaic.version = 14 : i64} {
  func.func @_tc_comb_body(%arg0: i32, %arg1: memref<1xf32, #tpu.memory_space<smem>>, %arg2: memref<1xf32, #tpu.memory_space<smem>>, %arg3: memref<1x2000x128xf32, #tpu.memory_space<vmem>>, %arg4: memref<1x2000x128xf32, #tpu.memory_space<vmem>>, %arg5: memref<1x2000x128xf32, #tpu.memory_space<vmem>>, %arg6: memref<2000x128xf32, #tpu.memory_space<vmem>>, %arg7: memref<2000x128xf32, #tpu.memory_space<vmem>>, %arg8: memref<128x128xf32, #tpu.memory_space<vmem>>, %arg9: memref<1x128xf32, #tpu.memory_space<vmem>>, %arg10: memref<1x128xf32, #tpu.memory_space<vmem>>, %arg11: memref<1x128xf32, #tpu.memory_space<vmem>>, %arg12: memref<128x128xf32, #tpu.memory_space<vmem>>, %arg13: memref<1x128xf32, #tpu.memory_space<vmem>>, %arg14: memref<128x128xf32, #tpu.memory_space<vmem>>, %arg15: memref<1x128xf32, #tpu.memory_space<vmem>>, %arg16: memref<1x128xf32, #tpu.memory_space<vmem>>, %arg17: memref<1x128xf32, #tpu.memory_space<vmem>>, %arg18: memref<128x128xf32, #tpu.memory_space<vmem>>, %arg19: memref<1x128xf32, #tpu.memory_space<vmem>>, %arg20: memref<128x128xf32, #tpu.memory_space<vmem>>, %arg21: memref<1x128xf32, #tpu.memory_space<vmem>>, %arg22: memref<1x128xf32, #tpu.memory_space<vmem>>, %arg23: memref<1x128xf32, #tpu.memory_space<vmem>>, %arg24: memref<128x128xf32, #tpu.memory_space<vmem>>, %arg25: memref<1x128xf32, #tpu.memory_space<vmem>>, %arg26: memref<2000x128xf32, #tpu.memory_space<vmem>>) attributes {dimension_semantics = [#tpu.dimension_semantics<parallel>], iteration_bounds = array<i64: 5>, scalar_prefetch = 0 : i64, scratch_operands = 0 : i64, tpu.core_type = #tpu.core_type<tc>, window_params = [{transform_indices = @transform_0, window_bounds = array<i64: 1>}, {transform_indices = @transform_1, window_bounds = array<i64: 1>}, {transform_indices = @transform_2, window_bounds = array<i64: 1, 2000, 128>}, {transform_indices = @transform_3, window_bounds = array<i64: 1, 2000, 128>}, {transform_indices = @transform_4, window_bounds = array<i64: 1, 2000, 128>}, {transform_indices = @transform_5, window_bounds = array<i64: 2000, 128>}, {transform_indices = @transform_6, window_bounds = array<i64: 2000, 128>}, {pipeline_mode = #tpu.pipeline_mode<synchronous>, transform_indices = @transform_7, window_bounds = array<i64: 128, 128>}, {pipeline_mode = #tpu.pipeline_mode<synchronous>, transform_indices = @transform_8, window_bounds = array<i64: 1, 128>}, {pipeline_mode = #tpu.pipeline_mode<synchronous>, transform_indices = @transform_9, window_bounds = array<i64: 1, 128>}, {pipeline_mode = #tpu.pipeline_mode<synchronous>, transform_indices = @transform_10, window_bounds = array<i64: 1, 128>}, {pipeline_mode = #tpu.pipeline_mode<synchronous>, transform_indices = @transform_11, window_bounds = array<i64: 128, 128>}, {pipeline_mode = #tpu.pipeline_mode<synchronous>, transform_indices = @transform_12, window_bounds = array<i64: 1, 128>}, {pipeline_mode = #tpu.pipeline_mode<synchronous>, transform_indices = @transform_13, window_bounds = array<i64: 128, 128>}, {pipeline_mode = #tpu.pipeline_mode<synchronous>, transform_indices = @transform_14, window_bounds = array<i64: 1, 128>}, {pipeline_mode = #tpu.pipeline_mode<synchronous>, transform_indices = @transform_15, window_bounds = array<i64: 1, 128>}, {pipeline_mode = #tpu.pipeline_mode<synchronous>, transform_indices = @transform_16, window_bounds = array<i64: 1, 128>}, {pipeline_mode = #tpu.pipeline_mode<synchronous>, transform_indices = @transform_17, window_bounds = array<i64: 128, 128>}, {pipeline_mode = #tpu.pipeline_mode<synchronous>, transform_indices = @transform_18, window_bounds = array<i64: 1, 128>}, {pipeline_mode = #tpu.pipeline_mode<synchronous>, transform_indices = @transform_19, window_bounds = array<i64: 128, 128>}, {pipeline_mode = #tpu.pipeline_mode<synchronous>, transform_indices = @transform_20, window_bounds = array<i64: 1, 128>}, {pipeline_mode = #tpu.pipeline_mode<synchronous>, transform_indices = @transform_21, window_bounds = array<i64: 1, 128>}, {pipeline_mode = #tpu.pipeline_mode<synchronous>, transform_indices = @transform_22, window_bounds = array<i64: 1, 128>}, {pipeline_mode = #tpu.pipeline_mode<synchronous>, transform_indices = @transform_23, window_bounds = array<i64: 128, 128>}, {pipeline_mode = #tpu.pipeline_mode<synchronous>, transform_indices = @transform_24, window_bounds = array<i64: 1, 128>}, {transform_indices = @transform_25, window_bounds = array<i64: 2000, 128>}]} {
    %get3A = arith.constant 0 : index
    %get3A_0 = arith.constant 0 : index
    %get3A_1 = arith.constant 0 : index
    %get3A_2 = vector.load %arg3[%get3A, %get3A_0, %get3A_1] : memref<1x2000x128xf32, #tpu.memory_space<vmem>>, vector<1x2000x128xf32>
    %get3A_3 = vector.shape_cast %get3A_2 : vector<1x2000x128xf32> to vector<2000x128xf32>
    %convert_element_type3A = arith.truncf %get3A_3 : vector<2000x128xf32> to vector<2000x128xbf16>
    %get3A_4 = arith.constant 0 : index
    %get3A_5 = arith.constant 0 : index
    %get3A_6 = vector.load %arg8[%get3A_4, %get3A_5] : memref<128x128xf32, #tpu.memory_space<vmem>>, vector<128x128xf32>
    %convert_element_type3A_7 = arith.truncf %get3A_6 : vector<128x128xf32> to vector<128x128xbf16>
    %dot_general3A = arith.constant dense<0.000000e+00> : vector<2000x128xf32>
    %dot_general3A_8 = tpu.matmul %convert_element_type3A, %convert_element_type3A_7, %dot_general3A {dimension_numbers = #tpu.dot_dimension_numbers<[1], [0], [0], [1], [0, 0, 1, 1], [], []>, transpose_lhs_hint = false} : vector<2000x128xbf16>, vector<128x128xbf16>, vector<2000x128xf32> -> vector<2000x128xf32>
    %get3A_9 = arith.constant 0 : index
    %get3A_10 = arith.constant 0 : index
    %get3A_11 = vector.load %arg9[%get3A_9, %get3A_10] : memref<1x128xf32, #tpu.memory_space<vmem>>, vector<1x128xf32>
    %add3A = vector.broadcast %get3A_11 : vector<1x128xf32> to vector<2000x128xf32>
    %add3A_12 = arith.addf %dot_general3A_8, %add3A : vector<2000x128xf32>
    %get3A_13 = arith.constant 0 : index
    %get3A_14 = arith.constant 0 : index
    %get3A_15 = vector.load %arg10[%get3A_13, %get3A_14] : memref<1x128xf32, #tpu.memory_space<vmem>>, vector<1x128xf32>
    %mul3A = arith.constant 0.999994993 : f32
    %mul3A_16 = vector.broadcast %mul3A : f32 to vector<1x128xf32>
    %mul3A_17 = arith.mulf %get3A_15, %mul3A_16 : vector<1x128xf32>
    %mul3A_18 = vector.broadcast %mul3A_17 : vector<1x128xf32> to vector<2000x128xf32>
    %mul3A_19 = arith.mulf %add3A_12, %mul3A_18 : vector<2000x128xf32>
    %get3A_20 = arith.constant 0 : index
    %get3A_21 = arith.constant 0 : index
    %get3A_22 = vector.load %arg11[%get3A_20, %get3A_21] : memref<1x128xf32, #tpu.memory_space<vmem>>, vector<1x128xf32>
    %add3A_23 = vector.broadcast %get3A_22 : vector<1x128xf32> to vector<2000x128xf32>
    %add3A_24 = arith.addf %mul3A_19, %add3A_23 : vector<2000x128xf32>
    %max3A = arith.constant 0.000000e+00 : f32
    %max3A_25 = vector.broadcast %max3A : f32 to vector<2000x128xf32>
    %max3A_26 = arith.maximumf %add3A_24, %max3A_25 : vector<2000x128xf32>
    %convert_element_type3A_27 = arith.truncf %max3A_26 : vector<2000x128xf32> to vector<2000x128xbf16>
    %get3A_28 = arith.constant 0 : index
    %get3A_29 = arith.constant 0 : index
    %get3A_30 = vector.load %arg12[%get3A_28, %get3A_29] : memref<128x128xf32, #tpu.memory_space<vmem>>, vector<128x128xf32>
    %convert_element_type3A_31 = arith.truncf %get3A_30 : vector<128x128xf32> to vector<128x128xbf16>
    %dot_general3A_32 = arith.constant dense<0.000000e+00> : vector<2000x128xf32>
    %dot_general3A_33 = tpu.matmul %convert_element_type3A_27, %convert_element_type3A_31, %dot_general3A_32 {dimension_numbers = #tpu.dot_dimension_numbers<[1], [0], [0], [1], [0, 0, 1, 1], [], []>, transpose_lhs_hint = false} : vector<2000x128xbf16>, vector<128x128xbf16>, vector<2000x128xf32> -> vector<2000x128xf32>
    %get3A_34 = arith.constant 0 : index
    %get3A_35 = arith.constant 0 : index
    %get3A_36 = vector.load %arg13[%get3A_34, %get3A_35] : memref<1x128xf32, #tpu.memory_space<vmem>>, vector<1x128xf32>
    %add3A_37 = vector.broadcast %get3A_36 : vector<1x128xf32> to vector<2000x128xf32>
    %add3A_38 = arith.addf %dot_general3A_33, %add3A_37 : vector<2000x128xf32>
    %get3A_39 = arith.constant 0 : index
    %get3A_40 = memref.load %arg1[%get3A_39] : memref<1xf32, #tpu.memory_space<smem>>
    %add3A_41 = arith.constant 1.000000e+00 : f32
    %add3A_42 = arith.addf %add3A_41, %get3A_40 : f32
    %get3A_43 = arith.constant 0 : index
    %get3A_44 = arith.constant 0 : index
    %get3A_45 = arith.constant 0 : index
    %get3A_46 = vector.load %arg4[%get3A_43, %get3A_44, %get3A_45] : memref<1x2000x128xf32, #tpu.memory_space<vmem>>, vector<1x2000x128xf32>
    %get3A_47 = vector.shape_cast %get3A_46 : vector<1x2000x128xf32> to vector<2000x128xf32>
    %mul3A_48 = vector.broadcast %add3A_42 : f32 to vector<2000x128xf32>
    %mul3A_49 = arith.mulf %mul3A_48, %get3A_47 : vector<2000x128xf32>
    %get3A_50 = arith.constant 0 : index
    %get3A_51 = arith.constant 0 : index
    %get3A_52 = vector.load %arg6[%get3A_50, %get3A_51] : memref<2000x128xf32, #tpu.memory_space<vmem>>, vector<2000x128xf32>
    %add3A_53 = arith.addf %mul3A_49, %get3A_52 : vector<2000x128xf32>
    %convert_element_type3A_54 = arith.truncf %add3A_53 : vector<2000x128xf32> to vector<2000x128xbf16>
    %get3A_55 = arith.constant 0 : index
    %get3A_56 = arith.constant 0 : index
    %get3A_57 = vector.load %arg14[%get3A_55, %get3A_56] : memref<128x128xf32, #tpu.memory_space<vmem>>, vector<128x128xf32>
    %convert_element_type3A_58 = arith.truncf %get3A_57 : vector<128x128xf32> to vector<128x128xbf16>
    %dot_general3A_59 = arith.constant dense<0.000000e+00> : vector<2000x128xf32>
    %dot_general3A_60 = tpu.matmul %convert_element_type3A_54, %convert_element_type3A_58, %dot_general3A_59 {dimension_numbers = #tpu.dot_dimension_numbers<[1], [0], [0], [1], [0, 0, 1, 1], [], []>, transpose_lhs_hint = false} : vector<2000x128xbf16>, vector<128x128xbf16>, vector<2000x128xf32> -> vector<2000x128xf32>
    %get3A_61 = arith.constant 0 : index
    %get3A_62 = arith.constant 0 : index
    %get3A_63 = vector.load %arg15[%get3A_61, %get3A_62] : memref<1x128xf32, #tpu.memory_space<vmem>>, vector<1x128xf32>
    %add3A_64 = vector.broadcast %get3A_63 : vector<1x128xf32> to vector<2000x128xf32>
    %add3A_65 = arith.addf %dot_general3A_60, %add3A_64 : vector<2000x128xf32>
    %get3A_66 = arith.constant 0 : index
    %get3A_67 = arith.constant 0 : index
    %get3A_68 = vector.load %arg16[%get3A_66, %get3A_67] : memref<1x128xf32, #tpu.memory_space<vmem>>, vector<1x128xf32>
    %mul3A_69 = arith.constant 0.999994993 : f32
    %mul3A_70 = vector.broadcast %mul3A_69 : f32 to vector<1x128xf32>
    %mul3A_71 = arith.mulf %get3A_68, %mul3A_70 : vector<1x128xf32>
    %mul3A_72 = vector.broadcast %mul3A_71 : vector<1x128xf32> to vector<2000x128xf32>
    %mul3A_73 = arith.mulf %add3A_65, %mul3A_72 : vector<2000x128xf32>
    %get3A_74 = arith.constant 0 : index
    %get3A_75 = arith.constant 0 : index
    %get3A_76 = vector.load %arg17[%get3A_74, %get3A_75] : memref<1x128xf32, #tpu.memory_space<vmem>>, vector<1x128xf32>
    %add3A_77 = vector.broadcast %get3A_76 : vector<1x128xf32> to vector<2000x128xf32>
    %add3A_78 = arith.addf %mul3A_73, %add3A_77 : vector<2000x128xf32>
    %max3A_79 = arith.constant 0.000000e+00 : f32
    %max3A_80 = vector.broadcast %max3A_79 : f32 to vector<2000x128xf32>
    %max3A_81 = arith.maximumf %add3A_78, %max3A_80 : vector<2000x128xf32>
    %convert_element_type3A_82 = arith.truncf %max3A_81 : vector<2000x128xf32> to vector<2000x128xbf16>
    %get3A_83 = arith.constant 0 : index
    %get3A_84 = arith.constant 0 : index
    %get3A_85 = vector.load %arg18[%get3A_83, %get3A_84] : memref<128x128xf32, #tpu.memory_space<vmem>>, vector<128x128xf32>
    %convert_element_type3A_86 = arith.truncf %get3A_85 : vector<128x128xf32> to vector<128x128xbf16>
    %dot_general3A_87 = arith.constant dense<0.000000e+00> : vector<2000x128xf32>
    %dot_general3A_88 = tpu.matmul %convert_element_type3A_82, %convert_element_type3A_86, %dot_general3A_87 {dimension_numbers = #tpu.dot_dimension_numbers<[1], [0], [0], [1], [0, 0, 1, 1], [], []>, transpose_lhs_hint = false} : vector<2000x128xbf16>, vector<128x128xbf16>, vector<2000x128xf32> -> vector<2000x128xf32>
    %get3A_89 = arith.constant 0 : index
    %get3A_90 = arith.constant 0 : index
    %get3A_91 = vector.load %arg19[%get3A_89, %get3A_90] : memref<1x128xf32, #tpu.memory_space<vmem>>, vector<1x128xf32>
    %add3A_92 = vector.broadcast %get3A_91 : vector<1x128xf32> to vector<2000x128xf32>
    %add3A_93 = arith.addf %dot_general3A_88, %add3A_92 : vector<2000x128xf32>
    %add3A_94 = arith.addf %add3A_38, %add3A_93 : vector<2000x128xf32>
    %get3A_95 = arith.constant 0 : index
    %get3A_96 = memref.load %arg2[%get3A_95] : memref<1xf32, #tpu.memory_space<smem>>
    %add3A_97 = arith.constant 1.000000e+00 : f32
    %add3A_98 = arith.addf %add3A_97, %get3A_96 : f32
    %get3A_99 = arith.constant 0 : index
    %get3A_100 = arith.constant 0 : index
    %get3A_101 = arith.constant 0 : index
    %get3A_102 = vector.load %arg5[%get3A_99, %get3A_100, %get3A_101] : memref<1x2000x128xf32, #tpu.memory_space<vmem>>, vector<1x2000x128xf32>
    %get3A_103 = vector.shape_cast %get3A_102 : vector<1x2000x128xf32> to vector<2000x128xf32>
    %mul3A_104 = vector.broadcast %add3A_98 : f32 to vector<2000x128xf32>
    %mul3A_105 = arith.mulf %mul3A_104, %get3A_103 : vector<2000x128xf32>
    %get3A_106 = arith.constant 0 : index
    %get3A_107 = arith.constant 0 : index
    %get3A_108 = vector.load %arg7[%get3A_106, %get3A_107] : memref<2000x128xf32, #tpu.memory_space<vmem>>, vector<2000x128xf32>
    %add3A_109 = arith.addf %mul3A_105, %get3A_108 : vector<2000x128xf32>
    %convert_element_type3A_110 = arith.truncf %add3A_109 : vector<2000x128xf32> to vector<2000x128xbf16>
    %get3A_111 = arith.constant 0 : index
    %get3A_112 = arith.constant 0 : index
    %get3A_113 = vector.load %arg20[%get3A_111, %get3A_112] : memref<128x128xf32, #tpu.memory_space<vmem>>, vector<128x128xf32>
    %convert_element_type3A_114 = arith.truncf %get3A_113 : vector<128x128xf32> to vector<128x128xbf16>
    %dot_general3A_115 = arith.constant dense<0.000000e+00> : vector<2000x128xf32>
    %dot_general3A_116 = tpu.matmul %convert_element_type3A_110, %convert_element_type3A_114, %dot_general3A_115 {dimension_numbers = #tpu.dot_dimension_numbers<[1], [0], [0], [1], [0, 0, 1, 1], [], []>, transpose_lhs_hint = false} : vector<2000x128xbf16>, vector<128x128xbf16>, vector<2000x128xf32> -> vector<2000x128xf32>
    %get3A_117 = arith.constant 0 : index
    %get3A_118 = arith.constant 0 : index
    %get3A_119 = vector.load %arg21[%get3A_117, %get3A_118] : memref<1x128xf32, #tpu.memory_space<vmem>>, vector<1x128xf32>
    %add3A_120 = vector.broadcast %get3A_119 : vector<1x128xf32> to vector<2000x128xf32>
    %add3A_121 = arith.addf %dot_general3A_116, %add3A_120 : vector<2000x128xf32>
    %get3A_122 = arith.constant 0 : index
    %get3A_123 = arith.constant 0 : index
    %get3A_124 = vector.load %arg22[%get3A_122, %get3A_123] : memref<1x128xf32, #tpu.memory_space<vmem>>, vector<1x128xf32>
    %mul3A_125 = arith.constant 0.999994993 : f32
    %mul3A_126 = vector.broadcast %mul3A_125 : f32 to vector<1x128xf32>
    %mul3A_127 = arith.mulf %get3A_124, %mul3A_126 : vector<1x128xf32>
    %mul3A_128 = vector.broadcast %mul3A_127 : vector<1x128xf32> to vector<2000x128xf32>
    %mul3A_129 = arith.mulf %add3A_121, %mul3A_128 : vector<2000x128xf32>
    %get3A_130 = arith.constant 0 : index
    %get3A_131 = arith.constant 0 : index
    %get3A_132 = vector.load %arg23[%get3A_130, %get3A_131] : memref<1x128xf32, #tpu.memory_space<vmem>>, vector<1x128xf32>
    %add3A_133 = vector.broadcast %get3A_132 : vector<1x128xf32> to vector<2000x128xf32>
    %add3A_134 = arith.addf %mul3A_129, %add3A_133 : vector<2000x128xf32>
    %max3A_135 = arith.constant 0.000000e+00 : f32
    %max3A_136 = vector.broadcast %max3A_135 : f32 to vector<2000x128xf32>
    %max3A_137 = arith.maximumf %add3A_134, %max3A_136 : vector<2000x128xf32>
    %convert_element_type3A_138 = arith.truncf %max3A_137 : vector<2000x128xf32> to vector<2000x128xbf16>
    %get3A_139 = arith.constant 0 : index
    %get3A_140 = arith.constant 0 : index
    %get3A_141 = vector.load %arg24[%get3A_139, %get3A_140] : memref<128x128xf32, #tpu.memory_space<vmem>>, vector<128x128xf32>
    %convert_element_type3A_142 = arith.truncf %get3A_141 : vector<128x128xf32> to vector<128x128xbf16>
    %dot_general3A_143 = arith.constant dense<0.000000e+00> : vector<2000x128xf32>
    %dot_general3A_144 = tpu.matmul %convert_element_type3A_138, %convert_element_type3A_142, %dot_general3A_143 {dimension_numbers = #tpu.dot_dimension_numbers<[1], [0], [0], [1], [0, 0, 1, 1], [], []>, transpose_lhs_hint = false} : vector<2000x128xbf16>, vector<128x128xbf16>, vector<2000x128xf32> -> vector<2000x128xf32>
    %get3A_145 = arith.constant 0 : index
    %get3A_146 = arith.constant 0 : index
    %get3A_147 = vector.load %arg25[%get3A_145, %get3A_146] : memref<1x128xf32, #tpu.memory_space<vmem>>, vector<1x128xf32>
    %add3A_148 = vector.broadcast %get3A_147 : vector<1x128xf32> to vector<2000x128xf32>
    %add3A_149 = arith.addf %dot_general3A_144, %add3A_148 : vector<2000x128xf32>
    %add3A_150 = arith.addf %add3A_94, %add3A_149 : vector<2000x128xf32>
    %swap3A = arith.constant 0 : index
    %swap3A_151 = arith.constant 0 : index
    %swap3A_152 = vector.load %arg26[%swap3A, %swap3A_151] : memref<2000x128xf32, #tpu.memory_space<vmem>>, vector<2000x128xf32>
    tpu.vector_store %arg26[%swap3A, %swap3A_151], %add3A_150 {strides = array<i32>} : memref<2000x128xf32, #tpu.memory_space<vmem>>, vector<2000x128xf32>,
    return
  }
  func.func @transform_0(%arg0: i32) -> i32 {
    %c0_i32 = arith.constant 0 : i32
    %c0_i32_0 = arith.constant 0 : i32
    return %c0_i32 : i32
  }
  func.func @transform_1(%arg0: i32) -> i32 {
    %c0_i32 = arith.constant 0 : i32
    %c0_i32_0 = arith.constant 0 : i32
    return %c0_i32 : i32
  }
  func.func @transform_2(%arg0: i32) -> (i32, i32, i32) {
    %c0_i32 = arith.constant 0 : i32
    %c0_i32_0 = arith.constant 0 : i32
    %c0_i32_1 = arith.constant 0 : i32
    return %c0_i32, %arg0, %c0_i32_0 : i32, i32, i32
  }
  func.func @transform_3(%arg0: i32) -> (i32, i32, i32) {
    %c1_i32 = arith.constant 1 : i32
    %c0_i32 = arith.constant 0 : i32
    %c0_i32_0 = arith.constant 0 : i32
    return %c1_i32, %arg0, %c0_i32 : i32, i32, i32
  }
  func.func @transform_4(%arg0: i32) -> (i32, i32, i32) {
    %c2_i32 = arith.constant 2 : i32
    %c0_i32 = arith.constant 0 : i32
    %c0_i32_0 = arith.constant 0 : i32
    return %c2_i32, %arg0, %c0_i32 : i32, i32, i32
  }
  func.func @transform_5(%arg0: i32) -> (i32, i32) {
    %c0_i32 = arith.constant 0 : i32
    %c0_i32_0 = arith.constant 0 : i32
    return %arg0, %c0_i32 : i32, i32
  }
  func.func @transform_6(%arg0: i32) -> (i32, i32) {
    %c0_i32 = arith.constant 0 : i32
    %c0_i32_0 = arith.constant 0 : i32
    return %arg0, %c0_i32 : i32, i32
  }
  func.func @transform_7(%arg0: i32) -> (i32, i32) {
    %c0_i32 = arith.constant 0 : i32
    %c0_i32_0 = arith.constant 0 : i32
    %c0_i32_1 = arith.constant 0 : i32
    return %c0_i32, %c0_i32_0 : i32, i32
  }
  func.func @transform_8(%arg0: i32) -> (i32, i32) {
    %c0_i32 = arith.constant 0 : i32
    %c0_i32_0 = arith.constant 0 : i32
    %c0_i32_1 = arith.constant 0 : i32
    return %c0_i32, %c0_i32_0 : i32, i32
  }
  func.func @transform_9(%arg0: i32) -> (i32, i32) {
    %c0_i32 = arith.constant 0 : i32
    %c0_i32_0 = arith.constant 0 : i32
    %c0_i32_1 = arith.constant 0 : i32
    return %c0_i32, %c0_i32_0 : i32, i32
  }
  func.func @transform_10(%arg0: i32) -> (i32, i32) {
    %c0_i32 = arith.constant 0 : i32
    %c0_i32_0 = arith.constant 0 : i32
    %c0_i32_1 = arith.constant 0 : i32
    return %c0_i32, %c0_i32_0 : i32, i32
  }
  func.func @transform_11(%arg0: i32) -> (i32, i32) {
    %c0_i32 = arith.constant 0 : i32
    %c0_i32_0 = arith.constant 0 : i32
    %c0_i32_1 = arith.constant 0 : i32
    return %c0_i32, %c0_i32_0 : i32, i32
  }
  func.func @transform_12(%arg0: i32) -> (i32, i32) {
    %c0_i32 = arith.constant 0 : i32
    %c0_i32_0 = arith.constant 0 : i32
    %c0_i32_1 = arith.constant 0 : i32
    return %c0_i32, %c0_i32_0 : i32, i32
  }
  func.func @transform_13(%arg0: i32) -> (i32, i32) {
    %c0_i32 = arith.constant 0 : i32
    %c0_i32_0 = arith.constant 0 : i32
    %c0_i32_1 = arith.constant 0 : i32
    return %c0_i32, %c0_i32_0 : i32, i32
  }
  func.func @transform_14(%arg0: i32) -> (i32, i32) {
    %c0_i32 = arith.constant 0 : i32
    %c0_i32_0 = arith.constant 0 : i32
    %c0_i32_1 = arith.constant 0 : i32
    return %c0_i32, %c0_i32_0 : i32, i32
  }
  func.func @transform_15(%arg0: i32) -> (i32, i32) {
    %c0_i32 = arith.constant 0 : i32
    %c0_i32_0 = arith.constant 0 : i32
    %c0_i32_1 = arith.constant 0 : i32
    return %c0_i32, %c0_i32_0 : i32, i32
  }
  func.func @transform_16(%arg0: i32) -> (i32, i32) {
    %c0_i32 = arith.constant 0 : i32
    %c0_i32_0 = arith.constant 0 : i32
    %c0_i32_1 = arith.constant 0 : i32
    return %c0_i32, %c0_i32_0 : i32, i32
  }
  func.func @transform_17(%arg0: i32) -> (i32, i32) {
    %c0_i32 = arith.constant 0 : i32
    %c0_i32_0 = arith.constant 0 : i32
    %c0_i32_1 = arith.constant 0 : i32
    return %c0_i32, %c0_i32_0 : i32, i32
  }
  func.func @transform_18(%arg0: i32) -> (i32, i32) {
    %c0_i32 = arith.constant 0 : i32
    %c0_i32_0 = arith.constant 0 : i32
    %c0_i32_1 = arith.constant 0 : i32
    return %c0_i32, %c0_i32_0 : i32, i32
  }
  func.func @transform_19(%arg0: i32) -> (i32, i32) {
    %c0_i32 = arith.constant 0 : i32
    %c0_i32_0 = arith.constant 0 : i32
    %c0_i32_1 = arith.constant 0 : i32
    return %c0_i32, %c0_i32_0 : i32, i32
  }
  func.func @transform_20(%arg0: i32) -> (i32, i32) {
    %c0_i32 = arith.constant 0 : i32
    %c0_i32_0 = arith.constant 0 : i32
    %c0_i32_1 = arith.constant 0 : i32
    return %c0_i32, %c0_i32_0 : i32, i32
  }
  func.func @transform_21(%arg0: i32) -> (i32, i32) {
    %c0_i32 = arith.constant 0 : i32
    %c0_i32_0 = arith.constant 0 : i32
    %c0_i32_1 = arith.constant 0 : i32
    return %c0_i32, %c0_i32_0 : i32, i32
  }
  func.func @transform_22(%arg0: i32) -> (i32, i32) {
    %c0_i32 = arith.constant 0 : i32
    %c0_i32_0 = arith.constant 0 : i32
    %c0_i32_1 = arith.constant 0 : i32
    return %c0_i32, %c0_i32_0 : i32, i32
  }
  func.func @transform_23(%arg0: i32) -> (i32, i32) {
    %c0_i32 = arith.constant 0 : i32
    %c0_i32_0 = arith.constant 0 : i32
    %c0_i32_1 = arith.constant 0 : i32
    return %c0_i32, %c0_i32_0 : i32, i32
  }
  func.func @transform_24(%arg0: i32) -> (i32, i32) {
    %c0_i32 = arith.constant 0 : i32
    %c0_i32_0 = arith.constant 0 : i32
    %c0_i32_1 = arith.constant 0 : i32
    return %c0_i32, %c0_i32_0 : i32, i32
  }
  func.func @transform_25(%arg0: i32) -> (i32, i32) {
    %c0_i32 = arith.constant 0 : i32
    %c0_i32_0 = arith.constant 0 : i32
    return %arg0, %c0_i32 : i32, i32
  }
}

</mosaic_0001>

<sc_bundles>
// kernel: kernel.4.cloned.1.call-start
scs
__scs_entry_jumppad:
0x0: {  	(pc) =	sbr.rel $0x88, $3  }
0x1: {  	(tag) =	ssettag $0x0;
	lr =	simm.s32 $0x1  }
0x2: {  	[smem:$0x3F8B] =	sst lr;
	_ =	strace $0xD0000000  }
0x3: {  	_ = 	snop  }
0x4: {  	_ = 	snop  }
0x5: {  	_ = 	snop  }
0x6: {  	_ = 	snop  }
0x7: {  	_ = 	snop  }
__scs_overlays_trampoline_lowered:
0x8: {  	[smem:$0x3F9A] =	sst s0  }
0x9: {  	[smem:$0x3F9B] =	sst s1  }
0xa: {  	[smem:$0x3F9C] =	sst s2  }
0xb: {  	[smem:$0x3F9D] =	sst s3  }
0xc: {  	[smem:$0x3F9E] =	sst s4  }
0xd: {  	[smem:$0x3F9F] =	sst s5  }
0xe: {  	[smem:$0x3FA0] =	sst s6  }
0xf: {  	[smem:$0x3FA1] =	sst s7  }
0x10: {  	[smem:$0x3FA2] =	sst s8  }
0x11: {  	[smem:$0x3FA3] =	sst s9;
	s0 =	simm.s32 @!p0 $0x0  }
0x12: {  	s1 =	sld [smem:$0x3F89];
	s0 =	simm.s32 @p0 $0x1  }
0x13: {  	[smem:$0x3FA4] =	sst s0;
	s0 =	simm.s32 @!p1 $0x0  }
0x14: {  	s2 =	sld [smem:$0x3F88];
	s0 =	simm.s32 @p1 $0x1  }
0x15: {  	[smem:$0x3FA5] =	sst s0;
	s0 =	simm.s32 @!p2 $0x0  }
0x16: {  	s3 =	sld [smem:$0x3FDB];
	s0 =	simm.s32 @p2 $0x1  }
0x17: {  	s4 =	simm.s32 $0x1BF5;
	[smem:$0x3FA7] =	sst s0  }
0x18: {  	s0 =	sld [smem:$0x3F8A];
	_ =	swait.ge [sflag:s4], $0x0  }
0x19: {  	s7 =	sld [smem:$0x3F8B]  }
0x1a: {  	s8 =	sadd.s32 $0xFFFFE003, lr  }
0x1b: {  	s9 =	sadd.s32 $0xFFFFFEF7, lr;
	s5 =	simm.s32 $0xFFFFFFFF;
	p2 =	slt.u32 s8, $0xFFFFF086  }
0x1c: {  	p1 =	slt.u32 s9, $0xF7A;
	s5 =	simm.s32 @!p2 $0x0  }
0x1d: {  	s5 =	simm.s32 @p1 $0x1;
	p0 =	seq.s32 s7, s2  }
0x1e: {  	s7 =	smul.u32 @!p0 $0xF7A, s2;
	p2 =	seq.s32 @!p0 s5, $0x0  }
0x1f: {  	s9 =	smul.u32 $0xF7A, s1;
	s8 =	simm.s32 @!p0 $0x1BF5;
	p2 =	por !p2, p0  }
0x20: {  	[sflag:s8] =	ssyncset.s32 @!p0 $0xFFFFF086;
	s6 =	sadd.s32 @!p0 s3, s7;
	s7 =	simm.s32 @!p0 $0x108  }
0x21: {  	s3 =	sadd.s32 s3, s9;
	s6 =	sadd.s32 @!p0 $0x88, s6;
	s7 =	simm.s32 @p2 $0x1082  }
0x22: {  	[simem:s7], [sflag:s8] =	dma.local @!p0 [hbm:s6], $0xF7A  }
0x23: {  	s9 =	sor.u32 $0xD0000000, s2;
	s6 =	simm.s32 $0x108;
	_ =	swait.ge @!p0 [sflag:s8], $0x0  }
0x24: {  	s3 =	sadd.s32 $0x88, s3;
	s6 =	simm.s32 @!p1 $0x1082;
	[sflag:s4] =	ssyncset.s32 $0xFFFFF086  }
0x25: {  	[simem:s6], [sflag:s4] =	dma.local [hbm:s3], $0xF7A  }
0x26: {  	[smem:$0x3F8B] =	sst s1;
	(tag) =	ssettag s2;
	_ =	strace s9  }
0x27: {  	s1 =	sld [smem:$0x3F9B]  }
0x28: {  	s2 =	sld [smem:$0x3F9C]  }
0x29: {  	s4 =	sld [smem:$0x3F9E]  }
0x2a: {  	p0 =	seq.s32 s5, $0x0;
	s5 =	sld [smem:$0x3F9F]  }
0x2b: {  	s6 =	sld [smem:$0x3FA0]  }
0x2c: {  	s7 =	sld [smem:$0x3FA1]  }
0x2d: {  	s3 =	simm.s32 $0x108;
	s8 =	sld [smem:$0x3FA2]  }
0x2e: {  	s3 =	simm.s32 @!p0 $0x1082;
	s9 =	sld [smem:$0x3FA3]  }
0x2f: {  	lr =	sadd.s32 s0, s3;
	s0 =	sld [smem:$0x3F9A]  }
0x30: {  	s3 =	sld [smem:$0x3F9D]  }
0x31: {  	[smem:$0x3FA6] =	sst s10  }
0x32: {  	s10 =	sld [smem:$0x3FA4];
	_ =	sdelay $0x3  }
0x33: {  	p0 =	seq.s32 s10, $0x1;
	s10 =	sld [smem:$0x3FA6];
	_ =	sdelay $0x3  }
0x34: {  	[smem:$0x3FA6] =	sst s10  }
0x35: {  	s10 =	sld [smem:$0x3FA5];
	_ =	sdelay $0x3  }
0x36: {  	p1 =	seq.s32 s10, $0x1;
	s10 =	sld [smem:$0x3FA6];
	_ =	sdelay $0x3  }
0x37: {  	[smem:$0x3FA6] =	sst s10  }
0x38: {  	s10 =	sld [smem:$0x3FA7]  }
0x39: {  	_ = 	snop;
	(pc) =	sbr.ind lr, $3  }
0x3a: {  	_ = 	snop  }
0x3b: {  	_ = 	snop  }
0x3c: {  	p2 =	seq.s32 s10, $0x1;
	s10 =	sld [smem:$0x3FA6]  }
0x3d: {  	_ =	shalt  }
0x3e: {  	_ =	shalt  }
0x3f: {  	_ =	shalt  }
0x40: {  	_ =	shalt  }
0x41: {  	_ =	shalt  }
0x42: {  	_ =	shalt  }
0x43: {  	_ =	shalt  }
0x44: {  	_ =	shalt  }
0x45: {  	_ =	shalt  }
0x46: {  	_ =	shalt  }
0x47: {  	_ =	shalt  }
0x48: {  	_ =	shalt  }
0x49: {  	_ =	shalt  }
0x4a: {  	_ =	shalt  }
0x4b: {  	_ =	shalt  }
0x4c: {  	_ =	shalt  }
0x4d: {  	_ =	shalt  }
0x4e: {  	_ =	shalt  }
0x4f: {  	_ =	shalt  }
0x50: {  	_ =	shalt  }
0x51: {  	_ =	shalt  }
0x52: {  	_ =	shalt  }
0x53: {  	_ =	shalt  }
0x54: {  	_ =	shalt  }
0x55: {  	_ =	shalt  }
0x56: {  	_ =	shalt  }
0x57: {  	_ =	shalt  }
0x58: {  	_ =	shalt  }
0x59: {  	_ =	shalt  }
0x5a: {  	_ =	shalt  }
0x5b: {  	_ =	shalt  }
0x5c: {  	_ =	shalt  }
0x5d: {  	_ =	shalt  }
0x5e: {  	_ =	shalt  }
0x5f: {  	_ =	shalt  }
0x60: {  	_ =	shalt  }
0x61: {  	_ =	shalt  }
0x62: {  	_ =	shalt  }
0x63: {  	_ =	shalt  }
0x64: {  	_ =	shalt  }
0x65: {  	_ =	shalt  }
0x66: {  	_ =	shalt  }
0x67: {  	_ =	shalt  }
0x68: {  	_ =	shalt  }
0x69: {  	_ =	shalt  }
0x6a: {  	_ =	shalt  }
0x6b: {  	_ =	shalt  }
0x6c: {  	_ =	shalt  }
0x6d: {  	_ =	shalt  }
0x6e: {  	_ =	shalt  }
0x6f: {  	_ =	shalt  }
0x70: {  	_ =	shalt  }
0x71: {  	_ =	shalt  }
0x72: {  	_ =	shalt  }
0x73: {  	_ =	shalt  }
0x74: {  	_ =	shalt  }
0x75: {  	_ =	shalt  }
0x76: {  	_ =	shalt  }
0x77: {  	_ =	shalt  }
0x78: {  	_ =	shalt  }
0x79: {  	_ =	shalt  }
0x7a: {  	_ =	shalt  }
0x7b: {  	_ =	shalt  }
0x7c: {  	_ =	shalt  }
0x7d: {  	_ =	shalt  }
0x7e: {  	_ =	shalt  }
0x7f: {  	_ =	shalt  }
0x80: {  	_ =	shalt  }
0x81: {  	_ =	shalt  }
0x82: {  	_ =	shalt  }
0x83: {  	_ =	shalt  }
0x84: {  	_ =	shalt  }
0x85: {  	_ =	shalt  }
0x86: {  	_ =	shalt  }
0x87: {  	_ =	shalt  }
.Lfunc_end0:
.L_simem_size_0:
called_computation_lowered:
.L_overlay_start_0:
0x88: {  	s2 =	sld [smem:$0x3FD9]  }
0x89: {  	s3 =	sld [smem:$0x3FFE];
	_ =	sdelay $0x1  }
0x8a: {  	s1 =	srdreg.scid  }
0x8b: {  	s0 =	sand.u32 $0x1, s1  }
0x8c: {  	s17 =	sshll.u32 s0, $0xA;
	s2 =	sadd.s32 s3, s2  }
0x8d: {  	s2 =	sadd.s32 s2, s17  }
0x8e: {  	[smem:$0x3FB2] =	sst s2  }
0x8f: {  	_ = 	snop  }
0x90: {  	s2 =	sld [smem:$0x3FC9]  }
0x91: {  	s18 =	sld [smem:$0x3FD0];
	(tm) =	ssettm $0x1  }
0x92: {  	s4 =	sld [smem:$0x3FFB];
	_ =	sdelay $0x3  }
0x93: {  	_ =	strace s4  }
0x94: {  	s4 =	sld [smem:$0x3FFC];
	_ =	sdelay $0x3  }
0x95: {  	_ =	strace s4  }
0x96: {  	s4 =	sld [smem:$0x3FFD];
	_ =	sdelay $0x3  }
0x97: {  	_ =	strace s4  }
0x98: {  	_ =	strace $0x8FFFFFFF  }
0x99: {  	s19 =	sld [smem:$0x3FDB];
	_ =	sdelay $0x1  }
0x9a: {  	s5 =	simm.s32 $_scs_section_size  }
0x9b: {  	s6 =	simm.s32 $_size__tile_overlayer_lowered;
	s7 =	simm.s32 $_tile_overlayer_lowered  }
0x9c: {  	s22 =	simm.s32 $0x1BFF;
	s21 =	sshll.u32 s7, $0x1;
	s4 =	sadd.s32 s5, s19  }
0x9d: {  	s8 =	simm.s32 $0x0;
	s20 =	sshll.u32 s6, $0x1;
	s6 =	sadd.s32 s21, s4  }
0x9e: {  	[timem:s8], [sflag:s22] =	dma.local [hbm:s6], s20  }
0x9f: {  	_ =	swait.ge [sflag:s22], s20  }
0xa0: {  	s5 =	ssub.s32 $0x0, s20;
	[sflag:s22] =	ssyncset.done $0x0  }
0xa1: {  	[sflag:s22] =	ssyncadd.s32 s5;
	_ =	sdelay $0x1  }
0xa2: {  	s23 =	simm.s32 $0x1B8B  }
0xa3: {  	_ =	swait.ge [sflag:s23], $0x1  }
0xa4: {  	[sflag:s23] =	ssyncset.done $0x0  }
0xa5: {  	s25 =	simm.s32 $0x1B8E;
	s24 =	sld [smem:$0x3FFE];
	[sflag:s23] =	ssyncadd.s32 $0xFFFFFFFF  }
0xa6: {  	s26 =	simm.s32 $execute0_lowered;
	[smem:$0x3FD2] =	sst s25  }
0xa7: {  	s6 =	sshll.u32 s26, $0x1;
	_ =	strace $0x80000046;
	[dreg:$0x1] =	wrdreg $0xFFFFFFFF  }
0xa8: {  	s28 =	simm.s32 $_size_execute0_lowered;
	s4 =	sadd.s32 s4, s6;
	[dreg:$0x0] =	wrdreg $0x0  }
0xa9: {  	s6 =	sshll.u32 s28, $0x1;
	[dreg:$0x2] =	wrdreg s4  }
0xaa: {  	[dreg:$0x3] =	wrdreg s6  }
0xab: {  	[dreg:$0x4] =	wrdreg $0xC0  }
0xac: {  	_ =	task [dreg:s8], $0x5FFFF  }
0xad: {  	[dreg:$0x1] =	wrdreg $0xFFFFFFFF  }
0xae: {  	[dreg:$0x0] =	wrdreg $0x60  }
0xaf: {  	[dreg:$0x2] =	wrdreg s2  }
0xb0: {  	[dreg:$0x3] =	wrdreg s18  }
0xb1: {  	[dreg:$0x4] =	wrdreg s24  }
0xb2: {  	[dreg:$0x5] =	wrdreg $0x0  }
0xb3: {  	[dreg:$0x6] =	wrdreg $0x9  }
0xb4: {  	_ =	task.clear_ibuf [dreg:s8], $0x7FFFF;
	_ =	strace $0x90000046  }
0xb5: {  	s29 =	simm.s32 $0x9;
	_ =	strace $0x80000048  }
0xb6: {  	_ =	swait.ge [sflag:s29], $0x1  }
0xb7: {  	[sflag:s29] =	ssyncadd.s32 $0xFFFFFFFF  }
0xb8: {  	_ =	strace $0x90000048  }
0xb9: {  	_ =	sfence  }
0xba: {  	s30 =	sld [smem:$0x0];
	_ =	sdelay $0x2  }
0xbb: {  	s31 =	sshll.u32 s1, $0xD;
	s1 =	sshrl.u32 s1, $0x2  }
0xbc: {  	s3 =	sand.u32 $0x4000, s31;
	s1 =	sadd.s32 s1, s30  }
0xbd: {  	s0 =	sor.u32 s3, s0;
	s1 =	sshll.u32 s1, $0x11  }
0xbe: {  	s0 =	sor.u32 s1, s0  }
0xbf: {  	s0 =	sadd.s32 $0x8F2B, s0  }
0xc0: {  	[sflag:s0] =	ssyncadd.remote.s32 $0x1  }
0xc1: {  	_ =	sfence.sel $0xFFFF  }
0xc2: {  	[dreg:$0x0] =	wrdreg $0xFFFFFFFF;
	(pc) =	sbr.abs _section_cstart, $3  }
0xc3: {  	[dreg:$0x1] =	wrdreg $0xFFFFFFFF  }
0xc4: {  	_ =	task.clear_ibuf [dreg:s8], $0x2FFFF;
	_ =	strace $0x9FFFFFFF  }
0xc5: {  	(tm) =	ssettm $0x7FFFFFFF  }
tec
execute0_lowered:
.L_overlay_start_1:
0x0: {  	(tag) =	ssettag $0x1  }
0x1: {  	s1 =	rddreg [dreg:$0x0]  }
0x2: {  	s0 =	rddreg [dreg:$0x1]  }
0x3: {  	s2 =	rddreg [dreg:$0x2]  }
0x4: {  	s3 =	rddreg [dreg:$0x3];
	s4 =	simm.s32 $0x0;
	s11 =	stileid.u32  }
0x5: {  	s7 =	srdreg.scid;
	s28 =	simm.s32 $0x1DA80;
	s29 =	simm.s32 $0x1D900  }
0x6: {  	s30 =	simm.s32 $0x1DB00;
	s31 =	simm.s32 $0x9;
	s5 =	smul.u32 $0x4F000, s11  }
0x7: {  	[smem:$0x7FF] =	sst s4;
	s6 =	smul.u32 $0x2780, s11;
	s16 =	sadd.s32 $0x12D400, s3  }
0x8: {  	s18 =	sadd.s32 $0x12FC00, s3;
	_ =	strace $0x80000047;
	[dreg:$0xd] =	wrdreg s16  }
0x9: {  	s7 =	sand.u32 $0x1, s7;
	s19 =	sadd.s32 $0x132400, s3;
	[dreg:$0xe] =	wrdreg s18  }
0xa: {  	s17 =	smul.u32 $0x9C4, s11;
	s20 =	sadd.s32 $0x134C00, s3;
	[dreg:$0xf] =	wrdreg s19  }
0xb: {  	s21 =	sadd.s32 $0x137400, s3;
	s23 =	sadd.s32 $0x4F280, s2;
	[dreg:$0x10] =	wrdreg s20  }
0xc: {  	p1 =	seq.s32 s11, $0xF;
	s8 =	ssub.s32 $0x2, s7;
	[dreg:$0x11] =	wrdreg s21  }
0xd: {  	p0 =	sne.s32 s7, $0x0;
	[dreg:$0x13] =	wrdreg s23;
	s6 =	sadd.s32 s6, s2  }
0xe: {  	s21 =	simm.s32 $0x13880;
	s5 =	sshrl.u32 s5, $0x2;
	s22 =	sadd.s32 $0x2A200, s6  }
0xf: {  	s5 =	sadd.s32 s5, s3;
	s24 =	sadd.s32 $0x3000, s6;
	[dreg:$0x12] =	wrdreg s22  }
0x10: {  	s23 =	simm.s32 $0x16080;
	s9 =	sadd.s32 $0x2800, s5;
	[dreg:$0x14] =	wrdreg s24  }
0x11: {  	s14 =	sshrl.u32 s8, $0x1;
	s25 =	sadd.s32 $0x5000, s5;
	[dreg:$0x5] =	wrdreg s9  }
0x12: {  	s20 =	sadd.s32 s17, s0;
	s26 =	sadd.s32 $0x7800, s5;
	[dreg:$0x6] =	wrdreg s25  }
0x13: {  	s0 =	simm.s32 $0x50;
	s10 =	sadd.s32 $0xA000, s5;
	[dreg:$0x7] =	wrdreg s26  }
0x14: {  	s8 =	ssub.s32 s8, s14;
	s12 =	sadd.s32 $0xC800, s5;
	[dreg:$0x8] =	wrdreg s10  }
0x15: {  	s13 =	sadd.s32 $0xF000, s5;
	s15 =	sadd.s32 $0x11800, s5;
	[dreg:$0x9] =	wrdreg s12  }
.Ltmp0:
0x16: {  	s22 =	simm.s32 $0xA;
	[dreg:$0xa] =	wrdreg s13;
	(pc) =	sbr.rel .LBB2_1-.Ltmp0, $4  }
0x17: {  	s24 =	simm.s32 $0x1;
	s10 =	sadd.s32 $0x12AC00, s3;
	[dreg:$0xc] =	wrdreg s15  }
0x18: {  	s12 =	sadd.s32 $0x128400, s3;
	s25 =	sadd.s32 $0x28080, s2;
	[dreg:$0xb] =	wrdreg s10  }
0x19: {  	s26 =	smax.u32 s8, $0x1;
	s2 =	simm.s32 $0x2;
	[dreg:$0x15] =	wrdreg s25  }
0x1a: {  	v0 =	vimm.f32 $0.0e+00;
	s8 =	simm.s32 $0x0;
	[dreg:$0x16] =	wrdreg s26;
	s26 =	simm.s32 $0x1D880  }
.LBB2_9:
0x1b: {  	v5 =	vld [tilespmem:$0x1D940]  }
0x1c: {  	v4 =	vadd.s32 $0x4E20, v4  }
0x1d: {  	v3 =	vadd.s32 $0x4E20, v3;
	[tilespmem:$0x1D900] =	vst v4  }
0x1e: {  	v1 =	vadd.s32 $0x4E20, v1;
	[tilespmem:$0x1D910] =	vst v3  }
0x1f: {  	v2 =	vadd.s32 $0x4E20, v2;
	[tilespmem:$0x1D930] =	vst v1  }
0x20: {  	[tilespmem:$0x1D920] =	vst v2;
	v1 =	vadd.s32 $0x4E20, v5  }
0x21: {  	[tilespmem:$0x1D940] =	vst v1  }
0x22: {  	[tilespmem:s23], [sflag:$0x2] =	stream.indirect.gather [hbm4b:s1+s0], $0x80, s29, s0, $0xb8;
	[tilespmem:$0x1DC80] =	vst v63  }
0x23: {  	_ =	swait.ge [sflag:s24], $0x2800  }
0x24: {  	[sflag:s24] =	ssyncset.done $0x0  }
0x25: {  	s6 =	simm.s32 @!p2 $0x8;
	[sflag:s24] =	ssyncadd.s32 $0xFFFFD800  }
0x26: {  	[spmem:s3] =	stream.indirect.scatter.add.f32 [tilespmem:s21], [sflag:$0x5], $0x80, s28, s0, $0xb8;
	[tilespmem:$0x1DC80] =	vst v63  }
0x27: {  	p3 =	sgt.u32 s15, $0xF9;
	_ =	swait.ge @!p2 [sflag:s6], $0x2800  }
0x28: {  	s7 =	sadd.s32 @!p3 s13, s20;
	s13 =	simm.s32 @!p3 $0x1DA00;
	[sflag:s6] =	ssyncset.done @!p2 $0x0  }
0x29: {  	s14 =	simm.s32 @!p3 $0x0;
	[sflag:s6] =	ssyncadd.s32 @!p2 $0xFFFFD800;
	s6 =	sadd.s32 @!p3 $0x1389E, s7  }
0x2a: {  	[tilespmem:s13], [sflag:$0xC] =	stream.linear.gather @!p3 [hbm4b:s6+s14], $0x50, $0x38;
	[tilespmem:$0x1DC80] =	vst v63  }
0x2b: {  	s6 =	sadd.s32 @!p3 $0x1D4DE, s7;
	s7 =	simm.s32 @!p3 $0x1DC00;
	s13 =	simm.s32 @!p4 $0xB  }
0x2c: {  	[tilespmem:s7], [sflag:$0xC] =	stream.linear.gather @!p3 [hbm4b:s6+s14], $0x50, $0x38;
	[tilespmem:$0x1DC80] =	vst v63  }
0x2d: {  	_ =	swait.ge @!p4 [sflag:s13], $0x50  }
0x2e: {  	[sflag:s13] =	ssyncset.done @!p4 $0x0  }
0x2f: {  	[sflag:s13] =	ssyncadd.s32 @!p4 $0xFFFFFFB0  }
0x30: {  	_ =	swait.ge @!p4 [sflag:s13], $0x50  }
0x31: {  	[sflag:s13] =	ssyncset.done @!p4 $0x0  }
0x32: {  	[sflag:s13] =	ssyncadd.s32 @!p4 $0xFFFFFFB0  }
0x33: {  	v1 =	vld @!p4 [tilespmem:$0x1D980]  }
0x34: {  	v2 =	vld @!p4 [tilespmem:$0x1D990]  }
0x35: {  	v3 =	vld @!p4 [tilespmem:$0x1D9A0]  }
0x36: {  	v4 =	vld @!p4 [tilespmem:$0x1D9B0]  }
0x37: {  	v5 =	vld @!p4 [tilespmem:$0x1D9C0]  }
0x38: {  	v1 =	vadd.s32 @!p4 $0x4E20, v1  }
0x39: {  	[tilespmem:$0x1D980] =	vst @!p4 v1;
	v1 =	vadd.s32 @!p4 $0x4E20, v2  }
0x3a: {  	[tilespmem:$0x1D990] =	vst @!p4 v1;
	v1 =	vadd.s32 @!p4 $0x4E20, v3  }
0x3b: {  	[tilespmem:$0x1D9A0] =	vst @!p4 v1;
	v1 =	vadd.s32 @!p4 $0x4E20, v4  }
0x3c: {  	[tilespmem:$0x1D9B0] =	vst @!p4 v1;
	v1 =	vadd.s32 @!p4 $0x4E20, v5  }
0x3d: {  	s6 =	simm.s32 @!p4 $0x50;
	s7 =	simm.s32 @!p4 $0x18880;
	[tilespmem:$0x1D9C0] =	vst @!p4 v1  }
0x3e: {  	[tilespmem:s7], [sflag:$0x3] =	stream.indirect.gather @!p4 [hbm4b:s1+s6], $0x80, s17, s6, $0xb8;
	[tilespmem:$0x1DC80] =	vst v63  }
0x3f: {  	_ =	swait.ge [sflag:s2], $0x2800  }
0x40: {  	[sflag:s2] =	ssyncset.done $0x0  }
0x41: {  	s19 =	simm.s32 $0x5;
	[sflag:s2] =	ssyncadd.s32 $0xFFFFD800  }
0x42: {  	[spmem:s3] =	stream.indirect.scatter.add.f32 [tilespmem:s23], [sflag:$0x6], $0x80, s30, s0, $0xb8;
	[tilespmem:$0x1DC80] =	vst v63  }
0x43: {  	_ =	swait.ge [sflag:s19], $0x2800  }
0x44: {  	[sflag:s19] =	ssyncset.done $0x0  }
0x45: {  	s25 =	simm.s32 $0x6;
	[sflag:s19] =	ssyncadd.s32 $0xFFFFD800  }
0x46: {  	_ =	swait.ge [sflag:s25], $0x2800  }
0x47: {  	[sflag:s25] =	ssyncset.done $0x0  }
0x48: {  	[sflag:s25] =	ssyncadd.s32 $0xFFFFD800  }
0x49: {  	[bflag:$0x0] =	sbarrier.arrive $0xFFFF  }
0x4a: {  	s6 =	simm.s32 @p1 $0x1FCD;
	s7 =	rddreg [dreg:$0x13]  }
0x4b: {  	[hbm:s7], [sflag:s6] =	dma.local @p1 [spmem:s11], $0x2080  }
0x4c: {  	s6 =	simm.s32 @p1 $0xD  }
0x4d: {  	_ =	swait.ge @p1 [sflag:s6], $0x2080  }
0x4e: {  	[sflag:s6] =	ssyncset.done @p1 $0x0  }
0x4f: {  	[sflag:s6] =	ssyncadd.s32 @p1 $0xFFFFDF80;
	s6 =	rddreg [dreg:$0x12]  }
0x50: {  	[hbm:s6], [sflag:s10] =	dma.local @!p1 [spmem:s9], $0x2780  }
0x51: {  	s6 =	simm.s32 @!p1 $0xD  }
0x52: {  	_ =	swait.ge @!p1 [sflag:s6], $0x2780  }
0x53: {  	[sflag:s6] =	ssyncset.done @!p1 $0x0  }
0x54: {  	[sflag:s6] =	ssyncadd.s32 @!p1 $0xFFFFD880  }
.LBB2_10:
0x55: {  	s8 =	sadd.s32 $0x1, s8;
	s6 =	rddreg [dreg:$0x16]  }
0x56: {  	p2 =	sne.s32 s8, s6  }
.Ltmp1:
0x57: {  	_ = 	snop;
	(pc) =	sbr.rel @!p2 .LBB2_11-.Ltmp1, $1  }
0x58: {  	_ =	sdelay $0x3  }
.LBB2_1:
0x59: {  	s9 =	simm.s32 $0x0;
	s10 =	simm.s32 $0x200  }
.LBB2_2:
0x5a: {  	p2 =	sne.s32 s10, $0x9E00;
	[tilespmem:s9+$0x138F0] =	vst v0  }
0x5b: {  	[tilespmem:s9+$0x13880] =	vst v0  }
0x5c: {  	[tilespmem:s9+$0x13890] =	vst v0  }
.Ltmp2:
0x5d: {  	[tilespmem:s9+$0x138A0] =	vst v0;
	(pc) =	sbr.rel @p2 .LBB2_2-.Ltmp2, $4  }
0x5e: {  	[tilespmem:s9+$0x138B0] =	vst v0  }
0x5f: {  	[tilespmem:s9+$0x138C0] =	vst v0  }
0x60: {  	[tilespmem:s9+$0x138D0] =	vst v0  }
0x61: {  	[tilespmem:s9+$0x138E0] =	vst v0;
	s9 =	sshra.s32 s10, $0x2;
	s10 =	sadd.s32 $0x200, s10  }
0x62: {  	[tilespmem:s9+$0x138F0] =	vst v0  }
0x63: {  	[tilespmem:s9+$0x13880] =	vst v0  }
0x64: {  	[tilespmem:s9+$0x13890] =	vst v0  }
0x65: {  	[tilespmem:s9+$0x138A0] =	vst v0  }
0x66: {  	[tilespmem:s9+$0x138B0] =	vst v0  }
0x67: {  	[tilespmem:s9+$0x138C0] =	vst v0  }
0x68: {  	[tilespmem:s9+$0x138D0] =	vst v0  }
0x69: {  	[tilespmem:s9+$0x138E0] =	vst v0;
	s9 =	simm.s32 @p1 $0x13880;
	s10 =	simm.s32 @p1 $0xD  }
0x6a: {  	[spmem:s12] =	stream.linear.scatter @p1 [tilespmem:s9], [sflag:$0xD], $0x2800, $0x38;
	[tilespmem:$0x1DC80] =	vst v63  }
0x6b: {  	_ =	swait.ge @p1 [sflag:s10], $0x2800  }
0x6c: {  	[sflag:s10] =	ssyncset.done @p1 $0x0  }
0x6d: {  	s6 =	rddreg [dreg:$0xb];
	[sflag:s10] =	ssyncadd.s32 @p1 $0xFFFFD800  }
0x6e: {  	[spmem:s6] =	stream.linear.scatter @p1 [tilespmem:s9], [sflag:$0xD], $0x2800, $0x38;
	[tilespmem:$0x1DC80] =	vst v63  }
0x6f: {  	_ =	swait.ge @p1 [sflag:s10], $0x2800  }
0x70: {  	[sflag:s10] =	ssyncset.done @p1 $0x0  }
0x71: {  	s6 =	rddreg [dreg:$0xd];
	[sflag:s10] =	ssyncadd.s32 @p1 $0xFFFFD800  }
0x72: {  	[spmem:s6] =	stream.linear.scatter @p1 [tilespmem:s9], [sflag:$0xD], $0x2800, $0x38;
	[tilespmem:$0x1DC80] =	vst v63  }
0x73: {  	_ =	swait.ge @p1 [sflag:s10], $0x2800  }
0x74: {  	[sflag:s10] =	ssyncset.done @p1 $0x0  }
0x75: {  	s6 =	rddreg [dreg:$0xe];
	[sflag:s10] =	ssyncadd.s32 @p1 $0xFFFFD800  }
0x76: {  	[spmem:s6] =	stream.linear.scatter @p1 [tilespmem:s9], [sflag:$0xD], $0x2800, $0x38;
	[tilespmem:$0x1DC80] =	vst v63  }
0x77: {  	_ =	swait.ge @p1 [sflag:s10], $0x2800  }
0x78: {  	[sflag:s10] =	ssyncset.done @p1 $0x0  }
0x79: {  	s6 =	rddreg [dreg:$0xf];
	[sflag:s10] =	ssyncadd.s32 @p1 $0xFFFFD800  }
0x7a: {  	[spmem:s6] =	stream.linear.scatter @p1 [tilespmem:s9], [sflag:$0xD], $0x2800, $0x38;
	[tilespmem:$0x1DC80] =	vst v63  }
0x7b: {  	_ =	swait.ge @p1 [sflag:s10], $0x2800  }
0x7c: {  	[sflag:s10] =	ssyncset.done @p1 $0x0  }
0x7d: {  	s6 =	rddreg [dreg:$0x10];
	[sflag:s10] =	ssyncadd.s32 @p1 $0xFFFFD800  }
0x7e: {  	[spmem:s6] =	stream.linear.scatter @p1 [tilespmem:s9], [sflag:$0xD], $0x2800, $0x38;
	[tilespmem:$0x1DC80] =	vst v63  }
0x7f: {  	_ =	swait.ge @p1 [sflag:s10], $0x2800  }
0x80: {  	[sflag:s10] =	ssyncset.done @p1 $0x0  }
0x81: {  	s6 =	rddreg [dreg:$0x11];
	[sflag:s10] =	ssyncadd.s32 @p1 $0xFFFFD800  }
0x82: {  	[spmem:s6] =	stream.linear.scatter @p1 [tilespmem:s9], [sflag:$0xD], $0x1400, $0x38;
	[tilespmem:$0x1DC80] =	vst v63  }
0x83: {  	_ =	swait.ge @p1 [sflag:s10], $0x1400  }
0x84: {  	[sflag:s10] =	ssyncset.done @p1 $0x0  }
0x85: {  	s9 =	simm.s32 @!p1 $0x13880;
	[sflag:s10] =	ssyncadd.s32 @p1 $0xFFFFEC00;
	s10 =	simm.s32 @!p1 $0xD  }
0x86: {  	[spmem:s5] =	stream.linear.scatter @!p1 [tilespmem:s9], [sflag:$0xD], $0x2800, $0x38;
	[tilespmem:$0x1DC80] =	vst v63  }
0x87: {  	_ =	swait.ge @!p1 [sflag:s10], $0x2800  }
0x88: {  	[sflag:s10] =	ssyncset.done @!p1 $0x0  }
0x89: {  	s6 =	rddreg [dreg:$0x5];
	[sflag:s10] =	ssyncadd.s32 @!p1 $0xFFFFD800  }
0x8a: {  	[spmem:s6] =	stream.linear.scatter @!p1 [tilespmem:s9], [sflag:$0xD], $0x2800, $0x38;
	[tilespmem:$0x1DC80] =	vst v63  }
0x8b: {  	_ =	swait.ge @!p1 [sflag:s10], $0x2800  }
0x8c: {  	[sflag:s10] =	ssyncset.done @!p1 $0x0  }
0x8d: {  	s6 =	rddreg [dreg:$0x6];
	[sflag:s10] =	ssyncadd.s32 @!p1 $0xFFFFD800  }
0x8e: {  	[spmem:s6] =	stream.linear.scatter @!p1 [tilespmem:s9], [sflag:$0xD], $0x2800, $0x38;
	[tilespmem:$0x1DC80] =	vst v63  }
0x8f: {  	_ =	swait.ge @!p1 [sflag:s10], $0x2800  }
0x90: {  	[sflag:s10] =	ssyncset.done @!p1 $0x0  }
0x91: {  	s6 =	rddreg [dreg:$0x7];
	[sflag:s10] =	ssyncadd.s32 @!p1 $0xFFFFD800  }
0x92: {  	[spmem:s6] =	stream.linear.scatter @!p1 [tilespmem:s9], [sflag:$0xD], $0x2800, $0x38;
	[tilespmem:$0x1DC80] =	vst v63  }
0x93: {  	_ =	swait.ge @!p1 [sflag:s10], $0x2800  }
0x94: {  	[sflag:s10] =	ssyncset.done @!p1 $0x0  }
0x95: {  	s6 =	rddreg [dreg:$0x8];
	[sflag:s10] =	ssyncadd.s32 @!p1 $0xFFFFD800  }
0x96: {  	[spmem:s6] =	stream.linear.scatter @!p1 [tilespmem:s9], [sflag:$0xD], $0x2800, $0x38;
	[tilespmem:$0x1DC80] =	vst v63  }
0x97: {  	_ =	swait.ge @!p1 [sflag:s10], $0x2800  }
0x98: {  	[sflag:s10] =	ssyncset.done @!p1 $0x0  }
0x99: {  	s6 =	rddreg [dreg:$0x9];
	[sflag:s10] =	ssyncadd.s32 @!p1 $0xFFFFD800  }
0x9a: {  	[spmem:s6] =	stream.linear.scatter @!p1 [tilespmem:s9], [sflag:$0xD], $0x2800, $0x38;
	[tilespmem:$0x1DC80] =	vst v63  }
0x9b: {  	_ =	swait.ge @!p1 [sflag:s10], $0x2800  }
0x9c: {  	[sflag:s10] =	ssyncset.done @!p1 $0x0  }
0x9d: {  	s6 =	rddreg [dreg:$0xa];
	[sflag:s10] =	ssyncadd.s32 @!p1 $0xFFFFD800  }
0x9e: {  	[spmem:s6] =	stream.linear.scatter @!p1 [tilespmem:s9], [sflag:$0xD], $0x2800, $0x38;
	[tilespmem:$0x1DC80] =	vst v63  }
0x9f: {  	_ =	swait.ge @!p1 [sflag:s10], $0x2800  }
0xa0: {  	[sflag:s10] =	ssyncset.done @!p1 $0x0  }
0xa1: {  	s6 =	rddreg [dreg:$0xc];
	[sflag:s10] =	ssyncadd.s32 @!p1 $0xFFFFD800  }
0xa2: {  	[spmem:s6] =	stream.linear.scatter @!p1 [tilespmem:s9], [sflag:$0xD], $0x2400, $0x38;
	[tilespmem:$0x1DC80] =	vst v63  }
.Ltmp3:
0xa3: {  	_ =	swait.ge @!p1 [sflag:s10], $0x2400;
	(pc) =	sbr.rel @p0 .LBB2_7-.Ltmp3, $4  }
0xa4: {  	s13 =	simm.s32 $0x0;
	[sflag:s10] =	ssyncset.done @!p1 $0x0  }
0xa5: {  	s14 =	simm.s32 $0x3;
	s6 =	stileid.u32;
	[sflag:s10] =	ssyncadd.s32 @!p1 $0xFFFFDC00  }
0xa6: {  	s11 =	sshrl.u32 @p1 s12, $0x3;
	s10 =	sshll.u32 @!p1 s6, $0x6;
	[bflag:$0x0] =	sbarrier.arrive $0xFFFF  }
0xa7: {  	p2 =	por $0x1, $0x1;
	s9 =	sshrl.u32 @!p1 s5, $0x3;
	s10 =	sor.u32 @!p1 $0x1C0D, s10  }
0xa8: {  	s15 =	simm.s32 @!p2 $0x5  }
0xa9: {  	_ =	swait.ge @!p2 [sflag:s15], $0x2800  }
0xaa: {  	[sflag:s15] =	ssyncset.done @!p2 $0x0  }
0xab: {  	s16 =	sadd.s32 $0x0, s20;
	p3 =	por $0x1, $0x1;
	[sflag:s15] =	ssyncadd.s32 @!p2 $0xFFFFD800  }
0xac: {  	[tilespmem:s26], [sflag:$0x9] =	stream.linear.gather [hbm4b:s16+s4], $0x50, $0x38;
	[tilespmem:$0x1DC80] =	vst v63  }
0xad: {  	s6 =	sadd.s32 $0x9C40, s16;
	s15 =	simm.s32 @!p3 $0xC  }
0xae: {  	[tilespmem:s28], [sflag:$0x9] =	stream.linear.gather [hbm4b:s6+s4], $0x50, $0x38;
	[tilespmem:$0x1DC80] =	vst v63  }
0xaf: {  	_ =	swait.ge @!p3 [sflag:s15], $0x50  }
0xb0: {  	[sflag:s15] =	ssyncset.done @!p3 $0x0  }
0xb1: {  	[sflag:s15] =	ssyncadd.s32 @!p3 $0xFFFFFFB0  }
0xb2: {  	_ =	swait.ge @!p3 [sflag:s15], $0x50  }
0xb3: {  	[sflag:s15] =	ssyncset.done @!p3 $0x0  }
0xb4: {  	[sflag:s15] =	ssyncadd.s32 @!p3 $0xFFFFFFB0  }
0xb5: {  	v1 =	vld @!p3 [tilespmem:$0x1DA40]  }
0xb6: {  	v2 =	vld @!p3 [tilespmem:$0x1DA10]  }
0xb7: {  	v3 =	vld @!p3 [tilespmem:$0x1DA20]  }
0xb8: {  	v5 =	vld @!p3 [tilespmem:$0x1DA00]  }
0xb9: {  	v4 =	vld @!p3 [tilespmem:$0x1DA30]  }
0xba: {  	v1 =	vadd.s32 @!p3 $0x2710, v1  }
0xbb: {  	v2 =	vadd.s32 @!p3 $0x2710, v2;
	[tilespmem:$0x1DA40] =	vst @!p3 v1  }
0xbc: {  	[tilespmem:$0x1DA10] =	vst @!p3 v2;
	v1 =	vadd.s32 @!p3 $0x2710, v3  }
0xbd: {  	v2 =	vadd.s32 @!p3 $0x2710, v5;
	[tilespmem:$0x1DA20] =	vst @!p3 v1  }
0xbe: {  	s17 =	simm.s32 @!p3 $0x50;
	v1 =	vadd.s32 @!p3 $0x2710, v4;
	[tilespmem:$0x1DA00] =	vst @!p3 v2  }
0xbf: {  	s18 =	simm.s32 @!p3 $0x1DA00;
	s19 =	simm.s32 @!p3 $0x1B080;
	s15 =	simm.s32 @!p3 $0x3;
	[tilespmem:$0x1DA30] =	vst @!p3 v1  }
0xc0: {  	[tilespmem:s19], [sflag:$0x4] =	stream.indirect.gather @!p3 [hbm4b:s1+s17], $0x80, s18, s17, $0xb8;
	[tilespmem:$0x1DC80] =	vst v63  }
0xc1: {  	_ =	swait.ge @!p3 [sflag:s15], $0x2800  }
0xc2: {  	s25 =	simm.s32 @!p3 $0x18880;
	[sflag:s15] =	ssyncset.done @!p3 $0x0  }
0xc3: {  	s18 =	simm.s32 @!p3 $0x1DB80;
	[sflag:s15] =	ssyncadd.s32 @!p3 $0xFFFFD800;
	s15 =	simm.s32 @!p2 $0x6  }
0xc4: {  	[spmem:s3] =	stream.indirect.scatter.add.f32 @!p3 [tilespmem:s25], [sflag:$0x7], $0x80, s18, s17, $0xb8;
	[tilespmem:$0x1DC80] =	vst v63  }
0xc5: {  	_ =	swait.ge @!p2 [sflag:s15], $0x2800  }
0xc6: {  	[sflag:s15] =	ssyncset.done @!p2 $0x0  }
0xc7: {  	s7 =	sadd.s32 $0xA, s16;
	[sflag:s15] =	ssyncadd.s32 @!p2 $0xFFFFD800  }
0xc8: {  	[tilespmem:s29], [sflag:$0xA] =	stream.linear.gather [hbm4b:s7+s4], $0x50, $0x38;
	[tilespmem:$0x1DC80] =	vst v63  }
0xc9: {  	s25 =	sadd.s32 $0x9C4A, s16  }
0xca: {  	[tilespmem:s30], [sflag:$0xA] =	stream.linear.gather [hbm4b:s25+s4], $0x50, $0x38;
	[tilespmem:$0x1DC80] =	vst v63  }
0xcb: {  	_ =	swait.ge [sflag:s31], $0x50  }
0xcc: {  	[sflag:s31] =	ssyncset.done $0x0  }
0xcd: {  	[sflag:s31] =	ssyncadd.s32 $0xFFFFFFB0  }
0xce: {  	_ =	swait.ge [sflag:s31], $0x50  }
0xcf: {  	[sflag:s31] =	ssyncset.done $0x0  }
0xd0: {  	[sflag:s31] =	ssyncadd.s32 $0xFFFFFFB0  }
0xd1: {  	v1 =	vld [tilespmem:$0x1D8C0]  }
0xd2: {  	v2 =	vld [tilespmem:$0x1D880]  }
0xd3: {  	v3 =	vld [tilespmem:$0x1D890]  }
0xd4: {  	v63 =	vld [tilespmem:$0x1D8A0]  }
0xd5: {  	v62 =	vld [tilespmem:$0x1D8B0]  }
0xd6: {  	v1 =	vadd.s32 $0x2710, v1  }
0xd7: {  	v2 =	vadd.s32 $0x2710, v2;
	[tilespmem:$0x1D8C0] =	vst v1  }
0xd8: {  	[tilespmem:$0x1D880] =	vst v2;
	v1 =	vadd.s32 $0x2710, v3  }
0xd9: {  	v2 =	vadd.s32 $0x2710, v63;
	[tilespmem:$0x1D890] =	vst v1  }
0xda: {  	v1 =	vadd.s32 $0x2710, v62;
	[tilespmem:$0x1D8A0] =	vst v2  }
0xdb: {  	s15 =	simm.s32 @!p3 $0x4;
	[tilespmem:$0x1D8B0] =	vst v1  }
0xdc: {  	[tilespmem:s21], [sflag:$0x1] =	stream.indirect.gather [hbm4b:s1+s0], $0x80, s26, s0, $0xb8;
	[tilespmem:$0x1DC80] =	vst v63  }
0xdd: {  	_ =	swait.ge @!p3 [sflag:s15], $0x2800  }
0xde: {  	[sflag:s15] =	ssyncset.done @!p3 $0x0  }
0xdf: {  	s16 =	simm.s32 @!p2 $0x7;
	[sflag:s15] =	ssyncadd.s32 @!p3 $0xFFFFD800;
	s15 =	simm.s32 @!p3 $0x1DC00  }
0xe0: {  	[spmem:s3] =	stream.indirect.scatter.add.f32 @!p3 [tilespmem:s19], [sflag:$0x8], $0x80, s15, s17, $0xb8;
	[tilespmem:$0x1DC80] =	vst v63  }
0xe1: {  	p4 =	por $0x0, $0x0;
	_ =	swait.ge @!p2 [sflag:s16], $0x2800  }
0xe2: {  	s18 =	simm.s32 @!p4 $0x0;
	s15 =	sadd.s32 @!p4 $0x0, s20;
	[sflag:s16] =	ssyncset.done @!p2 $0x0  }
0xe3: {  	s17 =	simm.s32 @!p4 $0x1D980;
	[sflag:s16] =	ssyncadd.s32 @!p2 $0xFFFFD800;
	s16 =	sadd.s32 @!p4 $0x14, s15  }
0xe4: {  	[tilespmem:s17], [sflag:$0xB] =	stream.linear.gather @!p4 [hbm4b:s16+s18], $0x50, $0x38;
	[tilespmem:$0x1DC80] =	vst v63  }
0xe5: {  	s15 =	sadd.s32 @!p4 $0x9C54, s15;
	s16 =	simm.s32 @!p4 $0x1DB80  }
0xe6: {  	[tilespmem:s16], [sflag:$0xB] =	stream.linear.gather @!p4 [hbm4b:s15+s18], $0x50, $0x38;
	[tilespmem:$0x1DC80] =	vst v63  }
0xe7: {  	_ =	swait.ge [sflag:s22], $0x50  }
0xe8: {  	[sflag:s22] =	ssyncset.done $0x0  }
0xe9: {  	[sflag:s22] =	ssyncadd.s32 $0xFFFFFFB0  }
0xea: {  	_ =	swait.ge [sflag:s22], $0x50  }
0xeb: {  	[sflag:s22] =	ssyncset.done $0x0  }
0xec: {  	[sflag:s22] =	ssyncadd.s32 $0xFFFFFFB0  }
0xed: {  	v2 =	vld [tilespmem:$0x1D900]  }
0xee: {  	s16 =	simm.s32 $0x28;
	s15 =	simm.s32 $0x3;
	v1 =	vld [tilespmem:$0x1D910]  }
.LBB2_5:
0xef: {  	v3 =	vld [tilespmem:$0x1D920];
	s14 =	sadd.s32 $0x4, s14;
	s18 =	smov.u32 s16;
	s16 =	sadd.s32 $0x28, s16  }
0xf0: {  	p3 =	sne.s32 s16, $0x9D8;
	v4 =	vld [tilespmem:$0x1D930]  }
0xf1: {  	v5 =	vld [tilespmem:$0x1D940]  }
0xf2: {  	v2 =	vadd.s32 $0x2710, v2  }
0xf3: {  	[tilespmem:$0x1D900] =	vst v2;
	v1 =	vadd.s32 $0x2710, v1  }
0xf4: {  	[tilespmem:$0x1D910] =	vst v1;
	v1 =	vadd.s32 $0x2710, v3  }
0xf5: {  	[tilespmem:$0x1D920] =	vst v1;
	v1 =	vadd.s32 $0x2710, v4  }
0xf6: {  	[tilespmem:$0x1D930] =	vst v1;
	v1 =	vadd.s32 $0x2710, v5  }
0xf7: {  	[tilespmem:$0x1D940] =	vst v1  }
0xf8: {  	[tilespmem:s23], [sflag:$0x2] =	stream.indirect.gather [hbm4b:s1+s0], $0x80, s29, s0, $0xb8;
	[tilespmem:$0x1DC80] =	vst v63  }
0xf9: {  	_ =	swait.ge [sflag:s24], $0x2800  }
0xfa: {  	[sflag:s24] =	ssyncset.done $0x0  }
0xfb: {  	s19 =	simm.s32 @!p2 $0x8;
	[sflag:s24] =	ssyncadd.s32 $0xFFFFD800  }
0xfc: {  	[spmem:s3] =	stream.indirect.scatter.add.f32 [tilespmem:s21], [sflag:$0x5], $0x80, s28, s0, $0xb8;
	[tilespmem:$0x1DC80] =	vst v63  }
0xfd: {  	p5 =	sgt.u32 s15, $0xF9;
	s15 =	smov.u32 s14;
	_ =	swait.ge @!p2 [sflag:s19], $0x2800  }
0xfe: {  	s13 =	sadd.s32 @!p5 s13, s20;
	s25 =	simm.s32 @!p5 $0x1DA00;
	[sflag:s19] =	ssyncset.done @!p2 $0x0  }
0xff: {  	s6 =	simm.s32 @!p5 $0x0;
	[sflag:s19] =	ssyncadd.s32 @!p2 $0xFFFFD800;
	s19 =	sadd.s32 @!p5 $0x1E, s13  }
0x100: {  	[tilespmem:s25], [sflag:$0xC] =	stream.linear.gather @!p5 [hbm4b:s19+s6], $0x50, $0x38;
	[tilespmem:$0x1DC80] =	vst v63  }
0x101: {  	s13 =	sadd.s32 @!p5 $0x9C5E, s13;
	s19 =	simm.s32 @!p5 $0x1DC00;
	s25 =	simm.s32 @!p4 $0xB  }
0x102: {  	[tilespmem:s19], [sflag:$0xC] =	stream.linear.gather @!p5 [hbm4b:s13+s6], $0x50, $0x38;
	[tilespmem:$0x1DC80] =	vst v63  }
0x103: {  	s13 =	smov.u32 s18;
	_ =	swait.ge @!p4 [sflag:s25], $0x50  }
0x104: {  	[sflag:s25] =	ssyncset.done @!p4 $0x0  }
0x105: {  	[sflag:s25] =	ssyncadd.s32 @!p4 $0xFFFFFFB0  }
0x106: {  	_ =	swait.ge @!p4 [sflag:s25], $0x50  }
0x107: {  	[sflag:s25] =	ssyncset.done @!p4 $0x0  }
0x108: {  	[sflag:s25] =	ssyncadd.s32 @!p4 $0xFFFFFFB0  }
0x109: {  	v1 =	vld @!p4 [tilespmem:$0x1D980]  }
0x10a: {  	v2 =	vld @!p4 [tilespmem:$0x1D990]  }
0x10b: {  	v3 =	vld @!p4 [tilespmem:$0x1D9B0]  }
0x10c: {  	v4 =	vld @!p4 [tilespmem:$0x1D9C0];
	_ =	sdelay $0x1  }
0x10d: {  	v1 =	vadd.s32 @!p4 $0x2710, v1;
	v5 =	vld @!p4 [tilespmem:$0x1D9A0]  }
0x10e: {  	[tilespmem:$0x1D980] =	vst @!p4 v1;
	v1 =	vadd.s32 @!p4 $0x2710, v2  }
0x10f: {  	[tilespmem:$0x1D990] =	vst @!p4 v1;
	v1 =	vadd.s32 @!p4 $0x2710, v3  }
0x110: {  	[tilespmem:$0x1D9B0] =	vst @!p4 v1;
	v1 =	vadd.s32 @!p4 $0x2710, v4  }
0x111: {  	[tilespmem:$0x1D9C0] =	vst @!p4 v1  }
0x112: {  	v1 =	vadd.s32 @!p4 $0x2710, v5  }
0x113: {  	s6 =	simm.s32 @!p4 $0x50;
	s18 =	simm.s32 @!p4 $0x18880;
	[tilespmem:$0x1D9A0] =	vst @!p4 v1  }
0x114: {  	[tilespmem:s18], [sflag:$0x3] =	stream.indirect.gather @!p4 [hbm4b:s1+s6], $0x80, s17, s6, $0xb8;
	[tilespmem:$0x1DC80] =	vst v63  }
0x115: {  	_ =	swait.ge [sflag:s2], $0x2800  }
0x116: {  	p2 =	seq.s32 s13, $0x0;
	[sflag:s2] =	ssyncset.done $0x0  }
0x117: {  	s6 =	simm.s32 @!p2 $0x5;
	[sflag:s2] =	ssyncadd.s32 $0xFFFFD800  }
0x118: {  	[spmem:s3] =	stream.indirect.scatter.add.f32 [tilespmem:s23], [sflag:$0x6], $0x80, s30, s0, $0xb8;
	[tilespmem:$0x1DC80] =	vst v63  }
0x119: {  	_ =	swait.ge @!p2 [sflag:s6], $0x2800  }
0x11a: {  	s19 =	sadd.s32 s13, s20;
	s17 =	sadd.s32 $0xFFFFFFFB, s14;
	[sflag:s6] =	ssyncset.done @!p2 $0x0  }
0x11b: {  	[sflag:s6] =	ssyncadd.s32 @!p2 $0xFFFFD800  }
0x11c: {  	[tilespmem:s26], [sflag:$0x9] =	stream.linear.gather [hbm4b:s19+s4], $0x50, $0x38;
	[tilespmem:$0x1DC80] =	vst v63  }
0x11d: {  	p4 =	sgt.u32 s17, $0xF9;
	s6 =	sadd.s32 $0x9C40, s19  }
0x11e: {  	[tilespmem:s28], [sflag:$0x9] =	stream.linear.gather [hbm4b:s6+s4], $0x50, $0x38;
	[tilespmem:$0x1DC80] =	vst v63  }
0x11f: {  	s6 =	simm.s32 @!p4 $0xC  }
0x120: {  	_ =	swait.ge @!p4 [sflag:s6], $0x50  }
0x121: {  	[sflag:s6] =	ssyncset.done @!p4 $0x0  }
0x122: {  	[sflag:s6] =	ssyncadd.s32 @!p4 $0xFFFFFFB0  }
0x123: {  	_ =	swait.ge @!p4 [sflag:s6], $0x50  }
0x124: {  	[sflag:s6] =	ssyncset.done @!p4 $0x0  }
0x125: {  	[sflag:s6] =	ssyncadd.s32 @!p4 $0xFFFFFFB0  }
0x126: {  	v1 =	vld @!p4 [tilespmem:$0x1DA40]  }
0x127: {  	v2 =	vld @!p4 [tilespmem:$0x1DA10]  }
0x128: {  	v3 =	vld @!p4 [tilespmem:$0x1DA20]  }
0x129: {  	v4 =	vld @!p4 [tilespmem:$0x1DA30]  }
0x12a: {  	v5 =	vld @!p4 [tilespmem:$0x1DA00]  }
0x12b: {  	v1 =	vadd.s32 @!p4 $0x2710, v1  }
0x12c: {  	v2 =	vadd.s32 @!p4 $0x2710, v2;
	[tilespmem:$0x1DA40] =	vst @!p4 v1  }
0x12d: {  	[tilespmem:$0x1DA10] =	vst @!p4 v2;
	v1 =	vadd.s32 @!p4 $0x2710, v3  }
0x12e: {  	s6 =	simm.s32 @!p4 $0x3;
	[tilespmem:$0x1DA20] =	vst @!p4 v1;
	v1 =	vadd.s32 @!p4 $0x2710, v4  }
0x12f: {  	s17 =	simm.s32 @!p4 $0x50;
	s25 =	simm.s32 @!p4 $0x1DA00;
	s18 =	simm.s32 @!p4 $0x1B080;
	v2 =	vadd.s32 @!p4 $0x2710, v5;
	[tilespmem:$0x1DA30] =	vst @!p4 v1  }
0x130: {  	[tilespmem:$0x1DA00] =	vst @!p4 v2  }
0x131: {  	[tilespmem:s18], [sflag:$0x4] =	stream.indirect.gather @!p4 [hbm4b:s1+s17], $0x80, s25, s17, $0xb8;
	[tilespmem:$0x1DC80] =	vst v63  }
0x132: {  	_ =	swait.ge @!p4 [sflag:s6], $0x2800  }
0x133: {  	s7 =	simm.s32 @!p4 $0x18880;
	s25 =	simm.s32 @!p4 $0x1DB80;
	[sflag:s6] =	ssyncset.done @!p4 $0x0  }
0x134: {  	[sflag:s6] =	ssyncadd.s32 @!p4 $0xFFFFD800;
	s6 =	simm.s32 @!p2 $0x6  }
0x135: {  	[spmem:s3] =	stream.indirect.scatter.add.f32 @!p4 [tilespmem:s7], [sflag:$0x7], $0x80, s25, s17, $0xb8;
	[tilespmem:$0x1DC80] =	vst v63  }
0x136: {  	_ =	swait.ge @!p2 [sflag:s6], $0x2800  }
0x137: {  	s7 =	sadd.s32 $0xA, s19;
	[sflag:s6] =	ssyncset.done @!p2 $0x0  }
0x138: {  	[sflag:s6] =	ssyncadd.s32 @!p2 $0xFFFFD800  }
0x139: {  	s6 =	sadd.s32 $0x9C4A, s19  }
0x13a: {  	[tilespmem:s29], [sflag:$0xA] =	stream.linear.gather [hbm4b:s7+s4], $0x50, $0x38;
	[tilespmem:$0x1DC80] =	vst v63  }
0x13b: {  	_ = 	snop  }
0x13c: {  	[tilespmem:s30], [sflag:$0xA] =	stream.linear.gather [hbm4b:s6+s4], $0x50, $0x38;
	[tilespmem:$0x1DC80] =	vst v63  }
0x13d: {  	_ =	swait.ge [sflag:s31], $0x50  }
0x13e: {  	[sflag:s31] =	ssyncset.done $0x0  }
0x13f: {  	[sflag:s31] =	ssyncadd.s32 $0xFFFFFFB0  }
0x140: {  	_ =	swait.ge [sflag:s31], $0x50  }
0x141: {  	[sflag:s31] =	ssyncset.done $0x0  }
0x142: {  	[sflag:s31] =	ssyncadd.s32 $0xFFFFFFB0  }
0x143: {  	v1 =	vld [tilespmem:$0x1D8C0]  }
0x144: {  	v2 =	vld [tilespmem:$0x1D880]  }
0x145: {  	v3 =	vld [tilespmem:$0x1D890]  }
0x146: {  	v4 =	vld [tilespmem:$0x1D8B0]  }
0x147: {  	v5 =	vld [tilespmem:$0x1D8A0]  }
0x148: {  	v1 =	vadd.s32 $0x2710, v1  }
0x149: {  	v2 =	vadd.s32 $0x2710, v2;
	[tilespmem:$0x1D8C0] =	vst v1  }
0x14a: {  	[tilespmem:$0x1D880] =	vst v2;
	v1 =	vadd.s32 $0x2710, v3  }
0x14b: {  	[tilespmem:$0x1D890] =	vst v1;
	v1 =	vadd.s32 $0x2710, v4  }
0x14c: {  	v2 =	vadd.s32 $0x2710, v5;
	[tilespmem:$0x1D8B0] =	vst v1  }
0x14d: {  	s6 =	simm.s32 @!p4 $0x4;
	[tilespmem:$0x1D8A0] =	vst v2  }
0x14e: {  	[tilespmem:s21], [sflag:$0x1] =	stream.indirect.gather [hbm4b:s1+s0], $0x80, s26, s0, $0xb8;
	[tilespmem:$0x1DC80] =	vst v63  }
0x14f: {  	_ =	swait.ge @!p4 [sflag:s6], $0x2800  }
0x150: {  	s7 =	sadd.s32 $0xFFFFFFFF, s14;
	[sflag:s6] =	ssyncset.done @!p4 $0x0  }
0x151: {  	s19 =	simm.s32 @!p2 $0x7;
	[sflag:s6] =	ssyncadd.s32 @!p4 $0xFFFFD800;
	s6 =	simm.s32 @!p4 $0x1DC00  }
0x152: {  	[spmem:s3] =	stream.indirect.scatter.add.f32 @!p4 [tilespmem:s18], [sflag:$0x8], $0x80, s6, s17, $0xb8;
	[tilespmem:$0x1DC80] =	vst v63  }
0x153: {  	p4 =	sgt.u32 s7, $0xF9;
	_ =	swait.ge @!p2 [sflag:s19], $0x2800  }
0x154: {  	s6 =	sadd.s32 @!p4 s13, s20;
	s17 =	simm.s32 @!p4 $0x1D980;
	[sflag:s19] =	ssyncset.done @!p2 $0x0  }
0x155: {  	s18 =	simm.s32 @!p4 $0x0;
	s7 =	sadd.s32 @!p4 $0x14, s6;
	[sflag:s19] =	ssyncadd.s32 @!p2 $0xFFFFD800  }
0x156: {  	[tilespmem:s17], [sflag:$0xB] =	stream.linear.gather @!p4 [hbm4b:s7+s18], $0x50, $0x38;
	[tilespmem:$0x1DC80] =	vst v63  }
0x157: {  	s6 =	sadd.s32 @!p4 $0x9C54, s6;
	s7 =	simm.s32 @!p4 $0x1DB80  }
0x158: {  	[tilespmem:s7], [sflag:$0xB] =	stream.linear.gather @!p4 [hbm4b:s6+s18], $0x50, $0x38;
	[tilespmem:$0x1DC80] =	vst v63  }
0x159: {  	_ =	swait.ge [sflag:s22], $0x50  }
0x15a: {  	[sflag:s22] =	ssyncset.done $0x0  }
0x15b: {  	[sflag:s22] =	ssyncadd.s32 $0xFFFFFFB0  }
.Ltmp4:
0x15c: {  	_ =	swait.ge [sflag:s22], $0x50;
	(pc) =	sbr.rel @p3 .LBB2_5-.Ltmp4, $4  }
0x15d: {  	[sflag:s22] =	ssyncset.done $0x0  }
0x15e: {  	[sflag:s22] =	ssyncadd.s32 $0xFFFFFFB0  }
0x15f: {  	v2 =	vld [tilespmem:$0x1D900]  }
0x160: {  	v1 =	vld [tilespmem:$0x1D910]  }
0x161: {  	v3 =	vld [tilespmem:$0x1D920]  }
0x162: {  	v4 =	vld [tilespmem:$0x1D930]  }
0x163: {  	v5 =	vld [tilespmem:$0x1D940]  }
0x164: {  	v2 =	vadd.s32 $0x2710, v2  }
0x165: {  	[tilespmem:$0x1D900] =	vst v2;
	v1 =	vadd.s32 $0x2710, v1  }
0x166: {  	[tilespmem:$0x1D910] =	vst v1;
	v1 =	vadd.s32 $0x2710, v3  }
0x167: {  	[tilespmem:$0x1D920] =	vst v1;
	v1 =	vadd.s32 $0x2710, v4  }
0x168: {  	[tilespmem:$0x1D930] =	vst v1;
	v1 =	vadd.s32 $0x2710, v5  }
0x169: {  	[tilespmem:$0x1D940] =	vst v1  }
0x16a: {  	[tilespmem:s23], [sflag:$0x2] =	stream.indirect.gather [hbm4b:s1+s0], $0x80, s29, s0, $0xb8;
	[tilespmem:$0x1DC80] =	vst v63  }
0x16b: {  	_ =	swait.ge [sflag:s24], $0x2800  }
0x16c: {  	[sflag:s24] =	ssyncset.done $0x0  }
0x16d: {  	s6 =	simm.s32 @!p2 $0x8;
	[sflag:s24] =	ssyncadd.s32 $0xFFFFD800  }
0x16e: {  	[spmem:s3] =	stream.indirect.scatter.add.f32 [tilespmem:s21], [sflag:$0x5], $0x80, s28, s0, $0xb8;
	[tilespmem:$0x1DC80] =	vst v63  }
0x16f: {  	p3 =	sgt.u32 s15, $0xF9;
	_ =	swait.ge @!p2 [sflag:s6], $0x2800  }
0x170: {  	s7 =	sadd.s32 @!p3 s13, s20;
	s13 =	simm.s32 @!p3 $0x1DA00;
	[sflag:s6] =	ssyncset.done @!p2 $0x0  }
0x171: {  	s14 =	simm.s32 @!p3 $0x0;
	[sflag:s6] =	ssyncadd.s32 @!p2 $0xFFFFD800;
	s6 =	sadd.s32 @!p3 $0x1E, s7  }
0x172: {  	[tilespmem:s13], [sflag:$0xC] =	stream.linear.gather @!p3 [hbm4b:s6+s14], $0x50, $0x38;
	[tilespmem:$0x1DC80] =	vst v63  }
0x173: {  	s6 =	sadd.s32 @!p3 $0x9C5E, s7;
	s7 =	simm.s32 @!p3 $0x1DC00;
	s13 =	simm.s32 @!p4 $0xB  }
0x174: {  	[tilespmem:s7], [sflag:$0xC] =	stream.linear.gather @!p3 [hbm4b:s6+s14], $0x50, $0x38;
	[tilespmem:$0x1DC80] =	vst v63  }
0x175: {  	_ =	swait.ge @!p4 [sflag:s13], $0x50  }
0x176: {  	[sflag:s13] =	ssyncset.done @!p4 $0x0  }
0x177: {  	[sflag:s13] =	ssyncadd.s32 @!p4 $0xFFFFFFB0  }
0x178: {  	_ =	swait.ge @!p4 [sflag:s13], $0x50  }
0x179: {  	[sflag:s13] =	ssyncset.done @!p4 $0x0  }
0x17a: {  	[sflag:s13] =	ssyncadd.s32 @!p4 $0xFFFFFFB0  }
0x17b: {  	v1 =	vld @!p4 [tilespmem:$0x1D980]  }
0x17c: {  	v2 =	vld @!p4 [tilespmem:$0x1D990]  }
0x17d: {  	v3 =	vld @!p4 [tilespmem:$0x1D9B0]  }
0x17e: {  	v4 =	vld @!p4 [tilespmem:$0x1D9C0]  }
0x17f: {  	v5 =	vld @!p4 [tilespmem:$0x1D9A0]  }
0x180: {  	v1 =	vadd.s32 @!p4 $0x2710, v1  }
0x181: {  	[tilespmem:$0x1D980] =	vst @!p4 v1;
	v1 =	vadd.s32 @!p4 $0x2710, v2  }
0x182: {  	[tilespmem:$0x1D990] =	vst @!p4 v1;
	v1 =	vadd.s32 @!p4 $0x2710, v3  }
0x183: {  	[tilespmem:$0x1D9B0] =	vst @!p4 v1;
	v1 =	vadd.s32 @!p4 $0x2710, v4  }
0x184: {  	[tilespmem:$0x1D9C0] =	vst @!p4 v1;
	v1 =	vadd.s32 @!p4 $0x2710, v5  }
0x185: {  	s6 =	simm.s32 @!p4 $0x50;
	s7 =	simm.s32 @!p4 $0x18880;
	[tilespmem:$0x1D9A0] =	vst @!p4 v1  }
0x186: {  	[tilespmem:s7], [sflag:$0x3] =	stream.indirect.gather @!p4 [hbm4b:s1+s6], $0x80, s17, s6, $0xb8;
	[tilespmem:$0x1DC80] =	vst v63  }
0x187: {  	_ =	swait.ge [sflag:s2], $0x2800  }
0x188: {  	[sflag:s2] =	ssyncset.done $0x0  }
0x189: {  	s19 =	simm.s32 $0x5;
	[sflag:s2] =	ssyncadd.s32 $0xFFFFD800  }
0x18a: {  	[spmem:s3] =	stream.indirect.scatter.add.f32 [tilespmem:s23], [sflag:$0x6], $0x80, s30, s0, $0xb8;
	[tilespmem:$0x1DC80] =	vst v63  }
0x18b: {  	_ =	swait.ge [sflag:s19], $0x2800  }
0x18c: {  	[sflag:s19] =	ssyncset.done $0x0  }
0x18d: {  	s25 =	simm.s32 $0x6;
	[sflag:s19] =	ssyncadd.s32 $0xFFFFD800  }
0x18e: {  	_ =	swait.ge [sflag:s25], $0x2800  }
0x18f: {  	[sflag:s25] =	ssyncset.done $0x0  }
0x190: {  	[sflag:s25] =	ssyncadd.s32 $0xFFFFD800  }
0x191: {  	[bflag:$0x0] =	sbarrier.arrive $0xFFFF  }
0x192: {  	s6 =	simm.s32 @p1 $0x1FCD;
	s7 =	rddreg [dreg:$0x15]  }
0x193: {  	[hbm:s7], [sflag:s6] =	dma.local @p1 [spmem:s11], $0x2080  }
0x194: {  	s6 =	simm.s32 @p1 $0xD  }
0x195: {  	_ =	swait.ge @p1 [sflag:s6], $0x2080  }
0x196: {  	[sflag:s6] =	ssyncset.done @p1 $0x0  }
0x197: {  	[sflag:s6] =	ssyncadd.s32 @p1 $0xFFFFDF80;
	s6 =	rddreg [dreg:$0x14]  }
0x198: {  	[hbm:s6], [sflag:s10] =	dma.local @!p1 [spmem:s9], $0x2780  }
.Ltmp5:
0x199: {  	_ = 	snop;
	(pc) =	sbr.rel .LBB2_10-.Ltmp5, $4  }
0x19a: {  	s6 =	simm.s32 @!p1 $0xD  }
0x19b: {  	_ =	swait.ge @!p1 [sflag:s6], $0x2780  }
0x19c: {  	[sflag:s6] =	ssyncset.done @!p1 $0x0  }
0x19d: {  	[sflag:s6] =	ssyncadd.s32 @!p1 $0xFFFFD880  }
.LBB2_7:
0x19e: {  	s6 =	simm.s32 @!p2 $0x5  }
0x19f: {  	_ =	swait.ge @!p2 [sflag:s6], $0x2800  }
0x1a0: {  	s7 =	sadd.s32 $0x0, s20;
	[sflag:s6] =	ssyncset.done @!p2 $0x0  }
0x1a1: {  	p3 =	por $0x1, $0x1;
	s17 =	sadd.s32 $0x13880, s7;
	[sflag:s6] =	ssyncadd.s32 @!p2 $0xFFFFD800  }
0x1a2: {  	[tilespmem:s26], [sflag:$0x9] =	stream.linear.gather [hbm4b:s17+s4], $0x50, $0x38;
	[tilespmem:$0x1DC80] =	vst v63  }
0x1a3: {  	s18 =	sadd.s32 $0x1D4C0, s7;
	s6 =	simm.s32 @!p3 $0xC  }
0x1a4: {  	[tilespmem:s28], [sflag:$0x9] =	stream.linear.gather [hbm4b:s18+s4], $0x50, $0x38;
	[tilespmem:$0x1DC80] =	vst v63  }
0x1a5: {  	_ =	swait.ge @!p3 [sflag:s6], $0x50  }
0x1a6: {  	[sflag:s6] =	ssyncset.done @!p3 $0x0  }
0x1a7: {  	[sflag:s6] =	ssyncadd.s32 @!p3 $0xFFFFFFB0  }
0x1a8: {  	_ =	swait.ge @!p3 [sflag:s6], $0x50  }
0x1a9: {  	[sflag:s6] =	ssyncset.done @!p3 $0x0  }
0x1aa: {  	[sflag:s6] =	ssyncadd.s32 @!p3 $0xFFFFFFB0  }
0x1ab: {  	v1 =	vld @!p3 [tilespmem:$0x1DA40]  }
0x1ac: {  	v2 =	vld @!p3 [tilespmem:$0x1DA20]  }
0x1ad: {  	v3 =	vld @!p3 [tilespmem:$0x1DA00]  }
0x1ae: {  	v4 =	vld @!p3 [tilespmem:$0x1DA30]  }
0x1af: {  	v5 =	vld @!p3 [tilespmem:$0x1DA10]  }
0x1b0: {  	v1 =	vadd.s32 @!p3 $0x4E20, v1  }
0x1b1: {  	[tilespmem:$0x1DA40] =	vst @!p3 v1;
	v1 =	vadd.s32 @!p3 $0x4E20, v2  }
0x1b2: {  	v2 =	vadd.s32 @!p3 $0x4E20, v3;
	[tilespmem:$0x1DA20] =	vst @!p3 v1  }
0x1b3: {  	v1 =	vadd.s32 @!p3 $0x4E20, v4;
	[tilespmem:$0x1DA00] =	vst @!p3 v2  }
0x1b4: {  	s15 =	simm.s32 @!p3 $0x50;
	v2 =	vadd.s32 @!p3 $0x4E20, v5;
	[tilespmem:$0x1DA30] =	vst @!p3 v1  }
0x1b5: {  	s16 =	simm.s32 @!p3 $0x1DA00;
	s17 =	simm.s32 @!p3 $0x1B080;
	s6 =	simm.s32 @!p3 $0x3;
	[tilespmem:$0x1DA10] =	vst @!p3 v2  }
0x1b6: {  	[tilespmem:s17], [sflag:$0x4] =	stream.indirect.gather @!p3 [hbm4b:s1+s15], $0x80, s16, s15, $0xb8;
	[tilespmem:$0x1DC80] =	vst v63  }
0x1b7: {  	_ =	swait.ge @!p3 [sflag:s6], $0x2800  }
0x1b8: {  	s18 =	simm.s32 @!p3 $0x18880;
	[sflag:s6] =	ssyncset.done @!p3 $0x0  }
0x1b9: {  	s16 =	simm.s32 @!p2 $0x6;
	[sflag:s6] =	ssyncadd.s32 @!p3 $0xFFFFD800;
	s6 =	simm.s32 @!p3 $0x1DB80  }
0x1ba: {  	[spmem:s3] =	stream.indirect.scatter.add.f32 @!p3 [tilespmem:s18], [sflag:$0x7], $0x80, s6, s15, $0xb8;
	[tilespmem:$0x1DC80] =	vst v63  }
0x1bb: {  	_ =	swait.ge @!p2 [sflag:s16], $0x2800  }
0x1bc: {  	[sflag:s16] =	ssyncset.done @!p2 $0x0  }
0x1bd: {  	s19 =	sadd.s32 $0x1388A, s7;
	[sflag:s16] =	ssyncadd.s32 @!p2 $0xFFFFD800  }
0x1be: {  	[tilespmem:s29], [sflag:$0xA] =	stream.linear.gather [hbm4b:s19+s4], $0x50, $0x38;
	[tilespmem:$0x1DC80] =	vst v63  }
0x1bf: {  	s25 =	sadd.s32 $0x1D4CA, s7  }
0x1c0: {  	[tilespmem:s30], [sflag:$0xA] =	stream.linear.gather [hbm4b:s25+s4], $0x50, $0x38;
	[tilespmem:$0x1DC80] =	vst v63  }
0x1c1: {  	_ =	swait.ge [sflag:s31], $0x50  }
0x1c2: {  	[sflag:s31] =	ssyncset.done $0x0  }
0x1c3: {  	[sflag:s31] =	ssyncadd.s32 $0xFFFFFFB0  }
0x1c4: {  	_ =	swait.ge [sflag:s31], $0x50  }
0x1c5: {  	[sflag:s31] =	ssyncset.done $0x0  }
0x1c6: {  	[sflag:s31] =	ssyncadd.s32 $0xFFFFFFB0  }
0x1c7: {  	v1 =	vld [tilespmem:$0x1D880]  }
0x1c8: {  	v2 =	vld [tilespmem:$0x1D890]  }
0x1c9: {  	v3 =	vld [tilespmem:$0x1D8A0]  }
0x1ca: {  	v4 =	vld [tilespmem:$0x1D8B0]  }
0x1cb: {  	v5 =	vld [tilespmem:$0x1D8C0]  }
0x1cc: {  	v1 =	vadd.s32 $0x4E20, v1  }
0x1cd: {  	[tilespmem:$0x1D880] =	vst v1;
	v1 =	vadd.s32 $0x4E20, v2  }
0x1ce: {  	[tilespmem:$0x1D890] =	vst v1;
	v1 =	vadd.s32 $0x4E20, v3  }
0x1cf: {  	[tilespmem:$0x1D8A0] =	vst v1;
	v1 =	vadd.s32 $0x4E20, v4  }
0x1d0: {  	[tilespmem:$0x1D8B0] =	vst v1;
	v1 =	vadd.s32 $0x4E20, v5  }
0x1d1: {  	s6 =	simm.s32 @!p3 $0x4;
	[tilespmem:$0x1D8C0] =	vst v1  }
0x1d2: {  	[tilespmem:s21], [sflag:$0x1] =	stream.indirect.gather [hbm4b:s1+s0], $0x80, s26, s0, $0xb8;
	[tilespmem:$0x1DC80] =	vst v63  }
0x1d3: {  	_ =	swait.ge @!p3 [sflag:s6], $0x2800  }
0x1d4: {  	[sflag:s6] =	ssyncset.done @!p3 $0x0  }
0x1d5: {  	s7 =	simm.s32 @!p2 $0x7;
	[sflag:s6] =	ssyncadd.s32 @!p3 $0xFFFFD800;
	s6 =	simm.s32 @!p3 $0x1DC00  }
0x1d6: {  	[spmem:s3] =	stream.indirect.scatter.add.f32 @!p3 [tilespmem:s17], [sflag:$0x8], $0x80, s6, s15, $0xb8;
	[tilespmem:$0x1DC80] =	vst v63  }
0x1d7: {  	p4 =	por $0x0, $0x0;
	_ =	swait.ge @!p2 [sflag:s7], $0x2800  }
0x1d8: {  	s6 =	sadd.s32 @!p4 $0x0, s20;
	s17 =	simm.s32 @!p4 $0x1D980;
	[sflag:s7] =	ssyncset.done @!p2 $0x0  }
0x1d9: {  	s15 =	simm.s32 @!p4 $0x0;
	[sflag:s7] =	ssyncadd.s32 @!p2 $0xFFFFD800;
	s7 =	sadd.s32 @!p4 $0x13894, s6  }
0x1da: {  	[tilespmem:s17], [sflag:$0xB] =	stream.linear.gather @!p4 [hbm4b:s7+s15], $0x50, $0x38;
	[tilespmem:$0x1DC80] =	vst v63  }
0x1db: {  	s6 =	sadd.s32 @!p4 $0x1D4D4, s6;
	s7 =	simm.s32 @!p4 $0x1DB80  }
0x1dc: {  	[tilespmem:s7], [sflag:$0xB] =	stream.linear.gather @!p4 [hbm4b:s6+s15], $0x50, $0x38;
	[tilespmem:$0x1DC80] =	vst v63  }
0x1dd: {  	_ =	swait.ge [sflag:s22], $0x50  }
0x1de: {  	[sflag:s22] =	ssyncset.done $0x0  }
0x1df: {  	[sflag:s22] =	ssyncadd.s32 $0xFFFFFFB0  }
0x1e0: {  	_ =	swait.ge [sflag:s22], $0x50  }
0x1e1: {  	[sflag:s22] =	ssyncset.done $0x0  }
0x1e2: {  	[sflag:s22] =	ssyncadd.s32 $0xFFFFFFB0  }
0x1e3: {  	v4 =	vld [tilespmem:$0x1D900]  }
0x1e4: {  	v3 =	vld [tilespmem:$0x1D910]  }
0x1e5: {  	v1 =	vld [tilespmem:$0x1D930]  }
0x1e6: {  	s16 =	simm.s32 $0x28;
	s15 =	simm.s32 $0x3;
	v2 =	vld [tilespmem:$0x1D920]  }
.LBB2_8:
0x1e7: {  	v5 =	vld [tilespmem:$0x1D940];
	s14 =	sadd.s32 $0x4, s14;
	s6 =	smov.u32 s16;
	s16 =	sadd.s32 $0x28, s16  }
0x1e8: {  	v4 =	vadd.s32 $0x4E20, v4;
	p3 =	sne.s32 s16, $0x9D8  }
0x1e9: {  	v3 =	vadd.s32 $0x4E20, v3;
	[tilespmem:$0x1D900] =	vst v4  }
0x1ea: {  	v1 =	vadd.s32 $0x4E20, v1;
	[tilespmem:$0x1D910] =	vst v3  }
0x1eb: {  	v2 =	vadd.s32 $0x4E20, v2;
	[tilespmem:$0x1D930] =	vst v1  }
0x1ec: {  	[tilespmem:$0x1D920] =	vst v2;
	v1 =	vadd.s32 $0x4E20, v5  }
0x1ed: {  	[tilespmem:$0x1D940] =	vst v1  }
0x1ee: {  	[tilespmem:s23], [sflag:$0x2] =	stream.indirect.gather [hbm4b:s1+s0], $0x80, s29, s0, $0xb8;
	[tilespmem:$0x1DC80] =	vst v63  }
0x1ef: {  	_ =	swait.ge [sflag:s24], $0x2800  }
0x1f0: {  	[sflag:s24] =	ssyncset.done $0x0  }
0x1f1: {  	s7 =	simm.s32 @!p2 $0x8;
	[sflag:s24] =	ssyncadd.s32 $0xFFFFD800  }
0x1f2: {  	[spmem:s3] =	stream.indirect.scatter.add.f32 [tilespmem:s21], [sflag:$0x5], $0x80, s28, s0, $0xb8;
	[tilespmem:$0x1DC80] =	vst v63  }
0x1f3: {  	p5 =	sgt.u32 s15, $0xF9;
	s15 =	smov.u32 s14;
	_ =	swait.ge @!p2 [sflag:s7], $0x2800  }
0x1f4: {  	s13 =	sadd.s32 @!p5 s13, s20;
	s18 =	simm.s32 @!p5 $0x1DA00;
	[sflag:s7] =	ssyncset.done @!p2 $0x0  }
0x1f5: {  	s19 =	simm.s32 @!p5 $0x0;
	[sflag:s7] =	ssyncadd.s32 @!p2 $0xFFFFD800;
	s7 =	sadd.s32 @!p5 $0x1389E, s13  }
0x1f6: {  	[tilespmem:s18], [sflag:$0xC] =	stream.linear.gather @!p5 [hbm4b:s7+s19], $0x50, $0x38;
	[tilespmem:$0x1DC80] =	vst v63  }
0x1f7: {  	s7 =	sadd.s32 @!p5 $0x1D4DE, s13;
	s13 =	simm.s32 @!p5 $0x1DC00;
	s18 =	simm.s32 @!p4 $0xB  }
0x1f8: {  	[tilespmem:s13], [sflag:$0xC] =	stream.linear.gather @!p5 [hbm4b:s7+s19], $0x50, $0x38;
	[tilespmem:$0x1DC80] =	vst v63  }
0x1f9: {  	s13 =	smov.u32 s6;
	_ =	swait.ge @!p4 [sflag:s18], $0x50  }
0x1fa: {  	[sflag:s18] =	ssyncset.done @!p4 $0x0  }
0x1fb: {  	[sflag:s18] =	ssyncadd.s32 @!p4 $0xFFFFFFB0  }
0x1fc: {  	_ =	swait.ge @!p4 [sflag:s18], $0x50  }
0x1fd: {  	[sflag:s18] =	ssyncset.done @!p4 $0x0  }
0x1fe: {  	[sflag:s18] =	ssyncadd.s32 @!p4 $0xFFFFFFB0  }
0x1ff: {  	v1 =	vld @!p4 [tilespmem:$0x1D980]  }
0x200: {  	v2 =	vld @!p4 [tilespmem:$0x1D990]  }
0x201: {  	v3 =	vld @!p4 [tilespmem:$0x1D9A0]  }
0x202: {  	v4 =	vld @!p4 [tilespmem:$0x1D9B0]  }
0x203: {  	v5 =	vld @!p4 [tilespmem:$0x1D9C0]  }
0x204: {  	v1 =	vadd.s32 @!p4 $0x4E20, v1  }
0x205: {  	[tilespmem:$0x1D980] =	vst @!p4 v1;
	v1 =	vadd.s32 @!p4 $0x4E20, v2  }
0x206: {  	[tilespmem:$0x1D990] =	vst @!p4 v1;
	v1 =	vadd.s32 @!p4 $0x4E20, v3  }
0x207: {  	[tilespmem:$0x1D9A0] =	vst @!p4 v1;
	v1 =	vadd.s32 @!p4 $0x4E20, v4  }
0x208: {  	[tilespmem:$0x1D9B0] =	vst @!p4 v1;
	v1 =	vadd.s32 @!p4 $0x4E20, v5  }
0x209: {  	s6 =	simm.s32 @!p4 $0x50;
	s7 =	simm.s32 @!p4 $0x18880;
	[tilespmem:$0x1D9C0] =	vst @!p4 v1  }
0x20a: {  	[tilespmem:s7], [sflag:$0x3] =	stream.indirect.gather @!p4 [hbm4b:s1+s6], $0x80, s17, s6, $0xb8;
	[tilespmem:$0x1DC80] =	vst v63  }
0x20b: {  	_ =	swait.ge [sflag:s2], $0x2800  }
0x20c: {  	p2 =	seq.s32 s13, $0x0;
	[sflag:s2] =	ssyncset.done $0x0  }
0x20d: {  	s6 =	simm.s32 @!p2 $0x5;
	[sflag:s2] =	ssyncadd.s32 $0xFFFFD800  }
0x20e: {  	[spmem:s3] =	stream.indirect.scatter.add.f32 [tilespmem:s23], [sflag:$0x6], $0x80, s30, s0, $0xb8;
	[tilespmem:$0x1DC80] =	vst v63  }
0x20f: {  	_ =	swait.ge @!p2 [sflag:s6], $0x2800  }
0x210: {  	s17 =	sadd.s32 s13, s20;
	[sflag:s6] =	ssyncset.done @!p2 $0x0  }
0x211: {  	s7 =	sadd.s32 $0xFFFFFFFB, s14;
	[sflag:s6] =	ssyncadd.s32 @!p2 $0xFFFFD800;
	s6 =	sadd.s32 $0x13880, s17  }
0x212: {  	[tilespmem:s26], [sflag:$0x9] =	stream.linear.gather [hbm4b:s6+s4], $0x50, $0x38;
	[tilespmem:$0x1DC80] =	vst v63  }
0x213: {  	p4 =	sgt.u32 s7, $0xF9;
	s6 =	sadd.s32 $0x1D4C0, s17  }
0x214: {  	[tilespmem:s28], [sflag:$0x9] =	stream.linear.gather [hbm4b:s6+s4], $0x50, $0x38;
	[tilespmem:$0x1DC80] =	vst v63  }
0x215: {  	s6 =	simm.s32 @!p4 $0xC  }
0x216: {  	_ =	swait.ge @!p4 [sflag:s6], $0x50  }
0x217: {  	[sflag:s6] =	ssyncset.done @!p4 $0x0  }
0x218: {  	[sflag:s6] =	ssyncadd.s32 @!p4 $0xFFFFFFB0  }
0x219: {  	_ =	swait.ge @!p4 [sflag:s6], $0x50  }
0x21a: {  	[sflag:s6] =	ssyncset.done @!p4 $0x0  }
0x21b: {  	[sflag:s6] =	ssyncadd.s32 @!p4 $0xFFFFFFB0  }
0x21c: {  	v1 =	vld @!p4 [tilespmem:$0x1DA40]  }
0x21d: {  	v2 =	vld @!p4 [tilespmem:$0x1DA20]  }
0x21e: {  	v3 =	vld @!p4 [tilespmem:$0x1DA00]  }
0x21f: {  	v4 =	vld @!p4 [tilespmem:$0x1DA30]  }
0x220: {  	v5 =	vld @!p4 [tilespmem:$0x1DA10]  }
0x221: {  	v1 =	vadd.s32 @!p4 $0x4E20, v1  }
0x222: {  	[tilespmem:$0x1DA40] =	vst @!p4 v1  }
0x223: {  	v2 =	vadd.s32 @!p4 $0x4E20, v2;
	v1 =	vadd.s32 @!p4 $0x4E20, v3  }
0x224: {  	[tilespmem:$0x1DA20] =	vst @!p4 v2;
	v2 =	vadd.s32 @!p4 $0x4E20, v4  }
0x225: {  	[tilespmem:$0x1DA00] =	vst @!p4 v1;
	v1 =	vadd.s32 @!p4 $0x4E20, v5  }
0x226: {  	[tilespmem:$0x1DA30] =	vst @!p4 v2  }
0x227: {  	s6 =	simm.s32 @!p4 $0x3  }
0x228: {  	s18 =	simm.s32 @!p4 $0x50;
	s7 =	simm.s32 @!p4 $0x1DA00;
	s19 =	simm.s32 @!p4 $0x1B080;
	[tilespmem:$0x1DA10] =	vst @!p4 v1  }
0x229: {  	[tilespmem:s19], [sflag:$0x4] =	stream.indirect.gather @!p4 [hbm4b:s1+s18], $0x80, s7, s18, $0xb8;
	[tilespmem:$0x1DC80] =	vst v63  }
0x22a: {  	_ =	swait.ge @!p4 [sflag:s6], $0x2800  }
0x22b: {  	s7 =	simm.s32 @!p2 $0x6;
	[sflag:s6] =	ssyncset.done @!p4 $0x0  }
0x22c: {  	s25 =	simm.s32 @!p4 $0x18880;
	[sflag:s6] =	ssyncadd.s32 @!p4 $0xFFFFD800;
	s6 =	simm.s32 @!p4 $0x1DB80  }
0x22d: {  	[spmem:s3] =	stream.indirect.scatter.add.f32 @!p4 [tilespmem:s25], [sflag:$0x7], $0x80, s6, s18, $0xb8;
	[tilespmem:$0x1DC80] =	vst v63  }
0x22e: {  	_ =	swait.ge @!p2 [sflag:s7], $0x2800  }
0x22f: {  	[sflag:s7] =	ssyncset.done @!p2 $0x0  }
0x230: {  	s6 =	sadd.s32 $0x1388A, s17;
	[sflag:s7] =	ssyncadd.s32 @!p2 $0xFFFFD800  }
0x231: {  	[tilespmem:s29], [sflag:$0xA] =	stream.linear.gather [hbm4b:s6+s4], $0x50, $0x38;
	[tilespmem:$0x1DC80] =	vst v63  }
0x232: {  	s6 =	sadd.s32 $0x1D4CA, s17  }
0x233: {  	[tilespmem:s30], [sflag:$0xA] =	stream.linear.gather [hbm4b:s6+s4], $0x50, $0x38;
	[tilespmem:$0x1DC80] =	vst v63  }
0x234: {  	_ =	swait.ge [sflag:s31], $0x50  }
0x235: {  	[sflag:s31] =	ssyncset.done $0x0  }
0x236: {  	[sflag:s31] =	ssyncadd.s32 $0xFFFFFFB0  }
0x237: {  	_ =	swait.ge [sflag:s31], $0x50  }
0x238: {  	[sflag:s31] =	ssyncset.done $0x0  }
0x239: {  	[sflag:s31] =	ssyncadd.s32 $0xFFFFFFB0  }
0x23a: {  	v1 =	vld [tilespmem:$0x1D880]  }
0x23b: {  	v2 =	vld [tilespmem:$0x1D890]  }
0x23c: {  	v3 =	vld [tilespmem:$0x1D8A0]  }
0x23d: {  	v4 =	vld [tilespmem:$0x1D8B0]  }
0x23e: {  	v5 =	vld [tilespmem:$0x1D8C0]  }
0x23f: {  	v1 =	vadd.s32 $0x4E20, v1  }
0x240: {  	[tilespmem:$0x1D880] =	vst v1;
	v1 =	vadd.s32 $0x4E20, v2  }
0x241: {  	[tilespmem:$0x1D890] =	vst v1;
	v1 =	vadd.s32 $0x4E20, v3  }
0x242: {  	[tilespmem:$0x1D8A0] =	vst v1;
	v1 =	vadd.s32 $0x4E20, v4  }
0x243: {  	[tilespmem:$0x1D8B0] =	vst v1;
	v1 =	vadd.s32 $0x4E20, v5  }
0x244: {  	s6 =	simm.s32 @!p4 $0x4;
	[tilespmem:$0x1D8C0] =	vst v1  }
0x245: {  	[tilespmem:s21], [sflag:$0x1] =	stream.indirect.gather [hbm4b:s1+s0], $0x80, s26, s0, $0xb8;
	[tilespmem:$0x1DC80] =	vst v63  }
0x246: {  	_ =	swait.ge @!p4 [sflag:s6], $0x2800  }
0x247: {  	s7 =	sadd.s32 $0xFFFFFFFF, s14;
	[sflag:s6] =	ssyncset.done @!p4 $0x0  }
0x248: {  	s25 =	simm.s32 @!p2 $0x7;
	[sflag:s6] =	ssyncadd.s32 @!p4 $0xFFFFD800;
	s6 =	simm.s32 @!p4 $0x1DC00  }
0x249: {  	[spmem:s3] =	stream.indirect.scatter.add.f32 @!p4 [tilespmem:s19], [sflag:$0x8], $0x80, s6, s18, $0xb8;
	[tilespmem:$0x1DC80] =	vst v63  }
0x24a: {  	p4 =	sgt.u32 s7, $0xF9;
	_ =	swait.ge @!p2 [sflag:s25], $0x2800  }
0x24b: {  	s6 =	sadd.s32 @!p4 s13, s20;
	s17 =	simm.s32 @!p4 $0x1D980;
	[sflag:s25] =	ssyncset.done @!p2 $0x0  }
0x24c: {  	s18 =	simm.s32 @!p4 $0x0;
	s7 =	sadd.s32 @!p4 $0x13894, s6;
	[sflag:s25] =	ssyncadd.s32 @!p2 $0xFFFFD800  }
0x24d: {  	[tilespmem:s17], [sflag:$0xB] =	stream.linear.gather @!p4 [hbm4b:s7+s18], $0x50, $0x38;
	[tilespmem:$0x1DC80] =	vst v63  }
0x24e: {  	s6 =	sadd.s32 @!p4 $0x1D4D4, s6;
	s7 =	simm.s32 @!p4 $0x1DB80  }
0x24f: {  	[tilespmem:s7], [sflag:$0xB] =	stream.linear.gather @!p4 [hbm4b:s6+s18], $0x50, $0x38;
	[tilespmem:$0x1DC80] =	vst v63  }
0x250: {  	_ =	swait.ge [sflag:s22], $0x50  }
0x251: {  	[sflag:s22] =	ssyncset.done $0x0  }
0x252: {  	[sflag:s22] =	ssyncadd.s32 $0xFFFFFFB0  }
0x253: {  	_ =	swait.ge [sflag:s22], $0x50  }
0x254: {  	[sflag:s22] =	ssyncset.done $0x0  }
.Ltmp6:
0x255: {  	[sflag:s22] =	ssyncadd.s32 $0xFFFFFFB0;
	(pc) =	sbr.rel @p3 .LBB2_8-.Ltmp6, $4  }
0x256: {  	v4 =	vld [tilespmem:$0x1D900]  }
0x257: {  	v3 =	vld [tilespmem:$0x1D910]  }
0x258: {  	v1 =	vld [tilespmem:$0x1D930]  }
0x259: {  	v2 =	vld [tilespmem:$0x1D920]  }
.Ltmp7:
0x25a: {  	_ = 	snop;
	(pc) =	sbr.rel .LBB2_9-.Ltmp7, $1  }
0x25b: {  	_ =	sdelay $0x3  }
.LBB2_11:
0x25c: {  	_ =	sfence.sel $0x180000  }
0x25d: {  	[bflag:$0x0] =	sbarrier.arrive $0xFFFF  }
0x25e: {  	_ =	strace $0x90000047  }
0x25f: {  	s0 =	stileid.u32;
	[bflag:$0x2] =	sbarrier.arrive $0xFFFF  }
0x260: {  	p0 =	sne.s32 s0, $0x0;
	s0 =	rddreg [dreg:$0x4]  }
0x261: {  	s0 =	sadd.s32 @!p0 $0x100000, s0  }
0x262: {  	[sflag:s0] =	ssyncadd.tile.s32 @!p0 $0x1;
	_ =	shalt  }
.Lfunc_end2:
_tile_overlayer_lowered:
.L_overlay_start_2:
0x263: {  	(tag) =	ssettag $0x2  }
0x264: {  	s0 =	rddreg [dreg:$0x0];
	s2 =	stileid.u32  }
0x265: {  	s1 =	rddreg [dreg:$0x1];
	p0 =	sne.s32 s2, $0x0  }
0x266: {  	s3 =	rddreg [dreg:$0x2];
	[bflag:$0x3] =	sbarrier.arrive $0xFFFF;
	s2 =	simm.s32 @!p0 $0x1C0D  }
0x267: {  	[timem:s3], [sflag:s2] =	dma.local @!p0 [hbm:s0], s1  }
0x268: {  	s0 =	simm.s32 @!p0 $0xD  }
0x269: {  	_ =	swait.ge @!p0 [sflag:s0], s1  }
0x26a: {  	s1 =	ssub.s32 @!p0 $0x0, s1;
	[sflag:s0] =	ssyncset.done @!p0 $0x0  }
0x26b: {  	[sflag:s0] =	ssyncadd.s32 @!p0 s1  }
0x26c: {  	[bflag:$0x3] =	sbarrier.arrive $0xFFFF  }
0x26d: {  	_ =	shalt  }

</sc_bundles>
